<compile_context>
chip_gen: v7x
topology: tpu7x:2x2x1
jax: 0.10.2.dev20260603
libtpu: 0.0.44.dev20260713+nightly
codegen_flags: <defaults>
</compile_context>

<pallas_src>
import dataclasses
import functools

import jax
import jax.numpy as jnp
from jax import lax
from jax.experimental import pallas as pl
from jax.experimental.pallas import tpu as pltpu
from jax.experimental.pallas import tpu_sc as plsc

N = 10000
FE = 128
NC = 2
NS = 16
NW = NC * NS
L = 16
CH = 128
CPT = 80
KB = 4
EPT = CH * CPT
E_PAD = EPT * NW
N_PAD = 10112
RPT = N_PAD // NS
ZR = 79

_mesh = plsc.VectorSubcoreMesh(core_axis_name="c", subcore_axis_name="s")

_sc_params = pltpu.CompilerParams()
if "needs_layout_passes" in pltpu.CompilerParams.__dataclass_fields__:
    _sc_params = dataclasses.replace(_sc_params, needs_layout_passes=False)


@functools.partial(
    pl.kernel,
    out_type=jax.ShapeDtypeStruct((NW, N_PAD), jnp.float32),
    mesh=_mesh,
    scratch_types=[
        pltpu.VMEM((N_PAD,), jnp.float32),
        pltpu.VMEM((CPT, CH), jnp.int32),
    ],
    compiler_params=_sc_params,
)
def _sc_degree(dst_hbm, out_hbm, acc_v, idx_v):
    c = lax.axis_index("c")
    s = lax.axis_index("s")
    wid = s * NC + c
    z16 = jnp.zeros((L,), jnp.float32)

    @pl.loop(0, N_PAD, step=L)
    def _(i):
        acc_v[pl.ds(i, L)] = z16

    pltpu.sync_copy(dst_hbm.at[pl.ds(wid * CPT, CPT)], idx_v)
    ones = jnp.ones((L,), jnp.float32)

    @pl.loop(0, CPT)
    def _(r):
        @pl.loop(0, CH, step=L)
        def _(i):
            plsc.addupdate_scatter(acc_v, [idx_v[r, pl.ds(i, L)]], ones)

    pltpu.sync_copy(acc_v, out_hbm.at[wid])


@functools.partial(
    pl.kernel,
    out_type=jax.ShapeDtypeStruct((NC, N_PAD, FE), jnp.float32),
    mesh=_mesh,
    scratch_types=[
        pltpu.VMEM((2, 2, CH), jnp.int32),
        pltpu.VMEM((2, CH, FE), jnp.float32),
        pltpu.VMEM_SHARED((N_PAD, FE), jnp.float32),
        [pltpu.SemaphoreType.DMA] * 2,
        [pltpu.SemaphoreType.DMA] * 2,
    ],
)
def _sc_round(eidx_hbm, g_hbm, out_hbm, idxb, rows, acc_sh, isems, gsems):
    c = lax.axis_index("c")
    s = lax.axis_index("s")
    wid = s * NC + c
    base = wid * CPT
    z16 = jnp.zeros((L,), jnp.float32)

    @pl.loop(0, CH)
    def _(r):
        @pl.loop(0, FE, step=L)
        def _(f):
            rows[0, r, pl.ds(f, L)] = z16

    for k in range(RPT // CH):
        pltpu.sync_copy(rows.at[0], acc_sh.at[pl.ds(s * RPT + k * CH, CH)])
    if RPT % CH:
        pltpu.sync_copy(rows.at[0, pl.ds(0, RPT % CH)],
                        acc_sh.at[pl.ds(s * RPT + (RPT // CH) * CH,
                                        RPT % CH)])

    pltpu.sync_copy(eidx_hbm.at[base], idxb.at[0])
    pltpu.async_copy(g_hbm.at[idxb.at[0, 0]], rows.at[0], gsems[0])
    pltpu.async_copy(eidx_hbm.at[base + 1], idxb.at[1], isems[1])
    plsc.subcore_barrier()

    @pl.loop(0, CPT, step=2)
    def _(ch0):
        for j in range(2):
            cc = ch0 + j
            nj = 1 - j
            pltpu.make_async_copy(eidx_hbm.at[base + cc + 1], idxb.at[nj],
                                  isems[nj]).wait()
            pltpu.async_copy(g_hbm.at[idxb.at[nj, 0]], rows.at[nj], gsems[nj])
            pltpu.make_async_copy(g_hbm.at[idxb.at[j, 0]], rows.at[j],
                                  gsems[j]).wait()
            pltpu.sync_copy(rows.at[j], acc_sh.at[idxb.at[j, 1]], add=True)
            pltpu.async_copy(eidx_hbm.at[base + cc + 2], idxb.at[j], isems[j])

    pltpu.make_async_copy(g_hbm.at[idxb.at[0, 0]], rows.at[0],
                          gsems[0]).wait()
    pltpu.make_async_copy(eidx_hbm.at[base + CPT + 1], idxb.at[1],
                          isems[1]).wait()

    plsc.subcore_barrier()
    pltpu.sync_copy(acc_sh.at[pl.ds(s * RPT, RPT)],
                    out_hbm.at[c, pl.ds(s * RPT, RPT)])


def _tc_proj_body(deg_ref, x_ref, win_ref, bin_ref, isd_ref, g_ref):
    deg = jnp.sum(deg_ref[...][:, :N], axis=0)
    isd = lax.rsqrt(deg + 1.0)
    isd_ref[...] = isd[:, None]
    h = jnp.maximum(
        jnp.dot(x_ref[...], win_ref[...], preferred_element_type=jnp.float32)
        + bin_ref[...], 0.0)
    g_ref[...] = h * isd[:, None]


def _tc_round_body(s_ref, isd_ref, w_ref, b_ref, g_ref):
    isd = isd_ref[...]
    agg = (s_ref[0, :N, :] + s_ref[1, :N, :]) * isd
    h = jnp.maximum(
        jnp.dot(agg, w_ref[...], preferred_element_type=jnp.float32)
        + b_ref[...], 0.0)
    g_ref[...] = h * isd


def _tc_final_body(s_ref, isd_ref, wp_ref, bp_ref, dt_ref, wt1_ref, bt1_ref,
                   wt2_ref, bt2_ref, w1a_ref, w1b_ref, b1_ref, w2_ref, b2_ref,
                   mu_ref, ls_ref, lam_ref, h_ref):
    isd = isd_ref[...]
    agg = (s_ref[0, :N, :] + s_ref[1, :N, :]) * isd
    hl = jnp.maximum(
        jnp.dot(agg, wp_ref[...], preferred_element_type=jnp.float32)
        + bp_ref[...], 0.0)
    h_ref[...] = hl
    e = jnp.maximum(dt_ref[...] * wt1_ref[...] + bt1_ref[...], 0.0)
    me = jnp.mean(e, axis=0, keepdims=True)
    ht = jnp.tanh(
        jnp.dot(me, wt2_ref[...], preferred_element_type=jnp.float32)
        + bt2_ref[...])
    const = jnp.dot(ht, w1b_ref[...], preferred_element_type=jnp.float32) \
        + b1_ref[...]
    hidden = jnp.maximum(
        jnp.dot(hl, w1a_ref[...], preferred_element_type=jnp.float32)
        + const, 0.0)
    out = jnp.dot(hidden, w2_ref[...], preferred_element_type=jnp.float32) \
        + b2_ref[...]
    mu = out[:, 0:1]
    ls2 = out[:, 1:2]
    mu_ref[...] = mu
    ls_ref[...] = ls2
    lam_ref[...] = jnp.exp(mu + 0.5 * jnp.exp(2.0 * ls2))


_tc_proj = pl.pallas_call(
    _tc_proj_body,
    out_shape=[
        jax.ShapeDtypeStruct((N, 1), jnp.float32),
        jax.ShapeDtypeStruct((N, FE), jnp.float32),
    ],
)

_tc_round = pl.pallas_call(
    _tc_round_body,
    out_shape=jax.ShapeDtypeStruct((N, FE), jnp.float32),
)

_tc_final = pl.pallas_call(
    _tc_final_body,
    out_shape=[
        jax.ShapeDtypeStruct((N, 1), jnp.float32),
        jax.ShapeDtypeStruct((N, 1), jnp.float32),
        jax.ShapeDtypeStruct((N, 1), jnp.float32),
        jax.ShapeDtypeStruct((N, FE), jnp.float32),
    ],
)


def kernel(X_snapshots, edge_index, dt_history, W_in, b_in, W_prop, b_prop,
           Wt1, bt1, Wt2, bt2, W1, b1, W2, b2):
    X = X_snapshots[-1]
    src = edge_index[0].astype(jnp.int32)
    dst = edge_index[1].astype(jnp.int32)
    npad = E_PAD - src.shape[0]
    src_pad = jnp.concatenate(
        [src, jnp.zeros((npad,), jnp.int32)]).reshape(E_PAD // CH, CH)
    dst_pad = jnp.concatenate(
        [dst, jnp.full((npad,), N, jnp.int32)]).reshape(E_PAD // CH, CH)
    eidx = jnp.concatenate(
        [jnp.stack([src_pad, dst_pad], axis=1),
         jnp.zeros((2, 2, CH), jnp.int32)], axis=0)

    deg_parts = _sc_degree(dst_pad)
    isd, G = _tc_proj(deg_parts, X, W_in, b_in.reshape(1, FE))

    for _ in range(2):
        S = _sc_round(eidx, G)
        G = _tc_round(S, isd, W_prop, b_prop.reshape(1, FE))
    S = _sc_round(eidx, G)

    w2p = jnp.pad(W2, ((0, 0), (0, FE - W2.shape[1])))
    b2p = jnp.pad(b2, (0, FE - b2.shape[0])).reshape(1, FE)
    mu, ls, lam, h_last = _tc_final(
        S, isd, W_prop, b_prop.reshape(1, FE),
        dt_history.reshape(-1, 1), Wt1, bt1.reshape(1, -1), Wt2,
        bt2.reshape(1, -1), W1[:FE, :], W1[FE:, :], b1.reshape(1, -1),
        w2p, b2p)
    return mu[:, 0], ls[:, 0], lam[:, 0], h_last

# --- scband reference (transcript-rebuilt; emitter-appended) ---
"""Pipeline reference for scband-gctppstruct-14491219657420 (READ-ONLY COPY).

The authoritative reference and input builder live on the scoring server;
editing this copy changes nothing except your own understanding.
"""

import jax, jax.numpy as jnp
import numpy as np

N = 10000
E = 320000
T = 4
F_IN = 128
GH = 128
TH = 64
K = 3
FUSION = GH + TH
L_HIST = 64


def setup_inputs(seed: int = 0) -> dict:
    key = jax.random.key(seed)
    ks = jax.random.split(key, 16)
    s = 0.05
    X_snapshots = jax.random.normal(ks[0], (T, N, F_IN), dtype=jnp.float32)
    edge_index = jax.random.randint(ks[1], (2, E), 0, N).astype(jnp.int32)
    dt_history = jax.random.uniform(ks[2], (L_HIST,), dtype=jnp.float32)
    return {
        "X_snapshots": X_snapshots,
        "edge_index": edge_index,
        "dt_history": dt_history,
        "W_in": jax.random.normal(ks[3], (F_IN, GH), dtype=jnp.float32) * s,
        "b_in": jnp.zeros((GH,), jnp.float32),
        "W_prop": jax.random.normal(ks[4], (GH, GH), dtype=jnp.float32) * s,
        "b_prop": jnp.zeros((GH,), jnp.float32),
        "Wt1": jax.random.normal(ks[5], (1, TH), dtype=jnp.float32) * s,
        "bt1": jnp.zeros((TH,), jnp.float32),
        "Wt2": jax.random.normal(ks[6], (TH, TH), dtype=jnp.float32) * s,
        "bt2": jnp.zeros((TH,), jnp.float32),
        "W1": jax.random.normal(ks[7], (FUSION, FUSION), dtype=jnp.float32) * s,
        "b1": jnp.zeros((FUSION,), jnp.float32),
        "W2": jax.random.normal(ks[8], (FUSION, 2), dtype=jnp.float32) * s,
        "b2": jnp.zeros((2,), jnp.float32),
    }


def reference(X_snapshots, edge_index, dt_history, W_in, b_in, W_prop, b_prop,
              Wt1, bt1, Wt2, bt2, W1, b1, W2, b2):
    src = edge_index[0]
    dst = edge_index[1]
    n = X_snapshots.shape[1]
    # symmetric GCN-style edge normalization
    deg = jnp.zeros((n,), jnp.float32).at[dst].add(1.0)
    norm = 1.0 / (jnp.sqrt(deg[src] + 1.0) * jnp.sqrt(deg[dst] + 1.0))

    def encode(X):
        # GraphEncoder: input proj + K rounds of normalized scatter-add message passing
        H = jax.nn.relu(X @ W_in + b_in)
        for _ in range(K):
            msg = H[src] * norm[:, None]
            agg = jnp.zeros_like(H).at[dst].add(msg)
            H = jax.nn.relu(agg @ W_prop + b_prop)
        return H

    H_all = jnp.stack([encode(X_snapshots[t]) for t in range(X_snapshots.shape[0])], axis=0)
    H_last = H_all[-1]
    # TimeEncoder: per-event embedding, mean-pool over history, output proj
    e = jax.nn.relu(dt_history[:, None] @ Wt1 + bt1)
    h_t = jnp.tanh(jnp.mean(e, axis=0) @ Wt2 + bt2)
    h_rep = jnp.broadcast_to(h_t[None, :], (n, h_t.shape[0]))
    z_nodes = jnp.concatenate([H_last, h_rep], axis=-1)
    # node_mlp (dropout inactive at inference)
    hidden = jax.nn.relu(z_nodes @ W1 + b1)
    out = hidden @ W2 + b2
    mu_nodes = out[:, 0]
    log_sigma_nodes = out[:, 1]
    lambda_nodes = jnp.exp(mu_nodes + 0.5 * jnp.exp(2.0 * log_sigma_nodes))
    return (mu_nodes, log_sigma_nodes, lambda_nodes, H_last)

if __name__ == "__main__":
    import jax
    _d = setup_inputs()
    print(jax.jit(kernel)(*tuple(_d.values())))

</pallas_src>

<mosaic_0001>
#map = affine_map<(d0, d1) -> (0, 0)>
module attributes {stable_mosaic.version = 14 : i64} {
  func.func @_sc_degree(%arg0: i32, %arg1: i32, %arg2: memref<2560x128xi32, #tpu.memory_space<hbm>>, %arg3: memref<32x10112xf32, #tpu.memory_space<hbm>>, %arg4: memref<10112xf32, #tpu.memory_space<vmem>>, %arg5: memref<80x128xi32, #tpu.memory_space<vmem>>) attributes {dimension_semantics = [#tpu.dimension_semantics<core_parallel>, #tpu.dimension_semantics<subcore_parallel>], iteration_bounds = array<i64: 2, 16>, scalar_prefetch = 0 : i64, scratch_operands = 2 : i64, tpu.core_type = #tpu.core_type<sc_vector_subcore>, window_params = [{transform_indices = #map}, {transform_indices = #map}]} {
    %mul3A = arith.constant 2 : i32
    %mul3A_0 = arith.muli %arg1, %mul3A : i32
    %add3A = arith.addi %mul3A_0, %arg0 : i32
    %broadcast_in_dim3A = arith.constant 0.000000e+00 : f32
    %broadcast_in_dim3A_1 = vector.broadcast %broadcast_in_dim3A : f32 to vector<16xf32>
    %scan3A = arith.constant 0 : i32
    %scan3A_2 = arith.constant 632 : i32
    %scan3A_3 = arith.addi %scan3A, %scan3A_2 : i32
    %scan3A_4 = arith.constant 1 : i32
    scf.for %scan3A_15 = %scan3A to %scan3A_3 step %scan3A_4  : i32 {
      %mul3A_16 = arith.constant 16 : i32
      %mul3A_17 = arith.muli %scan3A_15, %mul3A_16 : i32
      %add3A_18 = arith.constant 0 : i32
      %add3A_19 = arith.addi %add3A_18, %mul3A_17 : i32
      %swap3A = arith.index_cast %add3A_19 : i32 to index
      %swap3A_20 = tpu.vector_load %arg4[%swap3A] {strides = array<i32>} : memref<10112xf32, #tpu.memory_space<vmem>>, vector<16xf32>,
      tpu.vector_store %arg4[%swap3A], %broadcast_in_dim3A_1 {strides = array<i32>} : memref<10112xf32, #tpu.memory_space<vmem>>, vector<16xf32>,
    }
    %scan3A_5 = arith.constant 632 : i32
    %mul3A_6 = arith.constant 80 : i32
    %mul3A_7 = arith.muli %add3A, %mul3A_6 : i32
    "tpu.region"() ({
      %run_scoped3A = tpu.sem_alloc : memref<!tpu.dma_semaphore, #tpu.memory_space<semaphore_mem>>
      %dma_start3A = arith.constant 0 : i32
      %dma_start3A_15 = tpu.memref_slice %arg2[%mul3A_7, %dma_start3A] : memref<2560x128xi32, #tpu.memory_space<hbm>> -> memref<80x128xi32, #tpu.memory_space<hbm>>
      %dma_start3A_16 = arith.constant 0 : i32
      %dma_start3A_17 = tpu.memref_slice %arg2[%mul3A_7, %dma_start3A_16] : memref<2560x128xi32, #tpu.memory_space<hbm>> -> memref<80x128xi32, #tpu.memory_space<hbm>>
      tpu.enqueue_dma source(%dma_start3A_17 : memref<80x128xi32, #tpu.memory_space<hbm>>) target(%arg5 : memref<80x128xi32, #tpu.memory_space<vmem>>) target_semaphore(%run_scoped3A : memref<!tpu.dma_semaphore, #tpu.memory_space<semaphore_mem>>)
      %dma_wait3A = arith.constant 0 : i32
      %dma_wait3A_18 = tpu.memref_slice %arg2[%mul3A_7, %dma_wait3A] : memref<2560x128xi32, #tpu.memory_space<hbm>> -> memref<80x128xi32, #tpu.memory_space<hbm>>
      %dma_wait3A_19 = arith.constant 0 : i32
      %dma_wait3A_20 = tpu.memref_slice %arg2[%mul3A_7, %dma_wait3A_19] : memref<2560x128xi32, #tpu.memory_space<hbm>> -> memref<80x128xi32, #tpu.memory_space<hbm>>
      tpu.wait_dma2 semaphore(%run_scoped3A : memref<!tpu.dma_semaphore, #tpu.memory_space<semaphore_mem>>) src(%dma_wait3A_20 : memref<80x128xi32, #tpu.memory_space<hbm>>) dst(%arg5 : memref<80x128xi32, #tpu.memory_space<vmem>>)
      tpu.yield
    }) : () -> ()
    %broadcast_in_dim3A_8 = arith.constant 1.000000e+00 : f32
    %broadcast_in_dim3A_9 = vector.broadcast %broadcast_in_dim3A_8 : f32 to vector<16xf32>
    %scan3A_10 = arith.constant 0 : i32
    %scan3A_11 = arith.constant 80 : i32
    %scan3A_12 = arith.addi %scan3A_10, %scan3A_11 : i32
    %scan3A_13 = arith.constant 1 : i32
    scf.for %scan3A_15 = %scan3A_10 to %scan3A_12 step %scan3A_13  : i32 {
      %mul3A_16 = arith.constant 1 : i32
      %mul3A_17 = arith.muli %scan3A_15, %mul3A_16 : i32
      %add3A_18 = arith.constant 0 : i32
      %add3A_19 = arith.addi %add3A_18, %mul3A_17 : i32
      %scan3A_20 = arith.constant 0 : i32
      %scan3A_21 = arith.constant 8 : i32
      %scan3A_22 = arith.addi %scan3A_20, %scan3A_21 : i32
      %scan3A_23 = arith.constant 1 : i32
      scf.for %scan3A_25 = %scan3A_20 to %scan3A_22 step %scan3A_23  : i32 {
        %mul3A_26 = arith.constant 16 : i32
        %mul3A_27 = arith.muli %scan3A_25, %mul3A_26 : i32
        %add3A_28 = arith.constant 0 : i32
        %add3A_29 = arith.addi %add3A_28, %mul3A_27 : i32
        %get3A = arith.index_cast %add3A_19 : i32 to index
        %get3A_30 = arith.index_cast %add3A_29 : i32 to index
        %get3A_31 = tpu.vector_load %arg5[%get3A, %get3A_30] {strides = array<i32>} : memref<80x128xi32, #tpu.memory_space<vmem>>, vector<16xi32>,
        tpu.vector_store_idx %arg4[%get3A_31], %broadcast_in_dim3A_9 {add = true} : memref<10112xf32, #tpu.memory_space<vmem>>[vector<16xi32>], vector<16xf32>,
      }
      %scan3A_24 = arith.constant 8 : i32
    }
    %scan3A_14 = arith.constant 80 : i32
    "tpu.region"() ({
      %run_scoped3A = tpu.sem_alloc : memref<!tpu.dma_semaphore, #tpu.memory_space<semaphore_mem>>
      %dma_start3A = arith.constant 0 : i32
      %dma_start3A_15 = tpu.memref_slice %arg3[%add3A, %dma_start3A] : memref<32x10112xf32, #tpu.memory_space<hbm>> -> memref<1x10112xf32, #tpu.memory_space<hbm>>
      %dma_start3A_16 = tpu.memref_squeeze %dma_start3A_15 : memref<1x10112xf32, #tpu.memory_space<hbm>> -> memref<10112xf32, #tpu.memory_space<hbm>>
      %dma_start3A_17 = arith.constant 0 : i32
      %dma_start3A_18 = tpu.memref_slice %arg3[%add3A, %dma_start3A_17] : memref<32x10112xf32, #tpu.memory_space<hbm>> -> memref<1x10112xf32, #tpu.memory_space<hbm>>
      %dma_start3A_19 = tpu.memref_squeeze %dma_start3A_18 : memref<1x10112xf32, #tpu.memory_space<hbm>> -> memref<10112xf32, #tpu.memory_space<hbm>>
      tpu.enqueue_dma source(%arg4 : memref<10112xf32, #tpu.memory_space<vmem>>) target(%dma_start3A_19 : memref<10112xf32, #tpu.memory_space<hbm>>) target_semaphore(%run_scoped3A : memref<!tpu.dma_semaphore, #tpu.memory_space<semaphore_mem>>)
      %dma_wait3A = arith.constant 0 : i32
      %dma_wait3A_20 = tpu.memref_slice %arg3[%add3A, %dma_wait3A] : memref<32x10112xf32, #tpu.memory_space<hbm>> -> memref<1x10112xf32, #tpu.memory_space<hbm>>
      %dma_wait3A_21 = tpu.memref_squeeze %dma_wait3A_20 : memref<1x10112xf32, #tpu.memory_space<hbm>> -> memref<10112xf32, #tpu.memory_space<hbm>>
      %dma_wait3A_22 = arith.constant 0 : i32
      %dma_wait3A_23 = tpu.memref_slice %arg3[%add3A, %dma_wait3A_22] : memref<32x10112xf32, #tpu.memory_space<hbm>> -> memref<1x10112xf32, #tpu.memory_space<hbm>>
      %dma_wait3A_24 = tpu.memref_squeeze %dma_wait3A_23 : memref<1x10112xf32, #tpu.memory_space<hbm>> -> memref<10112xf32, #tpu.memory_space<hbm>>
      tpu.wait_dma2 semaphore(%run_scoped3A : memref<!tpu.dma_semaphore, #tpu.memory_space<semaphore_mem>>) src(%arg4 : memref<10112xf32, #tpu.memory_space<vmem>>) dst(%dma_wait3A_24 : memref<10112xf32, #tpu.memory_space<hbm>>)
      tpu.yield
    }) : () -> ()
    return
  }
}

#map = affine_map<(d0, d1) -> (0, 0, 0)>
#map1 = affine_map<(d0, d1) -> (0, 0)>
module attributes {stable_mosaic.version = 14 : i64} {
  func.func @_sc_round(%arg0: i32, %arg1: i32, %arg2: memref<2562x2x128xi32, #tpu.memory_space<hbm>>, %arg3: memref<10000x128xf32, #tpu.memory_space<hbm>>, %arg4: memref<2x10112x128xf32, #tpu.memory_space<hbm>>, %arg5: memref<2x2x128xi32, #tpu.memory_space<vmem>>, %arg6: memref<2x128x128xf32, #tpu.memory_space<vmem>>, %arg7: memref<10112x128xf32, #tpu.memory_space<vmem_shared>>, %arg8: memref<!tpu.dma_semaphore, #tpu.memory_space<semaphore_mem>>, %arg9: memref<!tpu.dma_semaphore, #tpu.memory_space<semaphore_mem>>, %arg10: memref<!tpu.dma_semaphore, #tpu.memory_space<semaphore_mem>>, %arg11: memref<!tpu.dma_semaphore, #tpu.memory_space<semaphore_mem>>) attributes {dimension_semantics = [#tpu.dimension_semantics<core_parallel>, #tpu.dimension_semantics<subcore_parallel>], iteration_bounds = array<i64: 2, 16>, scalar_prefetch = 0 : i64, scratch_operands = 7 : i64, tpu.core_type = #tpu.core_type<sc_vector_subcore>, window_params = [{transform_indices = #map}, {transform_indices = #map1}, {transform_indices = #map}]} {
    %mul3A = arith.constant 2 : i32
    %mul3A_0 = arith.muli %arg1, %mul3A : i32
    %add3A = arith.addi %mul3A_0, %arg0 : i32
    %mul3A_1 = arith.constant 80 : i32
    %mul3A_2 = arith.muli %add3A, %mul3A_1 : i32
    %broadcast_in_dim3A = arith.constant 0.000000e+00 : f32
    %broadcast_in_dim3A_3 = vector.broadcast %broadcast_in_dim3A : f32 to vector<16xf32>
    %scan3A = arith.constant 0 : i32
    %scan3A_4 = arith.constant 128 : i32
    %scan3A_5 = arith.addi %scan3A, %scan3A_4 : i32
    %scan3A_6 = arith.constant 1 : i32
    scf.for %scan3A_107 = %scan3A to %scan3A_5 step %scan3A_6  : i32 {
      %mul3A_108 = arith.constant 1 : i32
      %mul3A_109 = arith.muli %scan3A_107, %mul3A_108 : i32
      %add3A_110 = arith.constant 0 : i32
      %add3A_111 = arith.addi %add3A_110, %mul3A_109 : i32
      %scan3A_112 = arith.constant 0 : i32
      %scan3A_113 = arith.constant 8 : i32
      %scan3A_114 = arith.addi %scan3A_112, %scan3A_113 : i32
      %scan3A_115 = arith.constant 1 : i32
      scf.for %scan3A_117 = %scan3A_112 to %scan3A_114 step %scan3A_115  : i32 {
        %mul3A_118 = arith.constant 16 : i32
        %mul3A_119 = arith.muli %scan3A_117, %mul3A_118 : i32
        %add3A_120 = arith.constant 0 : i32
        %add3A_121 = arith.addi %add3A_120, %mul3A_119 : i32
        %swap3A = arith.constant 0 : i32
        %swap3A_122 = arith.index_cast %swap3A : i32 to index
        %swap3A_123 = arith.index_cast %add3A_111 : i32 to index
        %swap3A_124 = arith.index_cast %add3A_121 : i32 to index
        %swap3A_125 = tpu.vector_load %arg6[%swap3A_122, %swap3A_123, %swap3A_124] {strides = array<i32>} : memref<2x128x128xf32, #tpu.memory_space<vmem>>, vector<1x1x16xf32>,
        %swap3A_126 = vector.shape_cast %swap3A_125 : vector<1x1x16xf32> to vector<16xf32>
        %swap3A_127 = vector.shape_cast %broadcast_in_dim3A_3 : vector<16xf32> to vector<1x1x16xf32>
        tpu.vector_store %arg6[%swap3A_122, %swap3A_123, %swap3A_124], %swap3A_127 {strides = array<i32>} : memref<2x128x128xf32, #tpu.memory_space<vmem>>, vector<1x1x16xf32>,
      }
      %scan3A_116 = arith.constant 8 : i32
    }
    %scan3A_7 = arith.constant 128 : i32
    %mul3A_8 = arith.constant 632 : i32
    %mul3A_9 = arith.muli %arg1, %mul3A_8 : i32
    %add3A_10 = arith.constant 0 : i32
    %add3A_11 = arith.addi %mul3A_9, %add3A_10 : i32
    %run_scoped3A = arith.constant 0 : i32
    "tpu.region"() ({
      %run_scoped3A_107 = tpu.sem_alloc : memref<!tpu.dma_semaphore, #tpu.memory_space<semaphore_mem>>
      %dma_start3A_108 = arith.constant 0 : i32
      %dma_start3A_109 = arith.constant 0 : i32
      %dma_start3A_110 = tpu.memref_slice %arg6[%run_scoped3A, %dma_start3A_108, %dma_start3A_109] : memref<2x128x128xf32, #tpu.memory_space<vmem>> -> memref<1x128x128xf32, #tpu.memory_space<vmem>>
      %dma_start3A_111 = tpu.memref_squeeze %dma_start3A_110 : memref<1x128x128xf32, #tpu.memory_space<vmem>> -> memref<128x128xf32, #tpu.memory_space<vmem>>
      %dma_start3A_112 = arith.constant 0 : i32
      %dma_start3A_113 = tpu.memref_slice %arg7[%add3A_11, %dma_start3A_112] : memref<10112x128xf32, #tpu.memory_space<vmem_shared>> -> memref<128x128xf32, #tpu.memory_space<vmem_shared>>
      %dma_start3A_114 = arith.constant 0 : i32
      %dma_start3A_115 = tpu.memref_slice %arg7[%add3A_11, %dma_start3A_114] : memref<10112x128xf32, #tpu.memory_space<vmem_shared>> -> memref<128x128xf32, #tpu.memory_space<vmem_shared>>
      %dma_start3A_116 = arith.constant 0 : i32
      %dma_start3A_117 = arith.constant 0 : i32
      %dma_start3A_118 = tpu.memref_slice %arg6[%run_scoped3A, %dma_start3A_116, %dma_start3A_117] : memref<2x128x128xf32, #tpu.memory_space<vmem>> -> memref<1x128x128xf32, #tpu.memory_space<vmem>>
      %dma_start3A_119 = tpu.memref_squeeze %dma_start3A_118 : memref<1x128x128xf32, #tpu.memory_space<vmem>> -> memref<128x128xf32, #tpu.memory_space<vmem>>
      tpu.enqueue_dma source(%dma_start3A_119 : memref<128x128xf32, #tpu.memory_space<vmem>>) target(%dma_start3A_115 : memref<128x128xf32, #tpu.memory_space<vmem_shared>>) target_semaphore(%run_scoped3A_107 : memref<!tpu.dma_semaphore, #tpu.memory_space<semaphore_mem>>)
      %dma_wait3A_120 = arith.constant 0 : i32
      %dma_wait3A_121 = arith.constant 0 : i32
      %dma_wait3A_122 = tpu.memref_slice %arg6[%run_scoped3A, %dma_wait3A_120, %dma_wait3A_121] : memref<2x128x128xf32, #tpu.memory_space<vmem>> -> memref<1x128x128xf32, #tpu.memory_space<vmem>>
      %dma_wait3A_123 = tpu.memref_squeeze %dma_wait3A_122 : memref<1x128x128xf32, #tpu.memory_space<vmem>> -> memref<128x128xf32, #tpu.memory_space<vmem>>
      %dma_wait3A_124 = arith.constant 0 : i32
      %dma_wait3A_125 = tpu.memref_slice %arg7[%add3A_11, %dma_wait3A_124] : memref<10112x128xf32, #tpu.memory_space<vmem_shared>> -> memref<128x128xf32, #tpu.memory_space<vmem_shared>>
      %dma_wait3A_126 = arith.constant 0 : i32
      %dma_wait3A_127 = tpu.memref_slice %arg7[%add3A_11, %dma_wait3A_126] : memref<10112x128xf32, #tpu.memory_space<vmem_shared>> -> memref<128x128xf32, #tpu.memory_space<vmem_shared>>
      %dma_wait3A_128 = arith.constant 0 : i32
      %dma_wait3A_129 = arith.constant 0 : i32
      %dma_wait3A_130 = tpu.memref_slice %arg6[%run_scoped3A, %dma_wait3A_128, %dma_wait3A_129] : memref<2x128x128xf32, #tpu.memory_space<vmem>> -> memref<1x128x128xf32, #tpu.memory_space<vmem>>
      %dma_wait3A_131 = tpu.memref_squeeze %dma_wait3A_130 : memref<1x128x128xf32, #tpu.memory_space<vmem>> -> memref<128x128xf32, #tpu.memory_space<vmem>>
      tpu.wait_dma2 semaphore(%run_scoped3A_107 : memref<!tpu.dma_semaphore, #tpu.memory_space<semaphore_mem>>) src(%dma_wait3A_131 : memref<128x128xf32, #tpu.memory_space<vmem>>) dst(%dma_wait3A_127 : memref<128x128xf32, #tpu.memory_space<vmem_shared>>)
      tpu.yield
    }) : () -> ()
    %mul3A_12 = arith.constant 632 : i32
    %mul3A_13 = arith.muli %arg1, %mul3A_12 : i32
    %add3A_14 = arith.constant 128 : i32
    %add3A_15 = arith.addi %mul3A_13, %add3A_14 : i32
    %run_scoped3A_16 = arith.constant 0 : i32
    "tpu.region"() ({
      %run_scoped3A_107 = tpu.sem_alloc : memref<!tpu.dma_semaphore, #tpu.memory_space<semaphore_mem>>
      %dma_start3A_108 = arith.constant 0 : i32
      %dma_start3A_109 = arith.constant 0 : i32
      %dma_start3A_110 = tpu.memref_slice %arg6[%run_scoped3A_16, %dma_start3A_108, %dma_start3A_109] : memref<2x128x128xf32, #tpu.memory_space<vmem>> -> memref<1x128x128xf32, #tpu.memory_space<vmem>>
      %dma_start3A_111 = tpu.memref_squeeze %dma_start3A_110 : memref<1x128x128xf32, #tpu.memory_space<vmem>> -> memref<128x128xf32, #tpu.memory_space<vmem>>
      %dma_start3A_112 = arith.constant 0 : i32
      %dma_start3A_113 = tpu.memref_slice %arg7[%add3A_15, %dma_start3A_112] : memref<10112x128xf32, #tpu.memory_space<vmem_shared>> -> memref<128x128xf32, #tpu.memory_space<vmem_shared>>
      %dma_start3A_114 = arith.constant 0 : i32
      %dma_start3A_115 = tpu.memref_slice %arg7[%add3A_15, %dma_start3A_114] : memref<10112x128xf32, #tpu.memory_space<vmem_shared>> -> memref<128x128xf32, #tpu.memory_space<vmem_shared>>
      %dma_start3A_116 = arith.constant 0 : i32
      %dma_start3A_117 = arith.constant 0 : i32
      %dma_start3A_118 = tpu.memref_slice %arg6[%run_scoped3A_16, %dma_start3A_116, %dma_start3A_117] : memref<2x128x128xf32, #tpu.memory_space<vmem>> -> memref<1x128x128xf32, #tpu.memory_space<vmem>>
      %dma_start3A_119 = tpu.memref_squeeze %dma_start3A_118 : memref<1x128x128xf32, #tpu.memory_space<vmem>> -> memref<128x128xf32, #tpu.memory_space<vmem>>
      tpu.enqueue_dma source(%dma_start3A_119 : memref<128x128xf32, #tpu.memory_space<vmem>>) target(%dma_start3A_115 : memref<128x128xf32, #tpu.memory_space<vmem_shared>>) target_semaphore(%run_scoped3A_107 : memref<!tpu.dma_semaphore, #tpu.memory_space<semaphore_mem>>)
      %dma_wait3A_120 = arith.constant 0 : i32
      %dma_wait3A_121 = arith.constant 0 : i32
      %dma_wait3A_122 = tpu.memref_slice %arg6[%run_scoped3A_16, %dma_wait3A_120, %dma_wait3A_121] : memref<2x128x128xf32, #tpu.memory_space<vmem>> -> memref<1x128x128xf32, #tpu.memory_space<vmem>>
      %dma_wait3A_123 = tpu.memref_squeeze %dma_wait3A_122 : memref<1x128x128xf32, #tpu.memory_space<vmem>> -> memref<128x128xf32, #tpu.memory_space<vmem>>
      %dma_wait3A_124 = arith.constant 0 : i32
      %dma_wait3A_125 = tpu.memref_slice %arg7[%add3A_15, %dma_wait3A_124] : memref<10112x128xf32, #tpu.memory_space<vmem_shared>> -> memref<128x128xf32, #tpu.memory_space<vmem_shared>>
      %dma_wait3A_126 = arith.constant 0 : i32
      %dma_wait3A_127 = tpu.memref_slice %arg7[%add3A_15, %dma_wait3A_126] : memref<10112x128xf32, #tpu.memory_space<vmem_shared>> -> memref<128x128xf32, #tpu.memory_space<vmem_shared>>
      %dma_wait3A_128 = arith.constant 0 : i32
      %dma_wait3A_129 = arith.constant 0 : i32
      %dma_wait3A_130 = tpu.memref_slice %arg6[%run_scoped3A_16, %dma_wait3A_128, %dma_wait3A_129] : memref<2x128x128xf32, #tpu.memory_space<vmem>> -> memref<1x128x128xf32, #tpu.memory_space<vmem>>
      %dma_wait3A_131 = tpu.memref_squeeze %dma_wait3A_130 : memref<1x128x128xf32, #tpu.memory_space<vmem>> -> memref<128x128xf32, #tpu.memory_space<vmem>>
      tpu.wait_dma2 semaphore(%run_scoped3A_107 : memref<!tpu.dma_semaphore, #tpu.memory_space<semaphore_mem>>) src(%dma_wait3A_131 : memref<128x128xf32, #tpu.memory_space<vmem>>) dst(%dma_wait3A_127 : memref<128x128xf32, #tpu.memory_space<vmem_shared>>)
      tpu.yield
    }) : () -> ()
    %mul3A_17 = arith.constant 632 : i32
    %mul3A_18 = arith.muli %arg1, %mul3A_17 : i32
    %add3A_19 = arith.constant 256 : i32
    %add3A_20 = arith.addi %mul3A_18, %add3A_19 : i32
    %run_scoped3A_21 = arith.constant 0 : i32
    "tpu.region"() ({
      %run_scoped3A_107 = tpu.sem_alloc : memref<!tpu.dma_semaphore, #tpu.memory_space<semaphore_mem>>
      %dma_start3A_108 = arith.constant 0 : i32
      %dma_start3A_109 = arith.constant 0 : i32
      %dma_start3A_110 = tpu.memref_slice %arg6[%run_scoped3A_21, %dma_start3A_108, %dma_start3A_109] : memref<2x128x128xf32, #tpu.memory_space<vmem>> -> memref<1x128x128xf32, #tpu.memory_space<vmem>>
      %dma_start3A_111 = tpu.memref_squeeze %dma_start3A_110 : memref<1x128x128xf32, #tpu.memory_space<vmem>> -> memref<128x128xf32, #tpu.memory_space<vmem>>
      %dma_start3A_112 = arith.constant 0 : i32
      %dma_start3A_113 = tpu.memref_slice %arg7[%add3A_20, %dma_start3A_112] : memref<10112x128xf32, #tpu.memory_space<vmem_shared>> -> memref<128x128xf32, #tpu.memory_space<vmem_shared>>
      %dma_start3A_114 = arith.constant 0 : i32
      %dma_start3A_115 = tpu.memref_slice %arg7[%add3A_20, %dma_start3A_114] : memref<10112x128xf32, #tpu.memory_space<vmem_shared>> -> memref<128x128xf32, #tpu.memory_space<vmem_shared>>
      %dma_start3A_116 = arith.constant 0 : i32
      %dma_start3A_117 = arith.constant 0 : i32
      %dma_start3A_118 = tpu.memref_slice %arg6[%run_scoped3A_21, %dma_start3A_116, %dma_start3A_117] : memref<2x128x128xf32, #tpu.memory_space<vmem>> -> memref<1x128x128xf32, #tpu.memory_space<vmem>>
      %dma_start3A_119 = tpu.memref_squeeze %dma_start3A_118 : memref<1x128x128xf32, #tpu.memory_space<vmem>> -> memref<128x128xf32, #tpu.memory_space<vmem>>
      tpu.enqueue_dma source(%dma_start3A_119 : memref<128x128xf32, #tpu.memory_space<vmem>>) target(%dma_start3A_115 : memref<128x128xf32, #tpu.memory_space<vmem_shared>>) target_semaphore(%run_scoped3A_107 : memref<!tpu.dma_semaphore, #tpu.memory_space<semaphore_mem>>)
      %dma_wait3A_120 = arith.constant 0 : i32
      %dma_wait3A_121 = arith.constant 0 : i32
      %dma_wait3A_122 = tpu.memref_slice %arg6[%run_scoped3A_21, %dma_wait3A_120, %dma_wait3A_121] : memref<2x128x128xf32, #tpu.memory_space<vmem>> -> memref<1x128x128xf32, #tpu.memory_space<vmem>>
      %dma_wait3A_123 = tpu.memref_squeeze %dma_wait3A_122 : memref<1x128x128xf32, #tpu.memory_space<vmem>> -> memref<128x128xf32, #tpu.memory_space<vmem>>
      %dma_wait3A_124 = arith.constant 0 : i32
      %dma_wait3A_125 = tpu.memref_slice %arg7[%add3A_20, %dma_wait3A_124] : memref<10112x128xf32, #tpu.memory_space<vmem_shared>> -> memref<128x128xf32, #tpu.memory_space<vmem_shared>>
      %dma_wait3A_126 = arith.constant 0 : i32
      %dma_wait3A_127 = tpu.memref_slice %arg7[%add3A_20, %dma_wait3A_126] : memref<10112x128xf32, #tpu.memory_space<vmem_shared>> -> memref<128x128xf32, #tpu.memory_space<vmem_shared>>
      %dma_wait3A_128 = arith.constant 0 : i32
      %dma_wait3A_129 = arith.constant 0 : i32
      %dma_wait3A_130 = tpu.memref_slice %arg6[%run_scoped3A_21, %dma_wait3A_128, %dma_wait3A_129] : memref<2x128x128xf32, #tpu.memory_space<vmem>> -> memref<1x128x128xf32, #tpu.memory_space<vmem>>
      %dma_wait3A_131 = tpu.memref_squeeze %dma_wait3A_130 : memref<1x128x128xf32, #tpu.memory_space<vmem>> -> memref<128x128xf32, #tpu.memory_space<vmem>>
      tpu.wait_dma2 semaphore(%run_scoped3A_107 : memref<!tpu.dma_semaphore, #tpu.memory_space<semaphore_mem>>) src(%dma_wait3A_131 : memref<128x128xf32, #tpu.memory_space<vmem>>) dst(%dma_wait3A_127 : memref<128x128xf32, #tpu.memory_space<vmem_shared>>)
      tpu.yield
    }) : () -> ()
    %mul3A_22 = arith.constant 632 : i32
    %mul3A_23 = arith.muli %arg1, %mul3A_22 : i32
    %add3A_24 = arith.constant 384 : i32
    %add3A_25 = arith.addi %mul3A_23, %add3A_24 : i32
    %run_scoped3A_26 = arith.constant 0 : i32
    "tpu.region"() ({
      %run_scoped3A_107 = tpu.sem_alloc : memref<!tpu.dma_semaphore, #tpu.memory_space<semaphore_mem>>
      %dma_start3A_108 = arith.constant 0 : i32
      %dma_start3A_109 = arith.constant 0 : i32
      %dma_start3A_110 = tpu.memref_slice %arg6[%run_scoped3A_26, %dma_start3A_108, %dma_start3A_109] : memref<2x128x128xf32, #tpu.memory_space<vmem>> -> memref<1x128x128xf32, #tpu.memory_space<vmem>>
      %dma_start3A_111 = tpu.memref_squeeze %dma_start3A_110 : memref<1x128x128xf32, #tpu.memory_space<vmem>> -> memref<128x128xf32, #tpu.memory_space<vmem>>
      %dma_start3A_112 = arith.constant 0 : i32
      %dma_start3A_113 = tpu.memref_slice %arg7[%add3A_25, %dma_start3A_112] : memref<10112x128xf32, #tpu.memory_space<vmem_shared>> -> memref<128x128xf32, #tpu.memory_space<vmem_shared>>
      %dma_start3A_114 = arith.constant 0 : i32
      %dma_start3A_115 = tpu.memref_slice %arg7[%add3A_25, %dma_start3A_114] : memref<10112x128xf32, #tpu.memory_space<vmem_shared>> -> memref<128x128xf32, #tpu.memory_space<vmem_shared>>
      %dma_start3A_116 = arith.constant 0 : i32
      %dma_start3A_117 = arith.constant 0 : i32
      %dma_start3A_118 = tpu.memref_slice %arg6[%run_scoped3A_26, %dma_start3A_116, %dma_start3A_117] : memref<2x128x128xf32, #tpu.memory_space<vmem>> -> memref<1x128x128xf32, #tpu.memory_space<vmem>>
      %dma_start3A_119 = tpu.memref_squeeze %dma_start3A_118 : memref<1x128x128xf32, #tpu.memory_space<vmem>> -> memref<128x128xf32, #tpu.memory_space<vmem>>
      tpu.enqueue_dma source(%dma_start3A_119 : memref<128x128xf32, #tpu.memory_space<vmem>>) target(%dma_start3A_115 : memref<128x128xf32, #tpu.memory_space<vmem_shared>>) target_semaphore(%run_scoped3A_107 : memref<!tpu.dma_semaphore, #tpu.memory_space<semaphore_mem>>)
      %dma_wait3A_120 = arith.constant 0 : i32
      %dma_wait3A_121 = arith.constant 0 : i32
      %dma_wait3A_122 = tpu.memref_slice %arg6[%run_scoped3A_26, %dma_wait3A_120, %dma_wait3A_121] : memref<2x128x128xf32, #tpu.memory_space<vmem>> -> memref<1x128x128xf32, #tpu.memory_space<vmem>>
      %dma_wait3A_123 = tpu.memref_squeeze %dma_wait3A_122 : memref<1x128x128xf32, #tpu.memory_space<vmem>> -> memref<128x128xf32, #tpu.memory_space<vmem>>
      %dma_wait3A_124 = arith.constant 0 : i32
      %dma_wait3A_125 = tpu.memref_slice %arg7[%add3A_25, %dma_wait3A_124] : memref<10112x128xf32, #tpu.memory_space<vmem_shared>> -> memref<128x128xf32, #tpu.memory_space<vmem_shared>>
      %dma_wait3A_126 = arith.constant 0 : i32
      %dma_wait3A_127 = tpu.memref_slice %arg7[%add3A_25, %dma_wait3A_126] : memref<10112x128xf32, #tpu.memory_space<vmem_shared>> -> memref<128x128xf32, #tpu.memory_space<vmem_shared>>
      %dma_wait3A_128 = arith.constant 0 : i32
      %dma_wait3A_129 = arith.constant 0 : i32
      %dma_wait3A_130 = tpu.memref_slice %arg6[%run_scoped3A_26, %dma_wait3A_128, %dma_wait3A_129] : memref<2x128x128xf32, #tpu.memory_space<vmem>> -> memref<1x128x128xf32, #tpu.memory_space<vmem>>
      %dma_wait3A_131 = tpu.memref_squeeze %dma_wait3A_130 : memref<1x128x128xf32, #tpu.memory_space<vmem>> -> memref<128x128xf32, #tpu.memory_space<vmem>>
      tpu.wait_dma2 semaphore(%run_scoped3A_107 : memref<!tpu.dma_semaphore, #tpu.memory_space<semaphore_mem>>) src(%dma_wait3A_131 : memref<128x128xf32, #tpu.memory_space<vmem>>) dst(%dma_wait3A_127 : memref<128x128xf32, #tpu.memory_space<vmem_shared>>)
      tpu.yield
    }) : () -> ()
    %mul3A_27 = arith.constant 632 : i32
    %mul3A_28 = arith.muli %arg1, %mul3A_27 : i32
    %add3A_29 = arith.constant 512 : i32
    %add3A_30 = arith.addi %mul3A_28, %add3A_29 : i32
    %run_scoped3A_31 = arith.constant 0 : i32
    "tpu.region"() ({
      %run_scoped3A_107 = tpu.sem_alloc : memref<!tpu.dma_semaphore, #tpu.memory_space<semaphore_mem>>
      %dma_start3A_108 = arith.constant 0 : i32
      %dma_start3A_109 = arith.constant 0 : i32
      %dma_start3A_110 = tpu.memref_slice %arg6[%run_scoped3A_31, %dma_start3A_108, %dma_start3A_109] : memref<2x128x128xf32, #tpu.memory_space<vmem>> -> memref<1x120x128xf32, #tpu.memory_space<vmem>>
      %dma_start3A_111 = tpu.memref_squeeze %dma_start3A_110 : memref<1x120x128xf32, #tpu.memory_space<vmem>> -> memref<120x128xf32, #tpu.memory_space<vmem>>
      %dma_start3A_112 = arith.constant 0 : i32
      %dma_start3A_113 = tpu.memref_slice %arg7[%add3A_30, %dma_start3A_112] : memref<10112x128xf32, #tpu.memory_space<vmem_shared>> -> memref<120x128xf32, #tpu.memory_space<vmem_shared>>
      %dma_start3A_114 = arith.constant 0 : i32
      %dma_start3A_115 = tpu.memref_slice %arg7[%add3A_30, %dma_start3A_114] : memref<10112x128xf32, #tpu.memory_space<vmem_shared>> -> memref<120x128xf32, #tpu.memory_space<vmem_shared>>
      %dma_start3A_116 = arith.constant 0 : i32
      %dma_start3A_117 = arith.constant 0 : i32
      %dma_start3A_118 = tpu.memref_slice %arg6[%run_scoped3A_31, %dma_start3A_116, %dma_start3A_117] : memref<2x128x128xf32, #tpu.memory_space<vmem>> -> memref<1x120x128xf32, #tpu.memory_space<vmem>>
      %dma_start3A_119 = tpu.memref_squeeze %dma_start3A_118 : memref<1x120x128xf32, #tpu.memory_space<vmem>> -> memref<120x128xf32, #tpu.memory_space<vmem>>
      tpu.enqueue_dma source(%dma_start3A_119 : memref<120x128xf32, #tpu.memory_space<vmem>>) target(%dma_start3A_115 : memref<120x128xf32, #tpu.memory_space<vmem_shared>>) target_semaphore(%run_scoped3A_107 : memref<!tpu.dma_semaphore, #tpu.memory_space<semaphore_mem>>)
      %dma_wait3A_120 = arith.constant 0 : i32
      %dma_wait3A_121 = arith.constant 0 : i32
      %dma_wait3A_122 = tpu.memref_slice %arg6[%run_scoped3A_31, %dma_wait3A_120, %dma_wait3A_121] : memref<2x128x128xf32, #tpu.memory_space<vmem>> -> memref<1x120x128xf32, #tpu.memory_space<vmem>>
      %dma_wait3A_123 = tpu.memref_squeeze %dma_wait3A_122 : memref<1x120x128xf32, #tpu.memory_space<vmem>> -> memref<120x128xf32, #tpu.memory_space<vmem>>
      %dma_wait3A_124 = arith.constant 0 : i32
      %dma_wait3A_125 = tpu.memref_slice %arg7[%add3A_30, %dma_wait3A_124] : memref<10112x128xf32, #tpu.memory_space<vmem_shared>> -> memref<120x128xf32, #tpu.memory_space<vmem_shared>>
      %dma_wait3A_126 = arith.constant 0 : i32
      %dma_wait3A_127 = tpu.memref_slice %arg7[%add3A_30, %dma_wait3A_126] : memref<10112x128xf32, #tpu.memory_space<vmem_shared>> -> memref<120x128xf32, #tpu.memory_space<vmem_shared>>
      %dma_wait3A_128 = arith.constant 0 : i32
      %dma_wait3A_129 = arith.constant 0 : i32
      %dma_wait3A_130 = tpu.memref_slice %arg6[%run_scoped3A_31, %dma_wait3A_128, %dma_wait3A_129] : memref<2x128x128xf32, #tpu.memory_space<vmem>> -> memref<1x120x128xf32, #tpu.memory_space<vmem>>
      %dma_wait3A_131 = tpu.memref_squeeze %dma_wait3A_130 : memref<1x120x128xf32, #tpu.memory_space<vmem>> -> memref<120x128xf32, #tpu.memory_space<vmem>>
      tpu.wait_dma2 semaphore(%run_scoped3A_107 : memref<!tpu.dma_semaphore, #tpu.memory_space<semaphore_mem>>) src(%dma_wait3A_131 : memref<120x128xf32, #tpu.memory_space<vmem>>) dst(%dma_wait3A_127 : memref<120x128xf32, #tpu.memory_space<vmem_shared>>)
      tpu.yield
    }) : () -> ()
    %run_scoped3A_32 = arith.constant 0 : i32
    "tpu.region"() ({
      %run_scoped3A_107 = tpu.sem_alloc : memref<!tpu.dma_semaphore, #tpu.memory_space<semaphore_mem>>
      %dma_start3A_108 = arith.constant 0 : i32
      %dma_start3A_109 = arith.constant 0 : i32
      %dma_start3A_110 = tpu.memref_slice %arg5[%run_scoped3A_32, %dma_start3A_108, %dma_start3A_109] : memref<2x2x128xi32, #tpu.memory_space<vmem>> -> memref<1x2x128xi32, #tpu.memory_space<vmem>>
      %dma_start3A_111 = tpu.memref_squeeze %dma_start3A_110 : memref<1x2x128xi32, #tpu.memory_space<vmem>> -> memref<2x128xi32, #tpu.memory_space<vmem>>
      %dma_start3A_112 = arith.constant 0 : i32
      %dma_start3A_113 = arith.constant 0 : i32
      %dma_start3A_114 = tpu.memref_slice %arg2[%mul3A_2, %dma_start3A_112, %dma_start3A_113] : memref<2562x2x128xi32, #tpu.memory_space<hbm>> -> memref<1x2x128xi32, #tpu.memory_space<hbm>>
      %dma_start3A_115 = tpu.memref_squeeze %dma_start3A_114 : memref<1x2x128xi32, #tpu.memory_space<hbm>> -> memref<2x128xi32, #tpu.memory_space<hbm>>
      %dma_start3A_116 = arith.constant 0 : i32
      %dma_start3A_117 = arith.constant 0 : i32
      %dma_start3A_118 = tpu.memref_slice %arg5[%run_scoped3A_32, %dma_start3A_116, %dma_start3A_117] : memref<2x2x128xi32, #tpu.memory_space<vmem>> -> memref<1x2x128xi32, #tpu.memory_space<vmem>>
      %dma_start3A_119 = tpu.memref_squeeze %dma_start3A_118 : memref<1x2x128xi32, #tpu.memory_space<vmem>> -> memref<2x128xi32, #tpu.memory_space<vmem>>
      %dma_start3A_120 = arith.constant 0 : i32
      %dma_start3A_121 = arith.constant 0 : i32
      %dma_start3A_122 = tpu.memref_slice %arg2[%mul3A_2, %dma_start3A_120, %dma_start3A_121] : memref<2562x2x128xi32, #tpu.memory_space<hbm>> -> memref<1x2x128xi32, #tpu.memory_space<hbm>>
      %dma_start3A_123 = tpu.memref_squeeze %dma_start3A_122 : memref<1x2x128xi32, #tpu.memory_space<hbm>> -> memref<2x128xi32, #tpu.memory_space<hbm>>
      tpu.enqueue_dma source(%dma_start3A_123 : memref<2x128xi32, #tpu.memory_space<hbm>>) target(%dma_start3A_119 : memref<2x128xi32, #tpu.memory_space<vmem>>) target_semaphore(%run_scoped3A_107 : memref<!tpu.dma_semaphore, #tpu.memory_space<semaphore_mem>>)
      %dma_wait3A_124 = arith.constant 0 : i32
      %dma_wait3A_125 = arith.constant 0 : i32
      %dma_wait3A_126 = tpu.memref_slice %arg5[%run_scoped3A_32, %dma_wait3A_124, %dma_wait3A_125] : memref<2x2x128xi32, #tpu.memory_space<vmem>> -> memref<1x2x128xi32, #tpu.memory_space<vmem>>
      %dma_wait3A_127 = tpu.memref_squeeze %dma_wait3A_126 : memref<1x2x128xi32, #tpu.memory_space<vmem>> -> memref<2x128xi32, #tpu.memory_space<vmem>>
      %dma_wait3A_128 = arith.constant 0 : i32
      %dma_wait3A_129 = arith.constant 0 : i32
      %dma_wait3A_130 = tpu.memref_slice %arg2[%mul3A_2, %dma_wait3A_128, %dma_wait3A_129] : memref<2562x2x128xi32, #tpu.memory_space<hbm>> -> memref<1x2x128xi32, #tpu.memory_space<hbm>>
      %dma_wait3A_131 = tpu.memref_squeeze %dma_wait3A_130 : memref<1x2x128xi32, #tpu.memory_space<hbm>> -> memref<2x128xi32, #tpu.memory_space<hbm>>
      %dma_wait3A_132 = arith.constant 0 : i32
      %dma_wait3A_133 = arith.constant 0 : i32
      %dma_wait3A_134 = tpu.memref_slice %arg5[%run_scoped3A_32, %dma_wait3A_132, %dma_wait3A_133] : memref<2x2x128xi32, #tpu.memory_space<vmem>> -> memref<1x2x128xi32, #tpu.memory_space<vmem>>
      %dma_wait3A_135 = tpu.memref_squeeze %dma_wait3A_134 : memref<1x2x128xi32, #tpu.memory_space<vmem>> -> memref<2x128xi32, #tpu.memory_space<vmem>>
      %dma_wait3A_136 = arith.constant 0 : i32
      %dma_wait3A_137 = arith.constant 0 : i32
      %dma_wait3A_138 = tpu.memref_slice %arg2[%mul3A_2, %dma_wait3A_136, %dma_wait3A_137] : memref<2562x2x128xi32, #tpu.memory_space<hbm>> -> memref<1x2x128xi32, #tpu.memory_space<hbm>>
      %dma_wait3A_139 = tpu.memref_squeeze %dma_wait3A_138 : memref<1x2x128xi32, #tpu.memory_space<hbm>> -> memref<2x128xi32, #tpu.memory_space<hbm>>
      tpu.wait_dma2 semaphore(%run_scoped3A_107 : memref<!tpu.dma_semaphore, #tpu.memory_space<semaphore_mem>>) src(%dma_wait3A_139 : memref<2x128xi32, #tpu.memory_space<hbm>>) dst(%dma_wait3A_135 : memref<2x128xi32, #tpu.memory_space<vmem>>)
      tpu.yield
    }) : () -> ()
    %dma_start3A = arith.constant 0 : i32
    %dma_start3A_33 = arith.constant 0 : i32
    %dma_start3A_34 = arith.constant 0 : i32
    %dma_start3A_35 = arith.constant 0 : i32
    %dma_start3A_36 = arith.constant 0 : i32
    %dma_start3A_37 = tpu.memref_slice %arg6[%dma_start3A_34, %dma_start3A_35, %dma_start3A_36] : memref<2x128x128xf32, #tpu.memory_space<vmem>> -> memref<1x128x128xf32, #tpu.memory_space<vmem>>
    %dma_start3A_38 = tpu.memref_squeeze %dma_start3A_37 : memref<1x128x128xf32, #tpu.memory_space<vmem>> -> memref<128x128xf32, #tpu.memory_space<vmem>>
    %dma_start3A_39 = arith.constant 0 : i32
    %dma_start3A_40 = tpu.memref_slice %arg5[%dma_start3A, %dma_start3A_33, %dma_start3A_39] : memref<2x2x128xi32, #tpu.memory_space<vmem>> -> memref<1x1x128xi32, #tpu.memory_space<vmem>>
    %dma_start3A_41 = tpu.memref_squeeze %dma_start3A_40 : memref<1x1x128xi32, #tpu.memory_space<vmem>> -> memref<128xi32, #tpu.memory_space<vmem>>
    %dma_start3A_42 = arith.constant 0 : i32
    %dma_start3A_43 = arith.constant 0 : i32
    %dma_start3A_44 = tpu.memref_slice %arg3[%dma_start3A_42, %dma_start3A_43] : memref<10000x128xf32, #tpu.memory_space<hbm>> -> memref<10000x128xf32, #tpu.memory_space<hbm>>
    tpu.enqueue_indirect_dma source(%dma_start3A_44 : memref<10000x128xf32, #tpu.memory_space<hbm>>) target(%dma_start3A_38 : memref<128x128xf32, #tpu.memory_space<vmem>>) offsets(%dma_start3A_41 : memref<128xi32, #tpu.memory_space<vmem>>) semaphore(%arg10 : memref<!tpu.dma_semaphore, #tpu.memory_space<semaphore_mem>>)
    %add3A_45 = arith.constant 1 : i32
    %add3A_46 = arith.addi %mul3A_2, %add3A_45 : i32
    %dma_start3A_47 = arith.constant 1 : i32
    %dma_start3A_48 = arith.constant 0 : i32
    %dma_start3A_49 = arith.constant 0 : i32
    %dma_start3A_50 = tpu.memref_slice %arg5[%dma_start3A_47, %dma_start3A_48, %dma_start3A_49] : memref<2x2x128xi32, #tpu.memory_space<vmem>> -> memref<1x2x128xi32, #tpu.memory_space<vmem>>
    %dma_start3A_51 = tpu.memref_squeeze %dma_start3A_50 : memref<1x2x128xi32, #tpu.memory_space<vmem>> -> memref<2x128xi32, #tpu.memory_space<vmem>>
    %dma_start3A_52 = arith.constant 0 : i32
    %dma_start3A_53 = arith.constant 0 : i32
    %dma_start3A_54 = tpu.memref_slice %arg2[%add3A_46, %dma_start3A_52, %dma_start3A_53] : memref<2562x2x128xi32, #tpu.memory_space<hbm>> -> memref<1x2x128xi32, #tpu.memory_space<hbm>>
    %dma_start3A_55 = tpu.memref_squeeze %dma_start3A_54 : memref<1x2x128xi32, #tpu.memory_space<hbm>> -> memref<2x128xi32, #tpu.memory_space<hbm>>
    %dma_start3A_56 = arith.constant 0 : i32
    %dma_start3A_57 = arith.constant 0 : i32
    %dma_start3A_58 = tpu.memref_slice %arg5[%dma_start3A_47, %dma_start3A_56, %dma_start3A_57] : memref<2x2x128xi32, #tpu.memory_space<vmem>> -> memref<1x2x128xi32, #tpu.memory_space<vmem>>
    %dma_start3A_59 = tpu.memref_squeeze %dma_start3A_58 : memref<1x2x128xi32, #tpu.memory_space<vmem>> -> memref<2x128xi32, #tpu.memory_space<vmem>>
    %dma_start3A_60 = arith.constant 0 : i32
    %dma_start3A_61 = arith.constant 0 : i32
    %dma_start3A_62 = tpu.memref_slice %arg2[%add3A_46, %dma_start3A_60, %dma_start3A_61] : memref<2562x2x128xi32, #tpu.memory_space<hbm>> -> memref<1x2x128xi32, #tpu.memory_space<hbm>>
    %dma_start3A_63 = tpu.memref_squeeze %dma_start3A_62 : memref<1x2x128xi32, #tpu.memory_space<hbm>> -> memref<2x128xi32, #tpu.memory_space<hbm>>
    tpu.enqueue_dma source(%dma_start3A_63 : memref<2x128xi32, #tpu.memory_space<hbm>>) target(%dma_start3A_59 : memref<2x128xi32, #tpu.memory_space<vmem>>) target_semaphore(%arg9 : memref<!tpu.dma_semaphore, #tpu.memory_space<semaphore_mem>>)
    %barrier3A = arith.constant 0 : index
    tpu.barrier barrier_id(%barrier3A)
    %scan3A_64 = arith.constant 0 : i32
    %scan3A_65 = arith.constant 40 : i32
    %scan3A_66 = arith.addi %scan3A_64, %scan3A_65 : i32
    %scan3A_67 = arith.constant 1 : i32
    scf.for %scan3A_107 = %scan3A_64 to %scan3A_66 step %scan3A_67  : i32 {
      %mul3A_108 = arith.constant 2 : i32
      %mul3A_109 = arith.muli %scan3A_107, %mul3A_108 : i32
      %add3A_110 = arith.constant 0 : i32
      %add3A_111 = arith.addi %add3A_110, %mul3A_109 : i32
      %add3A_112 = arith.constant 0 : i32
      %add3A_113 = arith.addi %add3A_111, %add3A_112 : i32
      %add3A_114 = arith.addi %mul3A_2, %add3A_113 : i32
      %add3A_115 = arith.constant 1 : i32
      %add3A_116 = arith.addi %add3A_114, %add3A_115 : i32
      %dma_wait3A_117 = arith.constant 1 : i32
      %dma_wait3A_118 = arith.constant 0 : i32
      %dma_wait3A_119 = arith.constant 0 : i32
      %dma_wait3A_120 = tpu.memref_slice %arg5[%dma_wait3A_117, %dma_wait3A_118, %dma_wait3A_119] : memref<2x2x128xi32, #tpu.memory_space<vmem>> -> memref<1x2x128xi32, #tpu.memory_space<vmem>>
      %dma_wait3A_121 = tpu.memref_squeeze %dma_wait3A_120 : memref<1x2x128xi32, #tpu.memory_space<vmem>> -> memref<2x128xi32, #tpu.memory_space<vmem>>
      %dma_wait3A_122 = arith.constant 0 : i32
      %dma_wait3A_123 = arith.constant 0 : i32
      %dma_wait3A_124 = tpu.memref_slice %arg2[%add3A_116, %dma_wait3A_122, %dma_wait3A_123] : memref<2562x2x128xi32, #tpu.memory_space<hbm>> -> memref<1x2x128xi32, #tpu.memory_space<hbm>>
      %dma_wait3A_125 = tpu.memref_squeeze %dma_wait3A_124 : memref<1x2x128xi32, #tpu.memory_space<hbm>> -> memref<2x128xi32, #tpu.memory_space<hbm>>
      %dma_wait3A_126 = arith.constant 0 : i32
      %dma_wait3A_127 = arith.constant 0 : i32
      %dma_wait3A_128 = tpu.memref_slice %arg5[%dma_wait3A_117, %dma_wait3A_126, %dma_wait3A_127] : memref<2x2x128xi32, #tpu.memory_space<vmem>> -> memref<1x2x128xi32, #tpu.memory_space<vmem>>
      %dma_wait3A_129 = tpu.memref_squeeze %dma_wait3A_128 : memref<1x2x128xi32, #tpu.memory_space<vmem>> -> memref<2x128xi32, #tpu.memory_space<vmem>>
      %dma_wait3A_130 = arith.constant 0 : i32
      %dma_wait3A_131 = arith.constant 0 : i32
      %dma_wait3A_132 = tpu.memref_slice %arg2[%add3A_116, %dma_wait3A_130, %dma_wait3A_131] : memref<2562x2x128xi32, #tpu.memory_space<hbm>> -> memref<1x2x128xi32, #tpu.memory_space<hbm>>
      %dma_wait3A_133 = tpu.memref_squeeze %dma_wait3A_132 : memref<1x2x128xi32, #tpu.memory_space<hbm>> -> memref<2x128xi32, #tpu.memory_space<hbm>>
      tpu.wait_dma2 semaphore(%arg9 : memref<!tpu.dma_semaphore, #tpu.memory_space<semaphore_mem>>) src(%dma_wait3A_133 : memref<2x128xi32, #tpu.memory_space<hbm>>) dst(%dma_wait3A_129 : memref<2x128xi32, #tpu.memory_space<vmem>>)
      %dma_start3A_134 = arith.constant 1 : i32
      %dma_start3A_135 = arith.constant 0 : i32
      %dma_start3A_136 = arith.constant 1 : i32
      %dma_start3A_137 = arith.constant 0 : i32
      %dma_start3A_138 = arith.constant 0 : i32
      %dma_start3A_139 = tpu.memref_slice %arg6[%dma_start3A_136, %dma_start3A_137, %dma_start3A_138] : memref<2x128x128xf32, #tpu.memory_space<vmem>> -> memref<1x128x128xf32, #tpu.memory_space<vmem>>
      %dma_start3A_140 = tpu.memref_squeeze %dma_start3A_139 : memref<1x128x128xf32, #tpu.memory_space<vmem>> -> memref<128x128xf32, #tpu.memory_space<vmem>>
      %dma_start3A_141 = arith.constant 0 : i32
      %dma_start3A_142 = tpu.memref_slice %arg5[%dma_start3A_134, %dma_start3A_135, %dma_start3A_141] : memref<2x2x128xi32, #tpu.memory_space<vmem>> -> memref<1x1x128xi32, #tpu.memory_space<vmem>>
      %dma_start3A_143 = tpu.memref_squeeze %dma_start3A_142 : memref<1x1x128xi32, #tpu.memory_space<vmem>> -> memref<128xi32, #tpu.memory_space<vmem>>
      %dma_start3A_144 = arith.constant 0 : i32
      %dma_start3A_145 = arith.constant 0 : i32
      %dma_start3A_146 = tpu.memref_slice %arg3[%dma_start3A_144, %dma_start3A_145] : memref<10000x128xf32, #tpu.memory_space<hbm>> -> memref<10000x128xf32, #tpu.memory_space<hbm>>
      tpu.enqueue_indirect_dma source(%dma_start3A_146 : memref<10000x128xf32, #tpu.memory_space<hbm>>) target(%dma_start3A_140 : memref<128x128xf32, #tpu.memory_space<vmem>>) offsets(%dma_start3A_143 : memref<128xi32, #tpu.memory_space<vmem>>) semaphore(%arg11 : memref<!tpu.dma_semaphore, #tpu.memory_space<semaphore_mem>>)
      %dma_wait3A_147 = arith.constant 0 : i32
      %dma_wait3A_148 = arith.constant 0 : i32
      %dma_wait3A_149 = arith.constant 0 : i32
      %dma_wait3A_150 = arith.constant 0 : i32
      %dma_wait3A_151 = arith.constant 0 : i32
      %dma_wait3A_152 = tpu.memref_slice %arg6[%dma_wait3A_149, %dma_wait3A_150, %dma_wait3A_151] : memref<2x128x128xf32, #tpu.memory_space<vmem>> -> memref<1x128x128xf32, #tpu.memory_space<vmem>>
      %dma_wait3A_153 = tpu.memref_squeeze %dma_wait3A_152 : memref<1x128x128xf32, #tpu.memory_space<vmem>> -> memref<128x128xf32, #tpu.memory_space<vmem>>
      %dma_wait3A_154 = arith.constant 0 : i32
      %dma_wait3A_155 = tpu.memref_slice %arg5[%dma_wait3A_147, %dma_wait3A_148, %dma_wait3A_154] : memref<2x2x128xi32, #tpu.memory_space<vmem>> -> memref<1x1x128xi32, #tpu.memory_space<vmem>>
      %dma_wait3A_156 = tpu.memref_squeeze %dma_wait3A_155 : memref<1x1x128xi32, #tpu.memory_space<vmem>> -> memref<128xi32, #tpu.memory_space<vmem>>
      %dma_wait3A_157 = arith.constant 0 : i32
      %dma_wait3A_158 = arith.constant 0 : i32
      %dma_wait3A_159 = tpu.memref_slice %arg3[%dma_wait3A_157, %dma_wait3A_158] : memref<10000x128xf32, #tpu.memory_space<hbm>> -> memref<10000x128xf32, #tpu.memory_space<hbm>>
      tpu.wait_indirect_dma semaphore(%arg10 : memref<!tpu.dma_semaphore, #tpu.memory_space<semaphore_mem>>) src(%dma_wait3A_159 : memref<10000x128xf32, #tpu.memory_space<hbm>>) dst(%dma_wait3A_153 : memref<128x128xf32, #tpu.memory_space<vmem>>)
      %run_scoped3A_160 = arith.constant 0 : i32
      %run_scoped3A_161 = arith.constant 0 : i32
      %run_scoped3A_162 = arith.constant 1 : i32
      "tpu.region"() ({
        %run_scoped3A_254 = tpu.sem_alloc : memref<!tpu.dma_semaphore, #tpu.memory_space<semaphore_mem>>
        %dma_start3A_255 = arith.constant 0 : i32
        %dma_start3A_256 = arith.constant 0 : i32
        %dma_start3A_257 = tpu.memref_slice %arg6[%run_scoped3A_160, %dma_start3A_255, %dma_start3A_256] : memref<2x128x128xf32, #tpu.memory_space<vmem>> -> memref<1x128x128xf32, #tpu.memory_space<vmem>>
        %dma_start3A_258 = tpu.memref_squeeze %dma_start3A_257 : memref<1x128x128xf32, #tpu.memory_space<vmem>> -> memref<128x128xf32, #tpu.memory_space<vmem>>
        %dma_start3A_259 = arith.constant 0 : i32
        %dma_start3A_260 = tpu.memref_slice %arg5[%run_scoped3A_161, %run_scoped3A_162, %dma_start3A_259] : memref<2x2x128xi32, #tpu.memory_space<vmem>> -> memref<1x1x128xi32, #tpu.memory_space<vmem>>
        %dma_start3A_261 = tpu.memref_squeeze %dma_start3A_260 : memref<1x1x128xi32, #tpu.memory_space<vmem>> -> memref<128xi32, #tpu.memory_space<vmem>>
        %dma_start3A_262 = arith.constant 0 : i32
        %dma_start3A_263 = arith.constant 0 : i32
        %dma_start3A_264 = tpu.memref_slice %arg7[%dma_start3A_262, %dma_start3A_263] : memref<10112x128xf32, #tpu.memory_space<vmem_shared>> -> memref<10112x128xf32, #tpu.memory_space<vmem_shared>>
        tpu.enqueue_indirect_dma source(%dma_start3A_258 : memref<128x128xf32, #tpu.memory_space<vmem>>) target(%dma_start3A_264 : memref<10112x128xf32, #tpu.memory_space<vmem_shared>>) offsets(%dma_start3A_261 : memref<128xi32, #tpu.memory_space<vmem>>) semaphore(%run_scoped3A_254 : memref<!tpu.dma_semaphore, #tpu.memory_space<semaphore_mem>>) {add = true}
        %dma_wait3A_265 = arith.constant 0 : i32
        %dma_wait3A_266 = arith.constant 0 : i32
        %dma_wait3A_267 = tpu.memref_slice %arg6[%run_scoped3A_160, %dma_wait3A_265, %dma_wait3A_266] : memref<2x128x128xf32, #tpu.memory_space<vmem>> -> memref<1x128x128xf32, #tpu.memory_space<vmem>>
        %dma_wait3A_268 = tpu.memref_squeeze %dma_wait3A_267 : memref<1x128x128xf32, #tpu.memory_space<vmem>> -> memref<128x128xf32, #tpu.memory_space<vmem>>
        %dma_wait3A_269 = arith.constant 0 : i32
        %dma_wait3A_270 = tpu.memref_slice %arg5[%run_scoped3A_161, %run_scoped3A_162, %dma_wait3A_269] : memref<2x2x128xi32, #tpu.memory_space<vmem>> -> memref<1x1x128xi32, #tpu.memory_space<vmem>>
        %dma_wait3A_271 = tpu.memref_squeeze %dma_wait3A_270 : memref<1x1x128xi32, #tpu.memory_space<vmem>> -> memref<128xi32, #tpu.memory_space<vmem>>
        %dma_wait3A_272 = arith.constant 0 : i32
        %dma_wait3A_273 = arith.constant 0 : i32
        %dma_wait3A_274 = tpu.memref_slice %arg7[%dma_wait3A_272, %dma_wait3A_273] : memref<10112x128xf32, #tpu.memory_space<vmem_shared>> -> memref<10112x128xf32, #tpu.memory_space<vmem_shared>>
        tpu.wait_indirect_dma semaphore(%run_scoped3A_254 : memref<!tpu.dma_semaphore, #tpu.memory_space<semaphore_mem>>) src(%dma_wait3A_268 : memref<128x128xf32, #tpu.memory_space<vmem>>) dst(%dma_wait3A_274 : memref<10112x128xf32, #tpu.memory_space<vmem_shared>>)
        tpu.yield
      }) : () -> ()
      %add3A_163 = arith.addi %mul3A_2, %add3A_113 : i32
      %add3A_164 = arith.constant 2 : i32
      %add3A_165 = arith.addi %add3A_163, %add3A_164 : i32
      %dma_start3A_166 = arith.constant 0 : i32
      %dma_start3A_167 = arith.constant 0 : i32
      %dma_start3A_168 = arith.constant 0 : i32
      %dma_start3A_169 = tpu.memref_slice %arg5[%dma_start3A_166, %dma_start3A_167, %dma_start3A_168] : memref<2x2x128xi32, #tpu.memory_space<vmem>> -> memref<1x2x128xi32, #tpu.memory_space<vmem>>
      %dma_start3A_170 = tpu.memref_squeeze %dma_start3A_169 : memref<1x2x128xi32, #tpu.memory_space<vmem>> -> memref<2x128xi32, #tpu.memory_space<vmem>>
      %dma_start3A_171 = arith.constant 0 : i32
      %dma_start3A_172 = arith.constant 0 : i32
      %dma_start3A_173 = tpu.memref_slice %arg2[%add3A_165, %dma_start3A_171, %dma_start3A_172] : memref<2562x2x128xi32, #tpu.memory_space<hbm>> -> memref<1x2x128xi32, #tpu.memory_space<hbm>>
      %dma_start3A_174 = tpu.memref_squeeze %dma_start3A_173 : memref<1x2x128xi32, #tpu.memory_space<hbm>> -> memref<2x128xi32, #tpu.memory_space<hbm>>
      %dma_start3A_175 = arith.constant 0 : i32
      %dma_start3A_176 = arith.constant 0 : i32
      %dma_start3A_177 = tpu.memref_slice %arg5[%dma_start3A_166, %dma_start3A_175, %dma_start3A_176] : memref<2x2x128xi32, #tpu.memory_space<vmem>> -> memref<1x2x128xi32, #tpu.memory_space<vmem>>
      %dma_start3A_178 = tpu.memref_squeeze %dma_start3A_177 : memref<1x2x128xi32, #tpu.memory_space<vmem>> -> memref<2x128xi32, #tpu.memory_space<vmem>>
      %dma_start3A_179 = arith.constant 0 : i32
      %dma_start3A_180 = arith.constant 0 : i32
      %dma_start3A_181 = tpu.memref_slice %arg2[%add3A_165, %dma_start3A_179, %dma_start3A_180] : memref<2562x2x128xi32, #tpu.memory_space<hbm>> -> memref<1x2x128xi32, #tpu.memory_space<hbm>>
      %dma_start3A_182 = tpu.memref_squeeze %dma_start3A_181 : memref<1x2x128xi32, #tpu.memory_space<hbm>> -> memref<2x128xi32, #tpu.memory_space<hbm>>
      tpu.enqueue_dma source(%dma_start3A_182 : memref<2x128xi32, #tpu.memory_space<hbm>>) target(%dma_start3A_178 : memref<2x128xi32, #tpu.memory_space<vmem>>) target_semaphore(%arg8 : memref<!tpu.dma_semaphore, #tpu.memory_space<semaphore_mem>>)
      %add3A_183 = arith.constant 1 : i32
      %add3A_184 = arith.addi %add3A_111, %add3A_183 : i32
      %add3A_185 = arith.addi %mul3A_2, %add3A_184 : i32
      %add3A_186 = arith.constant 1 : i32
      %add3A_187 = arith.addi %add3A_185, %add3A_186 : i32
      %dma_wait3A_188 = arith.constant 0 : i32
      %dma_wait3A_189 = arith.constant 0 : i32
      %dma_wait3A_190 = arith.constant 0 : i32
      %dma_wait3A_191 = tpu.memref_slice %arg5[%dma_wait3A_188, %dma_wait3A_189, %dma_wait3A_190] : memref<2x2x128xi32, #tpu.memory_space<vmem>> -> memref<1x2x128xi32, #tpu.memory_space<vmem>>
      %dma_wait3A_192 = tpu.memref_squeeze %dma_wait3A_191 : memref<1x2x128xi32, #tpu.memory_space<vmem>> -> memref<2x128xi32, #tpu.memory_space<vmem>>
      %dma_wait3A_193 = arith.constant 0 : i32
      %dma_wait3A_194 = arith.constant 0 : i32
      %dma_wait3A_195 = tpu.memref_slice %arg2[%add3A_187, %dma_wait3A_193, %dma_wait3A_194] : memref<2562x2x128xi32, #tpu.memory_space<hbm>> -> memref<1x2x128xi32, #tpu.memory_space<hbm>>
      %dma_wait3A_196 = tpu.memref_squeeze %dma_wait3A_195 : memref<1x2x128xi32, #tpu.memory_space<hbm>> -> memref<2x128xi32, #tpu.memory_space<hbm>>
      %dma_wait3A_197 = arith.constant 0 : i32
      %dma_wait3A_198 = arith.constant 0 : i32
      %dma_wait3A_199 = tpu.memref_slice %arg5[%dma_wait3A_188, %dma_wait3A_197, %dma_wait3A_198] : memref<2x2x128xi32, #tpu.memory_space<vmem>> -> memref<1x2x128xi32, #tpu.memory_space<vmem>>
      %dma_wait3A_200 = tpu.memref_squeeze %dma_wait3A_199 : memref<1x2x128xi32, #tpu.memory_space<vmem>> -> memref<2x128xi32, #tpu.memory_space<vmem>>
      %dma_wait3A_201 = arith.constant 0 : i32
      %dma_wait3A_202 = arith.constant 0 : i32
      %dma_wait3A_203 = tpu.memref_slice %arg2[%add3A_187, %dma_wait3A_201, %dma_wait3A_202] : memref<2562x2x128xi32, #tpu.memory_space<hbm>> -> memref<1x2x128xi32, #tpu.memory_space<hbm>>
      %dma_wait3A_204 = tpu.memref_squeeze %dma_wait3A_203 : memref<1x2x128xi32, #tpu.memory_space<hbm>> -> memref<2x128xi32, #tpu.memory_space<hbm>>
      tpu.wait_dma2 semaphore(%arg8 : memref<!tpu.dma_semaphore, #tpu.memory_space<semaphore_mem>>) src(%dma_wait3A_204 : memref<2x128xi32, #tpu.memory_space<hbm>>) dst(%dma_wait3A_200 : memref<2x128xi32, #tpu.memory_space<vmem>>)
      %dma_start3A_205 = arith.constant 0 : i32
      %dma_start3A_206 = arith.constant 0 : i32
      %dma_start3A_207 = arith.constant 0 : i32
      %dma_start3A_208 = arith.constant 0 : i32
      %dma_start3A_209 = arith.constant 0 : i32
      %dma_start3A_210 = tpu.memref_slice %arg6[%dma_start3A_207, %dma_start3A_208, %dma_start3A_209] : memref<2x128x128xf32, #tpu.memory_space<vmem>> -> memref<1x128x128xf32, #tpu.memory_space<vmem>>
      %dma_start3A_211 = tpu.memref_squeeze %dma_start3A_210 : memref<1x128x128xf32, #tpu.memory_space<vmem>> -> memref<128x128xf32, #tpu.memory_space<vmem>>
      %dma_start3A_212 = arith.constant 0 : i32
      %dma_start3A_213 = tpu.memref_slice %arg5[%dma_start3A_205, %dma_start3A_206, %dma_start3A_212] : memref<2x2x128xi32, #tpu.memory_space<vmem>> -> memref<1x1x128xi32, #tpu.memory_space<vmem>>
      %dma_start3A_214 = tpu.memref_squeeze %dma_start3A_213 : memref<1x1x128xi32, #tpu.memory_space<vmem>> -> memref<128xi32, #tpu.memory_space<vmem>>
      %dma_start3A_215 = arith.constant 0 : i32
      %dma_start3A_216 = arith.constant 0 : i32
      %dma_start3A_217 = tpu.memref_slice %arg3[%dma_start3A_215, %dma_start3A_216] : memref<10000x128xf32, #tpu.memory_space<hbm>> -> memref<10000x128xf32, #tpu.memory_space<hbm>>
      tpu.enqueue_indirect_dma source(%dma_start3A_217 : memref<10000x128xf32, #tpu.memory_space<hbm>>) target(%dma_start3A_211 : memref<128x128xf32, #tpu.memory_space<vmem>>) offsets(%dma_start3A_214 : memref<128xi32, #tpu.memory_space<vmem>>) semaphore(%arg10 : memref<!tpu.dma_semaphore, #tpu.memory_space<semaphore_mem>>)
      %dma_wait3A_218 = arith.constant 1 : i32
      %dma_wait3A_219 = arith.constant 0 : i32
      %dma_wait3A_220 = arith.constant 1 : i32
      %dma_wait3A_221 = arith.constant 0 : i32
      %dma_wait3A_222 = arith.constant 0 : i32
      %dma_wait3A_223 = tpu.memref_slice %arg6[%dma_wait3A_220, %dma_wait3A_221, %dma_wait3A_222] : memref<2x128x128xf32, #tpu.memory_space<vmem>> -> memref<1x128x128xf32, #tpu.memory_space<vmem>>
      %dma_wait3A_224 = tpu.memref_squeeze %dma_wait3A_223 : memref<1x128x128xf32, #tpu.memory_space<vmem>> -> memref<128x128xf32, #tpu.memory_space<vmem>>
      %dma_wait3A_225 = arith.constant 0 : i32
      %dma_wait3A_226 = tpu.memref_slice %arg5[%dma_wait3A_218, %dma_wait3A_219, %dma_wait3A_225] : memref<2x2x128xi32, #tpu.memory_space<vmem>> -> memref<1x1x128xi32, #tpu.memory_space<vmem>>
      %dma_wait3A_227 = tpu.memref_squeeze %dma_wait3A_226 : memref<1x1x128xi32, #tpu.memory_space<vmem>> -> memref<128xi32, #tpu.memory_space<vmem>>
      %dma_wait3A_228 = arith.constant 0 : i32
      %dma_wait3A_229 = arith.constant 0 : i32
      %dma_wait3A_230 = tpu.memref_slice %arg3[%dma_wait3A_228, %dma_wait3A_229] : memref<10000x128xf32, #tpu.memory_space<hbm>> -> memref<10000x128xf32, #tpu.memory_space<hbm>>
      tpu.wait_indirect_dma semaphore(%arg11 : memref<!tpu.dma_semaphore, #tpu.memory_space<semaphore_mem>>) src(%dma_wait3A_230 : memref<10000x128xf32, #tpu.memory_space<hbm>>) dst(%dma_wait3A_224 : memref<128x128xf32, #tpu.memory_space<vmem>>)
      %run_scoped3A_231 = arith.constant 1 : i32
      %run_scoped3A_232 = arith.constant 1 : i32
      %run_scoped3A_233 = arith.constant 1 : i32
      "tpu.region"() ({
        %run_scoped3A_254 = tpu.sem_alloc : memref<!tpu.dma_semaphore, #tpu.memory_space<semaphore_mem>>
        %dma_start3A_255 = arith.constant 0 : i32
        %dma_start3A_256 = arith.constant 0 : i32
        %dma_start3A_257 = tpu.memref_slice %arg6[%run_scoped3A_231, %dma_start3A_255, %dma_start3A_256] : memref<2x128x128xf32, #tpu.memory_space<vmem>> -> memref<1x128x128xf32, #tpu.memory_space<vmem>>
        %dma_start3A_258 = tpu.memref_squeeze %dma_start3A_257 : memref<1x128x128xf32, #tpu.memory_space<vmem>> -> memref<128x128xf32, #tpu.memory_space<vmem>>
        %dma_start3A_259 = arith.constant 0 : i32
        %dma_start3A_260 = tpu.memref_slice %arg5[%run_scoped3A_232, %run_scoped3A_233, %dma_start3A_259] : memref<2x2x128xi32, #tpu.memory_space<vmem>> -> memref<1x1x128xi32, #tpu.memory_space<vmem>>
        %dma_start3A_261 = tpu.memref_squeeze %dma_start3A_260 : memref<1x1x128xi32, #tpu.memory_space<vmem>> -> memref<128xi32, #tpu.memory_space<vmem>>
        %dma_start3A_262 = arith.constant 0 : i32
        %dma_start3A_263 = arith.constant 0 : i32
        %dma_start3A_264 = tpu.memref_slice %arg7[%dma_start3A_262, %dma_start3A_263] : memref<10112x128xf32, #tpu.memory_space<vmem_shared>> -> memref<10112x128xf32, #tpu.memory_space<vmem_shared>>
        tpu.enqueue_indirect_dma source(%dma_start3A_258 : memref<128x128xf32, #tpu.memory_space<vmem>>) target(%dma_start3A_264 : memref<10112x128xf32, #tpu.memory_space<vmem_shared>>) offsets(%dma_start3A_261 : memref<128xi32, #tpu.memory_space<vmem>>) semaphore(%run_scoped3A_254 : memref<!tpu.dma_semaphore, #tpu.memory_space<semaphore_mem>>) {add = true}
        %dma_wait3A_265 = arith.constant 0 : i32
        %dma_wait3A_266 = arith.constant 0 : i32
        %dma_wait3A_267 = tpu.memref_slice %arg6[%run_scoped3A_231, %dma_wait3A_265, %dma_wait3A_266] : memref<2x128x128xf32, #tpu.memory_space<vmem>> -> memref<1x128x128xf32, #tpu.memory_space<vmem>>
        %dma_wait3A_268 = tpu.memref_squeeze %dma_wait3A_267 : memref<1x128x128xf32, #tpu.memory_space<vmem>> -> memref<128x128xf32, #tpu.memory_space<vmem>>
        %dma_wait3A_269 = arith.constant 0 : i32
        %dma_wait3A_270 = tpu.memref_slice %arg5[%run_scoped3A_232, %run_scoped3A_233, %dma_wait3A_269] : memref<2x2x128xi32, #tpu.memory_space<vmem>> -> memref<1x1x128xi32, #tpu.memory_space<vmem>>
        %dma_wait3A_271 = tpu.memref_squeeze %dma_wait3A_270 : memref<1x1x128xi32, #tpu.memory_space<vmem>> -> memref<128xi32, #tpu.memory_space<vmem>>
        %dma_wait3A_272 = arith.constant 0 : i32
        %dma_wait3A_273 = arith.constant 0 : i32
        %dma_wait3A_274 = tpu.memref_slice %arg7[%dma_wait3A_272, %dma_wait3A_273] : memref<10112x128xf32, #tpu.memory_space<vmem_shared>> -> memref<10112x128xf32, #tpu.memory_space<vmem_shared>>
        tpu.wait_indirect_dma semaphore(%run_scoped3A_254 : memref<!tpu.dma_semaphore, #tpu.memory_space<semaphore_mem>>) src(%dma_wait3A_268 : memref<128x128xf32, #tpu.memory_space<vmem>>) dst(%dma_wait3A_274 : memref<10112x128xf32, #tpu.memory_space<vmem_shared>>)
        tpu.yield
      }) : () -> ()
      %add3A_234 = arith.addi %mul3A_2, %add3A_184 : i32
      %add3A_235 = arith.constant 2 : i32
      %add3A_236 = arith.addi %add3A_234, %add3A_235 : i32
      %dma_start3A_237 = arith.constant 1 : i32
      %dma_start3A_238 = arith.constant 0 : i32
      %dma_start3A_239 = arith.constant 0 : i32
      %dma_start3A_240 = tpu.memref_slice %arg5[%dma_start3A_237, %dma_start3A_238, %dma_start3A_239] : memref<2x2x128xi32, #tpu.memory_space<vmem>> -> memref<1x2x128xi32, #tpu.memory_space<vmem>>
      %dma_start3A_241 = tpu.memref_squeeze %dma_start3A_240 : memref<1x2x128xi32, #tpu.memory_space<vmem>> -> memref<2x128xi32, #tpu.memory_space<vmem>>
      %dma_start3A_242 = arith.constant 0 : i32
      %dma_start3A_243 = arith.constant 0 : i32
      %dma_start3A_244 = tpu.memref_slice %arg2[%add3A_236, %dma_start3A_242, %dma_start3A_243] : memref<2562x2x128xi32, #tpu.memory_space<hbm>> -> memref<1x2x128xi32, #tpu.memory_space<hbm>>
      %dma_start3A_245 = tpu.memref_squeeze %dma_start3A_244 : memref<1x2x128xi32, #tpu.memory_space<hbm>> -> memref<2x128xi32, #tpu.memory_space<hbm>>
      %dma_start3A_246 = arith.constant 0 : i32
      %dma_start3A_247 = arith.constant 0 : i32
      %dma_start3A_248 = tpu.memref_slice %arg5[%dma_start3A_237, %dma_start3A_246, %dma_start3A_247] : memref<2x2x128xi32, #tpu.memory_space<vmem>> -> memref<1x2x128xi32, #tpu.memory_space<vmem>>
      %dma_start3A_249 = tpu.memref_squeeze %dma_start3A_248 : memref<1x2x128xi32, #tpu.memory_space<vmem>> -> memref<2x128xi32, #tpu.memory_space<vmem>>
      %dma_start3A_250 = arith.constant 0 : i32
      %dma_start3A_251 = arith.constant 0 : i32
      %dma_start3A_252 = tpu.memref_slice %arg2[%add3A_236, %dma_start3A_250, %dma_start3A_251] : memref<2562x2x128xi32, #tpu.memory_space<hbm>> -> memref<1x2x128xi32, #tpu.memory_space<hbm>>
      %dma_start3A_253 = tpu.memref_squeeze %dma_start3A_252 : memref<1x2x128xi32, #tpu.memory_space<hbm>> -> memref<2x128xi32, #tpu.memory_space<hbm>>
      tpu.enqueue_dma source(%dma_start3A_253 : memref<2x128xi32, #tpu.memory_space<hbm>>) target(%dma_start3A_249 : memref<2x128xi32, #tpu.memory_space<vmem>>) target_semaphore(%arg9 : memref<!tpu.dma_semaphore, #tpu.memory_space<semaphore_mem>>)
    }
    %scan3A_68 = arith.constant 40 : i32
    %dma_wait3A = arith.constant 0 : i32
    %dma_wait3A_69 = arith.constant 0 : i32
    %dma_wait3A_70 = arith.constant 0 : i32
    %dma_wait3A_71 = arith.constant 0 : i32
    %dma_wait3A_72 = arith.constant 0 : i32
    %dma_wait3A_73 = tpu.memref_slice %arg6[%dma_wait3A_70, %dma_wait3A_71, %dma_wait3A_72] : memref<2x128x128xf32, #tpu.memory_space<vmem>> -> memref<1x128x128xf32, #tpu.memory_space<vmem>>
    %dma_wait3A_74 = tpu.memref_squeeze %dma_wait3A_73 : memref<1x128x128xf32, #tpu.memory_space<vmem>> -> memref<128x128xf32, #tpu.memory_space<vmem>>
    %dma_wait3A_75 = arith.constant 0 : i32
    %dma_wait3A_76 = tpu.memref_slice %arg5[%dma_wait3A, %dma_wait3A_69, %dma_wait3A_75] : memref<2x2x128xi32, #tpu.memory_space<vmem>> -> memref<1x1x128xi32, #tpu.memory_space<vmem>>
    %dma_wait3A_77 = tpu.memref_squeeze %dma_wait3A_76 : memref<1x1x128xi32, #tpu.memory_space<vmem>> -> memref<128xi32, #tpu.memory_space<vmem>>
    %dma_wait3A_78 = arith.constant 0 : i32
    %dma_wait3A_79 = arith.constant 0 : i32
    %dma_wait3A_80 = tpu.memref_slice %arg3[%dma_wait3A_78, %dma_wait3A_79] : memref<10000x128xf32, #tpu.memory_space<hbm>> -> memref<10000x128xf32, #tpu.memory_space<hbm>>
    tpu.wait_indirect_dma semaphore(%arg10 : memref<!tpu.dma_semaphore, #tpu.memory_space<semaphore_mem>>) src(%dma_wait3A_80 : memref<10000x128xf32, #tpu.memory_space<hbm>>) dst(%dma_wait3A_74 : memref<128x128xf32, #tpu.memory_space<vmem>>)
    %add3A_81 = arith.constant 80 : i32
    %add3A_82 = arith.addi %mul3A_2, %add3A_81 : i32
    %add3A_83 = arith.constant 1 : i32
    %add3A_84 = arith.addi %add3A_82, %add3A_83 : i32
    %dma_wait3A_85 = arith.constant 1 : i32
    %dma_wait3A_86 = arith.constant 0 : i32
    %dma_wait3A_87 = arith.constant 0 : i32
    %dma_wait3A_88 = tpu.memref_slice %arg5[%dma_wait3A_85, %dma_wait3A_86, %dma_wait3A_87] : memref<2x2x128xi32, #tpu.memory_space<vmem>> -> memref<1x2x128xi32, #tpu.memory_space<vmem>>
    %dma_wait3A_89 = tpu.memref_squeeze %dma_wait3A_88 : memref<1x2x128xi32, #tpu.memory_space<vmem>> -> memref<2x128xi32, #tpu.memory_space<vmem>>
    %dma_wait3A_90 = arith.constant 0 : i32
    %dma_wait3A_91 = arith.constant 0 : i32
    %dma_wait3A_92 = tpu.memref_slice %arg2[%add3A_84, %dma_wait3A_90, %dma_wait3A_91] : memref<2562x2x128xi32, #tpu.memory_space<hbm>> -> memref<1x2x128xi32, #tpu.memory_space<hbm>>
    %dma_wait3A_93 = tpu.memref_squeeze %dma_wait3A_92 : memref<1x2x128xi32, #tpu.memory_space<hbm>> -> memref<2x128xi32, #tpu.memory_space<hbm>>
    %dma_wait3A_94 = arith.constant 0 : i32
    %dma_wait3A_95 = arith.constant 0 : i32
    %dma_wait3A_96 = tpu.memref_slice %arg5[%dma_wait3A_85, %dma_wait3A_94, %dma_wait3A_95] : memref<2x2x128xi32, #tpu.memory_space<vmem>> -> memref<1x2x128xi32, #tpu.memory_space<vmem>>
    %dma_wait3A_97 = tpu.memref_squeeze %dma_wait3A_96 : memref<1x2x128xi32, #tpu.memory_space<vmem>> -> memref<2x128xi32, #tpu.memory_space<vmem>>
    %dma_wait3A_98 = arith.constant 0 : i32
    %dma_wait3A_99 = arith.constant 0 : i32
    %dma_wait3A_100 = tpu.memref_slice %arg2[%add3A_84, %dma_wait3A_98, %dma_wait3A_99] : memref<2562x2x128xi32, #tpu.memory_space<hbm>> -> memref<1x2x128xi32, #tpu.memory_space<hbm>>
    %dma_wait3A_101 = tpu.memref_squeeze %dma_wait3A_100 : memref<1x2x128xi32, #tpu.memory_space<hbm>> -> memref<2x128xi32, #tpu.memory_space<hbm>>
    tpu.wait_dma2 semaphore(%arg9 : memref<!tpu.dma_semaphore, #tpu.memory_space<semaphore_mem>>) src(%dma_wait3A_101 : memref<2x128xi32, #tpu.memory_space<hbm>>) dst(%dma_wait3A_97 : memref<2x128xi32, #tpu.memory_space<vmem>>)
    %barrier3A_102 = arith.constant 0 : index
    tpu.barrier barrier_id(%barrier3A_102)
    %mul3A_103 = arith.constant 632 : i32
    %mul3A_104 = arith.muli %arg1, %mul3A_103 : i32
    %mul3A_105 = arith.constant 632 : i32
    %mul3A_106 = arith.muli %arg1, %mul3A_105 : i32
    "tpu.region"() ({
      %run_scoped3A_107 = tpu.sem_alloc : memref<!tpu.dma_semaphore, #tpu.memory_space<semaphore_mem>>
      %dma_start3A_108 = arith.constant 0 : i32
      %dma_start3A_109 = tpu.memref_slice %arg4[%arg0, %mul3A_106, %dma_start3A_108] : memref<2x10112x128xf32, #tpu.memory_space<hbm>> -> memref<1x632x128xf32, #tpu.memory_space<hbm>>
      %dma_start3A_110 = tpu.memref_squeeze %dma_start3A_109 : memref<1x632x128xf32, #tpu.memory_space<hbm>> -> memref<632x128xf32, #tpu.memory_space<hbm>>
      %dma_start3A_111 = arith.constant 0 : i32
      %dma_start3A_112 = tpu.memref_slice %arg7[%mul3A_104, %dma_start3A_111] : memref<10112x128xf32, #tpu.memory_space<vmem_shared>> -> memref<632x128xf32, #tpu.memory_space<vmem_shared>>
      tpu.enqueue_dma source(%dma_start3A_112 : memref<632x128xf32, #tpu.memory_space<vmem_shared>>) target(%dma_start3A_110 : memref<632x128xf32, #tpu.memory_space<hbm>>) target_semaphore(%run_scoped3A_107 : memref<!tpu.dma_semaphore, #tpu.memory_space<semaphore_mem>>)
      %dma_wait3A_113 = arith.constant 0 : i32
      %dma_wait3A_114 = tpu.memref_slice %arg4[%arg0, %mul3A_106, %dma_wait3A_113] : memref<2x10112x128xf32, #tpu.memory_space<hbm>> -> memref<1x632x128xf32, #tpu.memory_space<hbm>>
      %dma_wait3A_115 = tpu.memref_squeeze %dma_wait3A_114 : memref<1x632x128xf32, #tpu.memory_space<hbm>> -> memref<632x128xf32, #tpu.memory_space<hbm>>
      %dma_wait3A_116 = arith.constant 0 : i32
      %dma_wait3A_117 = tpu.memref_slice %arg7[%mul3A_104, %dma_wait3A_116] : memref<10112x128xf32, #tpu.memory_space<vmem_shared>> -> memref<632x128xf32, #tpu.memory_space<vmem_shared>>
      tpu.wait_dma2 semaphore(%run_scoped3A_107 : memref<!tpu.dma_semaphore, #tpu.memory_space<semaphore_mem>>) src(%dma_wait3A_117 : memref<632x128xf32, #tpu.memory_space<vmem_shared>>) dst(%dma_wait3A_115 : memref<632x128xf32, #tpu.memory_space<hbm>>)
      tpu.yield
    }) : () -> ()
    return
  }
}

#map = affine_map<(d0, d1) -> (0, 0, 0)>
#map1 = affine_map<(d0, d1) -> (0, 0)>
module attributes {stable_mosaic.version = 14 : i64} {
  func.func @_sc_round(%arg0: i32, %arg1: i32, %arg2: memref<2562x2x128xi32, #tpu.memory_space<hbm>>, %arg3: memref<10000x128xf32, #tpu.memory_space<hbm>>, %arg4: memref<2x10112x128xf32, #tpu.memory_space<hbm>>, %arg5: memref<2x2x128xi32, #tpu.memory_space<vmem>>, %arg6: memref<2x128x128xf32, #tpu.memory_space<vmem>>, %arg7: memref<10112x128xf32, #tpu.memory_space<vmem_shared>>, %arg8: memref<!tpu.dma_semaphore, #tpu.memory_space<semaphore_mem>>, %arg9: memref<!tpu.dma_semaphore, #tpu.memory_space<semaphore_mem>>, %arg10: memref<!tpu.dma_semaphore, #tpu.memory_space<semaphore_mem>>, %arg11: memref<!tpu.dma_semaphore, #tpu.memory_space<semaphore_mem>>) attributes {dimension_semantics = [#tpu.dimension_semantics<core_parallel>, #tpu.dimension_semantics<subcore_parallel>], iteration_bounds = array<i64: 2, 16>, scalar_prefetch = 0 : i64, scratch_operands = 7 : i64, tpu.core_type = #tpu.core_type<sc_vector_subcore>, window_params = [{transform_indices = #map}, {transform_indices = #map1}, {transform_indices = #map}]} {
    %mul3A = arith.constant 2 : i32
    %mul3A_0 = arith.muli %arg1, %mul3A : i32
    %add3A = arith.addi %mul3A_0, %arg0 : i32
    %mul3A_1 = arith.constant 80 : i32
    %mul3A_2 = arith.muli %add3A, %mul3A_1 : i32
    %broadcast_in_dim3A = arith.constant 0.000000e+00 : f32
    %broadcast_in_dim3A_3 = vector.broadcast %broadcast_in_dim3A : f32 to vector<16xf32>
    %scan3A = arith.constant 0 : i32
    %scan3A_4 = arith.constant 128 : i32
    %scan3A_5 = arith.addi %scan3A, %scan3A_4 : i32
    %scan3A_6 = arith.constant 1 : i32
    scf.for %scan3A_107 = %scan3A to %scan3A_5 step %scan3A_6  : i32 {
      %mul3A_108 = arith.constant 1 : i32
      %mul3A_109 = arith.muli %scan3A_107, %mul3A_108 : i32
      %add3A_110 = arith.constant 0 : i32
      %add3A_111 = arith.addi %add3A_110, %mul3A_109 : i32
      %scan3A_112 = arith.constant 0 : i32
      %scan3A_113 = arith.constant 8 : i32
      %scan3A_114 = arith.addi %scan3A_112, %scan3A_113 : i32
      %scan3A_115 = arith.constant 1 : i32
      scf.for %scan3A_117 = %scan3A_112 to %scan3A_114 step %scan3A_115  : i32 {
        %mul3A_118 = arith.constant 16 : i32
        %mul3A_119 = arith.muli %scan3A_117, %mul3A_118 : i32
        %add3A_120 = arith.constant 0 : i32
        %add3A_121 = arith.addi %add3A_120, %mul3A_119 : i32
        %swap3A = arith.constant 0 : i32
        %swap3A_122 = arith.index_cast %swap3A : i32 to index
        %swap3A_123 = arith.index_cast %add3A_111 : i32 to index
        %swap3A_124 = arith.index_cast %add3A_121 : i32 to index
        %swap3A_125 = tpu.vector_load %arg6[%swap3A_122, %swap3A_123, %swap3A_124] {strides = array<i32>} : memref<2x128x128xf32, #tpu.memory_space<vmem>>, vector<1x1x16xf32>,
        %swap3A_126 = vector.shape_cast %swap3A_125 : vector<1x1x16xf32> to vector<16xf32>
        %swap3A_127 = vector.shape_cast %broadcast_in_dim3A_3 : vector<16xf32> to vector<1x1x16xf32>
        tpu.vector_store %arg6[%swap3A_122, %swap3A_123, %swap3A_124], %swap3A_127 {strides = array<i32>} : memref<2x128x128xf32, #tpu.memory_space<vmem>>, vector<1x1x16xf32>,
      }
      %scan3A_116 = arith.constant 8 : i32
    }
    %scan3A_7 = arith.constant 128 : i32
    %mul3A_8 = arith.constant 632 : i32
    %mul3A_9 = arith.muli %arg1, %mul3A_8 : i32
    %add3A_10 = arith.constant 0 : i32
    %add3A_11 = arith.addi %mul3A_9, %add3A_10 : i32
    %run_scoped3A = arith.constant 0 : i32
    "tpu.region"() ({
      %run_scoped3A_107 = tpu.sem_alloc : memref<!tpu.dma_semaphore, #tpu.memory_space<semaphore_mem>>
      %dma_start3A_108 = arith.constant 0 : i32
      %dma_start3A_109 = arith.constant 0 : i32
      %dma_start3A_110 = tpu.memref_slice %arg6[%run_scoped3A, %dma_start3A_108, %dma_start3A_109] : memref<2x128x128xf32, #tpu.memory_space<vmem>> -> memref<1x128x128xf32, #tpu.memory_space<vmem>>
      %dma_start3A_111 = tpu.memref_squeeze %dma_start3A_110 : memref<1x128x128xf32, #tpu.memory_space<vmem>> -> memref<128x128xf32, #tpu.memory_space<vmem>>
      %dma_start3A_112 = arith.constant 0 : i32
      %dma_start3A_113 = tpu.memref_slice %arg7[%add3A_11, %dma_start3A_112] : memref<10112x128xf32, #tpu.memory_space<vmem_shared>> -> memref<128x128xf32, #tpu.memory_space<vmem_shared>>
      %dma_start3A_114 = arith.constant 0 : i32
      %dma_start3A_115 = tpu.memref_slice %arg7[%add3A_11, %dma_start3A_114] : memref<10112x128xf32, #tpu.memory_space<vmem_shared>> -> memref<128x128xf32, #tpu.memory_space<vmem_shared>>
      %dma_start3A_116 = arith.constant 0 : i32
      %dma_start3A_117 = arith.constant 0 : i32
      %dma_start3A_118 = tpu.memref_slice %arg6[%run_scoped3A, %dma_start3A_116, %dma_start3A_117] : memref<2x128x128xf32, #tpu.memory_space<vmem>> -> memref<1x128x128xf32, #tpu.memory_space<vmem>>
      %dma_start3A_119 = tpu.memref_squeeze %dma_start3A_118 : memref<1x128x128xf32, #tpu.memory_space<vmem>> -> memref<128x128xf32, #tpu.memory_space<vmem>>
      tpu.enqueue_dma source(%dma_start3A_119 : memref<128x128xf32, #tpu.memory_space<vmem>>) target(%dma_start3A_115 : memref<128x128xf32, #tpu.memory_space<vmem_shared>>) target_semaphore(%run_scoped3A_107 : memref<!tpu.dma_semaphore, #tpu.memory_space<semaphore_mem>>)
      %dma_wait3A_120 = arith.constant 0 : i32
      %dma_wait3A_121 = arith.constant 0 : i32
      %dma_wait3A_122 = tpu.memref_slice %arg6[%run_scoped3A, %dma_wait3A_120, %dma_wait3A_121] : memref<2x128x128xf32, #tpu.memory_space<vmem>> -> memref<1x128x128xf32, #tpu.memory_space<vmem>>
      %dma_wait3A_123 = tpu.memref_squeeze %dma_wait3A_122 : memref<1x128x128xf32, #tpu.memory_space<vmem>> -> memref<128x128xf32, #tpu.memory_space<vmem>>
      %dma_wait3A_124 = arith.constant 0 : i32
      %dma_wait3A_125 = tpu.memref_slice %arg7[%add3A_11, %dma_wait3A_124] : memref<10112x128xf32, #tpu.memory_space<vmem_shared>> -> memref<128x128xf32, #tpu.memory_space<vmem_shared>>
      %dma_wait3A_126 = arith.constant 0 : i32
      %dma_wait3A_127 = tpu.memref_slice %arg7[%add3A_11, %dma_wait3A_126] : memref<10112x128xf32, #tpu.memory_space<vmem_shared>> -> memref<128x128xf32, #tpu.memory_space<vmem_shared>>
      %dma_wait3A_128 = arith.constant 0 : i32
      %dma_wait3A_129 = arith.constant 0 : i32
      %dma_wait3A_130 = tpu.memref_slice %arg6[%run_scoped3A, %dma_wait3A_128, %dma_wait3A_129] : memref<2x128x128xf32, #tpu.memory_space<vmem>> -> memref<1x128x128xf32, #tpu.memory_space<vmem>>
      %dma_wait3A_131 = tpu.memref_squeeze %dma_wait3A_130 : memref<1x128x128xf32, #tpu.memory_space<vmem>> -> memref<128x128xf32, #tpu.memory_space<vmem>>
      tpu.wait_dma2 semaphore(%run_scoped3A_107 : memref<!tpu.dma_semaphore, #tpu.memory_space<semaphore_mem>>) src(%dma_wait3A_131 : memref<128x128xf32, #tpu.memory_space<vmem>>) dst(%dma_wait3A_127 : memref<128x128xf32, #tpu.memory_space<vmem_shared>>)
      tpu.yield
    }) : () -> ()
    %mul3A_12 = arith.constant 632 : i32
    %mul3A_13 = arith.muli %arg1, %mul3A_12 : i32
    %add3A_14 = arith.constant 128 : i32
    %add3A_15 = arith.addi %mul3A_13, %add3A_14 : i32
    %run_scoped3A_16 = arith.constant 0 : i32
    "tpu.region"() ({
      %run_scoped3A_107 = tpu.sem_alloc : memref<!tpu.dma_semaphore, #tpu.memory_space<semaphore_mem>>
      %dma_start3A_108 = arith.constant 0 : i32
      %dma_start3A_109 = arith.constant 0 : i32
      %dma_start3A_110 = tpu.memref_slice %arg6[%run_scoped3A_16, %dma_start3A_108, %dma_start3A_109] : memref<2x128x128xf32, #tpu.memory_space<vmem>> -> memref<1x128x128xf32, #tpu.memory_space<vmem>>
      %dma_start3A_111 = tpu.memref_squeeze %dma_start3A_110 : memref<1x128x128xf32, #tpu.memory_space<vmem>> -> memref<128x128xf32, #tpu.memory_space<vmem>>
      %dma_start3A_112 = arith.constant 0 : i32
      %dma_start3A_113 = tpu.memref_slice %arg7[%add3A_15, %dma_start3A_112] : memref<10112x128xf32, #tpu.memory_space<vmem_shared>> -> memref<128x128xf32, #tpu.memory_space<vmem_shared>>
      %dma_start3A_114 = arith.constant 0 : i32
      %dma_start3A_115 = tpu.memref_slice %arg7[%add3A_15, %dma_start3A_114] : memref<10112x128xf32, #tpu.memory_space<vmem_shared>> -> memref<128x128xf32, #tpu.memory_space<vmem_shared>>
      %dma_start3A_116 = arith.constant 0 : i32
      %dma_start3A_117 = arith.constant 0 : i32
      %dma_start3A_118 = tpu.memref_slice %arg6[%run_scoped3A_16, %dma_start3A_116, %dma_start3A_117] : memref<2x128x128xf32, #tpu.memory_space<vmem>> -> memref<1x128x128xf32, #tpu.memory_space<vmem>>
      %dma_start3A_119 = tpu.memref_squeeze %dma_start3A_118 : memref<1x128x128xf32, #tpu.memory_space<vmem>> -> memref<128x128xf32, #tpu.memory_space<vmem>>
      tpu.enqueue_dma source(%dma_start3A_119 : memref<128x128xf32, #tpu.memory_space<vmem>>) target(%dma_start3A_115 : memref<128x128xf32, #tpu.memory_space<vmem_shared>>) target_semaphore(%run_scoped3A_107 : memref<!tpu.dma_semaphore, #tpu.memory_space<semaphore_mem>>)
      %dma_wait3A_120 = arith.constant 0 : i32
      %dma_wait3A_121 = arith.constant 0 : i32
      %dma_wait3A_122 = tpu.memref_slice %arg6[%run_scoped3A_16, %dma_wait3A_120, %dma_wait3A_121] : memref<2x128x128xf32, #tpu.memory_space<vmem>> -> memref<1x128x128xf32, #tpu.memory_space<vmem>>
      %dma_wait3A_123 = tpu.memref_squeeze %dma_wait3A_122 : memref<1x128x128xf32, #tpu.memory_space<vmem>> -> memref<128x128xf32, #tpu.memory_space<vmem>>
      %dma_wait3A_124 = arith.constant 0 : i32
      %dma_wait3A_125 = tpu.memref_slice %arg7[%add3A_15, %dma_wait3A_124] : memref<10112x128xf32, #tpu.memory_space<vmem_shared>> -> memref<128x128xf32, #tpu.memory_space<vmem_shared>>
      %dma_wait3A_126 = arith.constant 0 : i32
      %dma_wait3A_127 = tpu.memref_slice %arg7[%add3A_15, %dma_wait3A_126] : memref<10112x128xf32, #tpu.memory_space<vmem_shared>> -> memref<128x128xf32, #tpu.memory_space<vmem_shared>>
      %dma_wait3A_128 = arith.constant 0 : i32
      %dma_wait3A_129 = arith.constant 0 : i32
      %dma_wait3A_130 = tpu.memref_slice %arg6[%run_scoped3A_16, %dma_wait3A_128, %dma_wait3A_129] : memref<2x128x128xf32, #tpu.memory_space<vmem>> -> memref<1x128x128xf32, #tpu.memory_space<vmem>>
      %dma_wait3A_131 = tpu.memref_squeeze %dma_wait3A_130 : memref<1x128x128xf32, #tpu.memory_space<vmem>> -> memref<128x128xf32, #tpu.memory_space<vmem>>
      tpu.wait_dma2 semaphore(%run_scoped3A_107 : memref<!tpu.dma_semaphore, #tpu.memory_space<semaphore_mem>>) src(%dma_wait3A_131 : memref<128x128xf32, #tpu.memory_space<vmem>>) dst(%dma_wait3A_127 : memref<128x128xf32, #tpu.memory_space<vmem_shared>>)
      tpu.yield
    }) : () -> ()
    %mul3A_17 = arith.constant 632 : i32
    %mul3A_18 = arith.muli %arg1, %mul3A_17 : i32
    %add3A_19 = arith.constant 256 : i32
    %add3A_20 = arith.addi %mul3A_18, %add3A_19 : i32
    %run_scoped3A_21 = arith.constant 0 : i32
    "tpu.region"() ({
      %run_scoped3A_107 = tpu.sem_alloc : memref<!tpu.dma_semaphore, #tpu.memory_space<semaphore_mem>>
      %dma_start3A_108 = arith.constant 0 : i32
      %dma_start3A_109 = arith.constant 0 : i32
      %dma_start3A_110 = tpu.memref_slice %arg6[%run_scoped3A_21, %dma_start3A_108, %dma_start3A_109] : memref<2x128x128xf32, #tpu.memory_space<vmem>> -> memref<1x128x128xf32, #tpu.memory_space<vmem>>
      %dma_start3A_111 = tpu.memref_squeeze %dma_start3A_110 : memref<1x128x128xf32, #tpu.memory_space<vmem>> -> memref<128x128xf32, #tpu.memory_space<vmem>>
      %dma_start3A_112 = arith.constant 0 : i32
      %dma_start3A_113 = tpu.memref_slice %arg7[%add3A_20, %dma_start3A_112] : memref<10112x128xf32, #tpu.memory_space<vmem_shared>> -> memref<128x128xf32, #tpu.memory_space<vmem_shared>>
      %dma_start3A_114 = arith.constant 0 : i32
      %dma_start3A_115 = tpu.memref_slice %arg7[%add3A_20, %dma_start3A_114] : memref<10112x128xf32, #tpu.memory_space<vmem_shared>> -> memref<128x128xf32, #tpu.memory_space<vmem_shared>>
      %dma_start3A_116 = arith.constant 0 : i32
      %dma_start3A_117 = arith.constant 0 : i32
      %dma_start3A_118 = tpu.memref_slice %arg6[%run_scoped3A_21, %dma_start3A_116, %dma_start3A_117] : memref<2x128x128xf32, #tpu.memory_space<vmem>> -> memref<1x128x128xf32, #tpu.memory_space<vmem>>
      %dma_start3A_119 = tpu.memref_squeeze %dma_start3A_118 : memref<1x128x128xf32, #tpu.memory_space<vmem>> -> memref<128x128xf32, #tpu.memory_space<vmem>>
      tpu.enqueue_dma source(%dma_start3A_119 : memref<128x128xf32, #tpu.memory_space<vmem>>) target(%dma_start3A_115 : memref<128x128xf32, #tpu.memory_space<vmem_shared>>) target_semaphore(%run_scoped3A_107 : memref<!tpu.dma_semaphore, #tpu.memory_space<semaphore_mem>>)
      %dma_wait3A_120 = arith.constant 0 : i32
      %dma_wait3A_121 = arith.constant 0 : i32
      %dma_wait3A_122 = tpu.memref_slice %arg6[%run_scoped3A_21, %dma_wait3A_120, %dma_wait3A_121] : memref<2x128x128xf32, #tpu.memory_space<vmem>> -> memref<1x128x128xf32, #tpu.memory_space<vmem>>
      %dma_wait3A_123 = tpu.memref_squeeze %dma_wait3A_122 : memref<1x128x128xf32, #tpu.memory_space<vmem>> -> memref<128x128xf32, #tpu.memory_space<vmem>>
      %dma_wait3A_124 = arith.constant 0 : i32
      %dma_wait3A_125 = tpu.memref_slice %arg7[%add3A_20, %dma_wait3A_124] : memref<10112x128xf32, #tpu.memory_space<vmem_shared>> -> memref<128x128xf32, #tpu.memory_space<vmem_shared>>
      %dma_wait3A_126 = arith.constant 0 : i32
      %dma_wait3A_127 = tpu.memref_slice %arg7[%add3A_20, %dma_wait3A_126] : memref<10112x128xf32, #tpu.memory_space<vmem_shared>> -> memref<128x128xf32, #tpu.memory_space<vmem_shared>>
      %dma_wait3A_128 = arith.constant 0 : i32
      %dma_wait3A_129 = arith.constant 0 : i32
      %dma_wait3A_130 = tpu.memref_slice %arg6[%run_scoped3A_21, %dma_wait3A_128, %dma_wait3A_129] : memref<2x128x128xf32, #tpu.memory_space<vmem>> -> memref<1x128x128xf32, #tpu.memory_space<vmem>>
      %dma_wait3A_131 = tpu.memref_squeeze %dma_wait3A_130 : memref<1x128x128xf32, #tpu.memory_space<vmem>> -> memref<128x128xf32, #tpu.memory_space<vmem>>
      tpu.wait_dma2 semaphore(%run_scoped3A_107 : memref<!tpu.dma_semaphore, #tpu.memory_space<semaphore_mem>>) src(%dma_wait3A_131 : memref<128x128xf32, #tpu.memory_space<vmem>>) dst(%dma_wait3A_127 : memref<128x128xf32, #tpu.memory_space<vmem_shared>>)
      tpu.yield
    }) : () -> ()
    %mul3A_22 = arith.constant 632 : i32
    %mul3A_23 = arith.muli %arg1, %mul3A_22 : i32
    %add3A_24 = arith.constant 384 : i32
    %add3A_25 = arith.addi %mul3A_23, %add3A_24 : i32
    %run_scoped3A_26 = arith.constant 0 : i32
    "tpu.region"() ({
      %run_scoped3A_107 = tpu.sem_alloc : memref<!tpu.dma_semaphore, #tpu.memory_space<semaphore_mem>>
      %dma_start3A_108 = arith.constant 0 : i32
      %dma_start3A_109 = arith.constant 0 : i32
      %dma_start3A_110 = tpu.memref_slice %arg6[%run_scoped3A_26, %dma_start3A_108, %dma_start3A_109] : memref<2x128x128xf32, #tpu.memory_space<vmem>> -> memref<1x128x128xf32, #tpu.memory_space<vmem>>
      %dma_start3A_111 = tpu.memref_squeeze %dma_start3A_110 : memref<1x128x128xf32, #tpu.memory_space<vmem>> -> memref<128x128xf32, #tpu.memory_space<vmem>>
      %dma_start3A_112 = arith.constant 0 : i32
      %dma_start3A_113 = tpu.memref_slice %arg7[%add3A_25, %dma_start3A_112] : memref<10112x128xf32, #tpu.memory_space<vmem_shared>> -> memref<128x128xf32, #tpu.memory_space<vmem_shared>>
      %dma_start3A_114 = arith.constant 0 : i32
      %dma_start3A_115 = tpu.memref_slice %arg7[%add3A_25, %dma_start3A_114] : memref<10112x128xf32, #tpu.memory_space<vmem_shared>> -> memref<128x128xf32, #tpu.memory_space<vmem_shared>>
      %dma_start3A_116 = arith.constant 0 : i32
      %dma_start3A_117 = arith.constant 0 : i32
      %dma_start3A_118 = tpu.memref_slice %arg6[%run_scoped3A_26, %dma_start3A_116, %dma_start3A_117] : memref<2x128x128xf32, #tpu.memory_space<vmem>> -> memref<1x128x128xf32, #tpu.memory_space<vmem>>
      %dma_start3A_119 = tpu.memref_squeeze %dma_start3A_118 : memref<1x128x128xf32, #tpu.memory_space<vmem>> -> memref<128x128xf32, #tpu.memory_space<vmem>>
      tpu.enqueue_dma source(%dma_start3A_119 : memref<128x128xf32, #tpu.memory_space<vmem>>) target(%dma_start3A_115 : memref<128x128xf32, #tpu.memory_space<vmem_shared>>) target_semaphore(%run_scoped3A_107 : memref<!tpu.dma_semaphore, #tpu.memory_space<semaphore_mem>>)
      %dma_wait3A_120 = arith.constant 0 : i32
      %dma_wait3A_121 = arith.constant 0 : i32
      %dma_wait3A_122 = tpu.memref_slice %arg6[%run_scoped3A_26, %dma_wait3A_120, %dma_wait3A_121] : memref<2x128x128xf32, #tpu.memory_space<vmem>> -> memref<1x128x128xf32, #tpu.memory_space<vmem>>
      %dma_wait3A_123 = tpu.memref_squeeze %dma_wait3A_122 : memref<1x128x128xf32, #tpu.memory_space<vmem>> -> memref<128x128xf32, #tpu.memory_space<vmem>>
      %dma_wait3A_124 = arith.constant 0 : i32
      %dma_wait3A_125 = tpu.memref_slice %arg7[%add3A_25, %dma_wait3A_124] : memref<10112x128xf32, #tpu.memory_space<vmem_shared>> -> memref<128x128xf32, #tpu.memory_space<vmem_shared>>
      %dma_wait3A_126 = arith.constant 0 : i32
      %dma_wait3A_127 = tpu.memref_slice %arg7[%add3A_25, %dma_wait3A_126] : memref<10112x128xf32, #tpu.memory_space<vmem_shared>> -> memref<128x128xf32, #tpu.memory_space<vmem_shared>>
      %dma_wait3A_128 = arith.constant 0 : i32
      %dma_wait3A_129 = arith.constant 0 : i32
      %dma_wait3A_130 = tpu.memref_slice %arg6[%run_scoped3A_26, %dma_wait3A_128, %dma_wait3A_129] : memref<2x128x128xf32, #tpu.memory_space<vmem>> -> memref<1x128x128xf32, #tpu.memory_space<vmem>>
      %dma_wait3A_131 = tpu.memref_squeeze %dma_wait3A_130 : memref<1x128x128xf32, #tpu.memory_space<vmem>> -> memref<128x128xf32, #tpu.memory_space<vmem>>
      tpu.wait_dma2 semaphore(%run_scoped3A_107 : memref<!tpu.dma_semaphore, #tpu.memory_space<semaphore_mem>>) src(%dma_wait3A_131 : memref<128x128xf32, #tpu.memory_space<vmem>>) dst(%dma_wait3A_127 : memref<128x128xf32, #tpu.memory_space<vmem_shared>>)
      tpu.yield
    }) : () -> ()
    %mul3A_27 = arith.constant 632 : i32
    %mul3A_28 = arith.muli %arg1, %mul3A_27 : i32
    %add3A_29 = arith.constant 512 : i32
    %add3A_30 = arith.addi %mul3A_28, %add3A_29 : i32
    %run_scoped3A_31 = arith.constant 0 : i32
    "tpu.region"() ({
      %run_scoped3A_107 = tpu.sem_alloc : memref<!tpu.dma_semaphore, #tpu.memory_space<semaphore_mem>>
      %dma_start3A_108 = arith.constant 0 : i32
      %dma_start3A_109 = arith.constant 0 : i32
      %dma_start3A_110 = tpu.memref_slice %arg6[%run_scoped3A_31, %dma_start3A_108, %dma_start3A_109] : memref<2x128x128xf32, #tpu.memory_space<vmem>> -> memref<1x120x128xf32, #tpu.memory_space<vmem>>
      %dma_start3A_111 = tpu.memref_squeeze %dma_start3A_110 : memref<1x120x128xf32, #tpu.memory_space<vmem>> -> memref<120x128xf32, #tpu.memory_space<vmem>>
      %dma_start3A_112 = arith.constant 0 : i32
      %dma_start3A_113 = tpu.memref_slice %arg7[%add3A_30, %dma_start3A_112] : memref<10112x128xf32, #tpu.memory_space<vmem_shared>> -> memref<120x128xf32, #tpu.memory_space<vmem_shared>>
      %dma_start3A_114 = arith.constant 0 : i32
      %dma_start3A_115 = tpu.memref_slice %arg7[%add3A_30, %dma_start3A_114] : memref<10112x128xf32, #tpu.memory_space<vmem_shared>> -> memref<120x128xf32, #tpu.memory_space<vmem_shared>>
      %dma_start3A_116 = arith.constant 0 : i32
      %dma_start3A_117 = arith.constant 0 : i32
      %dma_start3A_118 = tpu.memref_slice %arg6[%run_scoped3A_31, %dma_start3A_116, %dma_start3A_117] : memref<2x128x128xf32, #tpu.memory_space<vmem>> -> memref<1x120x128xf32, #tpu.memory_space<vmem>>
      %dma_start3A_119 = tpu.memref_squeeze %dma_start3A_118 : memref<1x120x128xf32, #tpu.memory_space<vmem>> -> memref<120x128xf32, #tpu.memory_space<vmem>>
      tpu.enqueue_dma source(%dma_start3A_119 : memref<120x128xf32, #tpu.memory_space<vmem>>) target(%dma_start3A_115 : memref<120x128xf32, #tpu.memory_space<vmem_shared>>) target_semaphore(%run_scoped3A_107 : memref<!tpu.dma_semaphore, #tpu.memory_space<semaphore_mem>>)
      %dma_wait3A_120 = arith.constant 0 : i32
      %dma_wait3A_121 = arith.constant 0 : i32
      %dma_wait3A_122 = tpu.memref_slice %arg6[%run_scoped3A_31, %dma_wait3A_120, %dma_wait3A_121] : memref<2x128x128xf32, #tpu.memory_space<vmem>> -> memref<1x120x128xf32, #tpu.memory_space<vmem>>
      %dma_wait3A_123 = tpu.memref_squeeze %dma_wait3A_122 : memref<1x120x128xf32, #tpu.memory_space<vmem>> -> memref<120x128xf32, #tpu.memory_space<vmem>>
      %dma_wait3A_124 = arith.constant 0 : i32
      %dma_wait3A_125 = tpu.memref_slice %arg7[%add3A_30, %dma_wait3A_124] : memref<10112x128xf32, #tpu.memory_space<vmem_shared>> -> memref<120x128xf32, #tpu.memory_space<vmem_shared>>
      %dma_wait3A_126 = arith.constant 0 : i32
      %dma_wait3A_127 = tpu.memref_slice %arg7[%add3A_30, %dma_wait3A_126] : memref<10112x128xf32, #tpu.memory_space<vmem_shared>> -> memref<120x128xf32, #tpu.memory_space<vmem_shared>>
      %dma_wait3A_128 = arith.constant 0 : i32
      %dma_wait3A_129 = arith.constant 0 : i32
      %dma_wait3A_130 = tpu.memref_slice %arg6[%run_scoped3A_31, %dma_wait3A_128, %dma_wait3A_129] : memref<2x128x128xf32, #tpu.memory_space<vmem>> -> memref<1x120x128xf32, #tpu.memory_space<vmem>>
      %dma_wait3A_131 = tpu.memref_squeeze %dma_wait3A_130 : memref<1x120x128xf32, #tpu.memory_space<vmem>> -> memref<120x128xf32, #tpu.memory_space<vmem>>
      tpu.wait_dma2 semaphore(%run_scoped3A_107 : memref<!tpu.dma_semaphore, #tpu.memory_space<semaphore_mem>>) src(%dma_wait3A_131 : memref<120x128xf32, #tpu.memory_space<vmem>>) dst(%dma_wait3A_127 : memref<120x128xf32, #tpu.memory_space<vmem_shared>>)
      tpu.yield
    }) : () -> ()
    %run_scoped3A_32 = arith.constant 0 : i32
    "tpu.region"() ({
      %run_scoped3A_107 = tpu.sem_alloc : memref<!tpu.dma_semaphore, #tpu.memory_space<semaphore_mem>>
      %dma_start3A_108 = arith.constant 0 : i32
      %dma_start3A_109 = arith.constant 0 : i32
      %dma_start3A_110 = tpu.memref_slice %arg5[%run_scoped3A_32, %dma_start3A_108, %dma_start3A_109] : memref<2x2x128xi32, #tpu.memory_space<vmem>> -> memref<1x2x128xi32, #tpu.memory_space<vmem>>
      %dma_start3A_111 = tpu.memref_squeeze %dma_start3A_110 : memref<1x2x128xi32, #tpu.memory_space<vmem>> -> memref<2x128xi32, #tpu.memory_space<vmem>>
      %dma_start3A_112 = arith.constant 0 : i32
      %dma_start3A_113 = arith.constant 0 : i32
      %dma_start3A_114 = tpu.memref_slice %arg2[%mul3A_2, %dma_start3A_112, %dma_start3A_113] : memref<2562x2x128xi32, #tpu.memory_space<hbm>> -> memref<1x2x128xi32, #tpu.memory_space<hbm>>
      %dma_start3A_115 = tpu.memref_squeeze %dma_start3A_114 : memref<1x2x128xi32, #tpu.memory_space<hbm>> -> memref<2x128xi32, #tpu.memory_space<hbm>>
      %dma_start3A_116 = arith.constant 0 : i32
      %dma_start3A_117 = arith.constant 0 : i32
      %dma_start3A_118 = tpu.memref_slice %arg5[%run_scoped3A_32, %dma_start3A_116, %dma_start3A_117] : memref<2x2x128xi32, #tpu.memory_space<vmem>> -> memref<1x2x128xi32, #tpu.memory_space<vmem>>
      %dma_start3A_119 = tpu.memref_squeeze %dma_start3A_118 : memref<1x2x128xi32, #tpu.memory_space<vmem>> -> memref<2x128xi32, #tpu.memory_space<vmem>>
      %dma_start3A_120 = arith.constant 0 : i32
      %dma_start3A_121 = arith.constant 0 : i32
      %dma_start3A_122 = tpu.memref_slice %arg2[%mul3A_2, %dma_start3A_120, %dma_start3A_121] : memref<2562x2x128xi32, #tpu.memory_space<hbm>> -> memref<1x2x128xi32, #tpu.memory_space<hbm>>
      %dma_start3A_123 = tpu.memref_squeeze %dma_start3A_122 : memref<1x2x128xi32, #tpu.memory_space<hbm>> -> memref<2x128xi32, #tpu.memory_space<hbm>>
      tpu.enqueue_dma source(%dma_start3A_123 : memref<2x128xi32, #tpu.memory_space<hbm>>) target(%dma_start3A_119 : memref<2x128xi32, #tpu.memory_space<vmem>>) target_semaphore(%run_scoped3A_107 : memref<!tpu.dma_semaphore, #tpu.memory_space<semaphore_mem>>)
      %dma_wait3A_124 = arith.constant 0 : i32
      %dma_wait3A_125 = arith.constant 0 : i32
      %dma_wait3A_126 = tpu.memref_slice %arg5[%run_scoped3A_32, %dma_wait3A_124, %dma_wait3A_125] : memref<2x2x128xi32, #tpu.memory_space<vmem>> -> memref<1x2x128xi32, #tpu.memory_space<vmem>>
      %dma_wait3A_127 = tpu.memref_squeeze %dma_wait3A_126 : memref<1x2x128xi32, #tpu.memory_space<vmem>> -> memref<2x128xi32, #tpu.memory_space<vmem>>
      %dma_wait3A_128 = arith.constant 0 : i32
      %dma_wait3A_129 = arith.constant 0 : i32
      %dma_wait3A_130 = tpu.memref_slice %arg2[%mul3A_2, %dma_wait3A_128, %dma_wait3A_129] : memref<2562x2x128xi32, #tpu.memory_space<hbm>> -> memref<1x2x128xi32, #tpu.memory_space<hbm>>
      %dma_wait3A_131 = tpu.memref_squeeze %dma_wait3A_130 : memref<1x2x128xi32, #tpu.memory_space<hbm>> -> memref<2x128xi32, #tpu.memory_space<hbm>>
      %dma_wait3A_132 = arith.constant 0 : i32
      %dma_wait3A_133 = arith.constant 0 : i32
      %dma_wait3A_134 = tpu.memref_slice %arg5[%run_scoped3A_32, %dma_wait3A_132, %dma_wait3A_133] : memref<2x2x128xi32, #tpu.memory_space<vmem>> -> memref<1x2x128xi32, #tpu.memory_space<vmem>>
      %dma_wait3A_135 = tpu.memref_squeeze %dma_wait3A_134 : memref<1x2x128xi32, #tpu.memory_space<vmem>> -> memref<2x128xi32, #tpu.memory_space<vmem>>
      %dma_wait3A_136 = arith.constant 0 : i32
      %dma_wait3A_137 = arith.constant 0 : i32
      %dma_wait3A_138 = tpu.memref_slice %arg2[%mul3A_2, %dma_wait3A_136, %dma_wait3A_137] : memref<2562x2x128xi32, #tpu.memory_space<hbm>> -> memref<1x2x128xi32, #tpu.memory_space<hbm>>
      %dma_wait3A_139 = tpu.memref_squeeze %dma_wait3A_138 : memref<1x2x128xi32, #tpu.memory_space<hbm>> -> memref<2x128xi32, #tpu.memory_space<hbm>>
      tpu.wait_dma2 semaphore(%run_scoped3A_107 : memref<!tpu.dma_semaphore, #tpu.memory_space<semaphore_mem>>) src(%dma_wait3A_139 : memref<2x128xi32, #tpu.memory_space<hbm>>) dst(%dma_wait3A_135 : memref<2x128xi32, #tpu.memory_space<vmem>>)
      tpu.yield
    }) : () -> ()
    %dma_start3A = arith.constant 0 : i32
    %dma_start3A_33 = arith.constant 0 : i32
    %dma_start3A_34 = arith.constant 0 : i32
    %dma_start3A_35 = arith.constant 0 : i32
    %dma_start3A_36 = arith.constant 0 : i32
    %dma_start3A_37 = tpu.memref_slice %arg6[%dma_start3A_34, %dma_start3A_35, %dma_start3A_36] : memref<2x128x128xf32, #tpu.memory_space<vmem>> -> memref<1x128x128xf32, #tpu.memory_space<vmem>>
    %dma_start3A_38 = tpu.memref_squeeze %dma_start3A_37 : memref<1x128x128xf32, #tpu.memory_space<vmem>> -> memref<128x128xf32, #tpu.memory_space<vmem>>
    %dma_start3A_39 = arith.constant 0 : i32
    %dma_start3A_40 = tpu.memref_slice %arg5[%dma_start3A, %dma_start3A_33, %dma_start3A_39] : memref<2x2x128xi32, #tpu.memory_space<vmem>> -> memref<1x1x128xi32, #tpu.memory_space<vmem>>
    %dma_start3A_41 = tpu.memref_squeeze %dma_start3A_40 : memref<1x1x128xi32, #tpu.memory_space<vmem>> -> memref<128xi32, #tpu.memory_space<vmem>>
    %dma_start3A_42 = arith.constant 0 : i32
    %dma_start3A_43 = arith.constant 0 : i32
    %dma_start3A_44 = tpu.memref_slice %arg3[%dma_start3A_42, %dma_start3A_43] : memref<10000x128xf32, #tpu.memory_space<hbm>> -> memref<10000x128xf32, #tpu.memory_space<hbm>>
    tpu.enqueue_indirect_dma source(%dma_start3A_44 : memref<10000x128xf32, #tpu.memory_space<hbm>>) target(%dma_start3A_38 : memref<128x128xf32, #tpu.memory_space<vmem>>) offsets(%dma_start3A_41 : memref<128xi32, #tpu.memory_space<vmem>>) semaphore(%arg10 : memref<!tpu.dma_semaphore, #tpu.memory_space<semaphore_mem>>)
    %add3A_45 = arith.constant 1 : i32
    %add3A_46 = arith.addi %mul3A_2, %add3A_45 : i32
    %dma_start3A_47 = arith.constant 1 : i32
    %dma_start3A_48 = arith.constant 0 : i32
    %dma_start3A_49 = arith.constant 0 : i32
    %dma_start3A_50 = tpu.memref_slice %arg5[%dma_start3A_47, %dma_start3A_48, %dma_start3A_49] : memref<2x2x128xi32, #tpu.memory_space<vmem>> -> memref<1x2x128xi32, #tpu.memory_space<vmem>>
    %dma_start3A_51 = tpu.memref_squeeze %dma_start3A_50 : memref<1x2x128xi32, #tpu.memory_space<vmem>> -> memref<2x128xi32, #tpu.memory_space<vmem>>
    %dma_start3A_52 = arith.constant 0 : i32
    %dma_start3A_53 = arith.constant 0 : i32
    %dma_start3A_54 = tpu.memref_slice %arg2[%add3A_46, %dma_start3A_52, %dma_start3A_53] : memref<2562x2x128xi32, #tpu.memory_space<hbm>> -> memref<1x2x128xi32, #tpu.memory_space<hbm>>
    %dma_start3A_55 = tpu.memref_squeeze %dma_start3A_54 : memref<1x2x128xi32, #tpu.memory_space<hbm>> -> memref<2x128xi32, #tpu.memory_space<hbm>>
    %dma_start3A_56 = arith.constant 0 : i32
    %dma_start3A_57 = arith.constant 0 : i32
    %dma_start3A_58 = tpu.memref_slice %arg5[%dma_start3A_47, %dma_start3A_56, %dma_start3A_57] : memref<2x2x128xi32, #tpu.memory_space<vmem>> -> memref<1x2x128xi32, #tpu.memory_space<vmem>>
    %dma_start3A_59 = tpu.memref_squeeze %dma_start3A_58 : memref<1x2x128xi32, #tpu.memory_space<vmem>> -> memref<2x128xi32, #tpu.memory_space<vmem>>
    %dma_start3A_60 = arith.constant 0 : i32
    %dma_start3A_61 = arith.constant 0 : i32
    %dma_start3A_62 = tpu.memref_slice %arg2[%add3A_46, %dma_start3A_60, %dma_start3A_61] : memref<2562x2x128xi32, #tpu.memory_space<hbm>> -> memref<1x2x128xi32, #tpu.memory_space<hbm>>
    %dma_start3A_63 = tpu.memref_squeeze %dma_start3A_62 : memref<1x2x128xi32, #tpu.memory_space<hbm>> -> memref<2x128xi32, #tpu.memory_space<hbm>>
    tpu.enqueue_dma source(%dma_start3A_63 : memref<2x128xi32, #tpu.memory_space<hbm>>) target(%dma_start3A_59 : memref<2x128xi32, #tpu.memory_space<vmem>>) target_semaphore(%arg9 : memref<!tpu.dma_semaphore, #tpu.memory_space<semaphore_mem>>)
    %barrier3A = arith.constant 0 : index
    tpu.barrier barrier_id(%barrier3A)
    %scan3A_64 = arith.constant 0 : i32
    %scan3A_65 = arith.constant 40 : i32
    %scan3A_66 = arith.addi %scan3A_64, %scan3A_65 : i32
    %scan3A_67 = arith.constant 1 : i32
    scf.for %scan3A_107 = %scan3A_64 to %scan3A_66 step %scan3A_67  : i32 {
      %mul3A_108 = arith.constant 2 : i32
      %mul3A_109 = arith.muli %scan3A_107, %mul3A_108 : i32
      %add3A_110 = arith.constant 0 : i32
      %add3A_111 = arith.addi %add3A_110, %mul3A_109 : i32
      %add3A_112 = arith.constant 0 : i32
      %add3A_113 = arith.addi %add3A_111, %add3A_112 : i32
      %add3A_114 = arith.addi %mul3A_2, %add3A_113 : i32
      %add3A_115 = arith.constant 1 : i32
      %add3A_116 = arith.addi %add3A_114, %add3A_115 : i32
      %dma_wait3A_117 = arith.constant 1 : i32
      %dma_wait3A_118 = arith.constant 0 : i32
      %dma_wait3A_119 = arith.constant 0 : i32
      %dma_wait3A_120 = tpu.memref_slice %arg5[%dma_wait3A_117, %dma_wait3A_118, %dma_wait3A_119] : memref<2x2x128xi32, #tpu.memory_space<vmem>> -> memref<1x2x128xi32, #tpu.memory_space<vmem>>
      %dma_wait3A_121 = tpu.memref_squeeze %dma_wait3A_120 : memref<1x2x128xi32, #tpu.memory_space<vmem>> -> memref<2x128xi32, #tpu.memory_space<vmem>>
      %dma_wait3A_122 = arith.constant 0 : i32
      %dma_wait3A_123 = arith.constant 0 : i32
      %dma_wait3A_124 = tpu.memref_slice %arg2[%add3A_116, %dma_wait3A_122, %dma_wait3A_123] : memref<2562x2x128xi32, #tpu.memory_space<hbm>> -> memref<1x2x128xi32, #tpu.memory_space<hbm>>
      %dma_wait3A_125 = tpu.memref_squeeze %dma_wait3A_124 : memref<1x2x128xi32, #tpu.memory_space<hbm>> -> memref<2x128xi32, #tpu.memory_space<hbm>>
      %dma_wait3A_126 = arith.constant 0 : i32
      %dma_wait3A_127 = arith.constant 0 : i32
      %dma_wait3A_128 = tpu.memref_slice %arg5[%dma_wait3A_117, %dma_wait3A_126, %dma_wait3A_127] : memref<2x2x128xi32, #tpu.memory_space<vmem>> -> memref<1x2x128xi32, #tpu.memory_space<vmem>>
      %dma_wait3A_129 = tpu.memref_squeeze %dma_wait3A_128 : memref<1x2x128xi32, #tpu.memory_space<vmem>> -> memref<2x128xi32, #tpu.memory_space<vmem>>
      %dma_wait3A_130 = arith.constant 0 : i32
      %dma_wait3A_131 = arith.constant 0 : i32
      %dma_wait3A_132 = tpu.memref_slice %arg2[%add3A_116, %dma_wait3A_130, %dma_wait3A_131] : memref<2562x2x128xi32, #tpu.memory_space<hbm>> -> memref<1x2x128xi32, #tpu.memory_space<hbm>>
      %dma_wait3A_133 = tpu.memref_squeeze %dma_wait3A_132 : memref<1x2x128xi32, #tpu.memory_space<hbm>> -> memref<2x128xi32, #tpu.memory_space<hbm>>
      tpu.wait_dma2 semaphore(%arg9 : memref<!tpu.dma_semaphore, #tpu.memory_space<semaphore_mem>>) src(%dma_wait3A_133 : memref<2x128xi32, #tpu.memory_space<hbm>>) dst(%dma_wait3A_129 : memref<2x128xi32, #tpu.memory_space<vmem>>)
      %dma_start3A_134 = arith.constant 1 : i32
      %dma_start3A_135 = arith.constant 0 : i32
      %dma_start3A_136 = arith.constant 1 : i32
      %dma_start3A_137 = arith.constant 0 : i32
      %dma_start3A_138 = arith.constant 0 : i32
      %dma_start3A_139 = tpu.memref_slice %arg6[%dma_start3A_136, %dma_start3A_137, %dma_start3A_138] : memref<2x128x128xf32, #tpu.memory_space<vmem>> -> memref<1x128x128xf32, #tpu.memory_space<vmem>>
      %dma_start3A_140 = tpu.memref_squeeze %dma_start3A_139 : memref<1x128x128xf32, #tpu.memory_space<vmem>> -> memref<128x128xf32, #tpu.memory_space<vmem>>
      %dma_start3A_141 = arith.constant 0 : i32
      %dma_start3A_142 = tpu.memref_slice %arg5[%dma_start3A_134, %dma_start3A_135, %dma_start3A_141] : memref<2x2x128xi32, #tpu.memory_space<vmem>> -> memref<1x1x128xi32, #tpu.memory_space<vmem>>
      %dma_start3A_143 = tpu.memref_squeeze %dma_start3A_142 : memref<1x1x128xi32, #tpu.memory_space<vmem>> -> memref<128xi32, #tpu.memory_space<vmem>>
      %dma_start3A_144 = arith.constant 0 : i32
      %dma_start3A_145 = arith.constant 0 : i32
      %dma_start3A_146 = tpu.memref_slice %arg3[%dma_start3A_144, %dma_start3A_145] : memref<10000x128xf32, #tpu.memory_space<hbm>> -> memref<10000x128xf32, #tpu.memory_space<hbm>>
      tpu.enqueue_indirect_dma source(%dma_start3A_146 : memref<10000x128xf32, #tpu.memory_space<hbm>>) target(%dma_start3A_140 : memref<128x128xf32, #tpu.memory_space<vmem>>) offsets(%dma_start3A_143 : memref<128xi32, #tpu.memory_space<vmem>>) semaphore(%arg11 : memref<!tpu.dma_semaphore, #tpu.memory_space<semaphore_mem>>)
      %dma_wait3A_147 = arith.constant 0 : i32
      %dma_wait3A_148 = arith.constant 0 : i32
      %dma_wait3A_149 = arith.constant 0 : i32
      %dma_wait3A_150 = arith.constant 0 : i32
      %dma_wait3A_151 = arith.constant 0 : i32
      %dma_wait3A_152 = tpu.memref_slice %arg6[%dma_wait3A_149, %dma_wait3A_150, %dma_wait3A_151] : memref<2x128x128xf32, #tpu.memory_space<vmem>> -> memref<1x128x128xf32, #tpu.memory_space<vmem>>
      %dma_wait3A_153 = tpu.memref_squeeze %dma_wait3A_152 : memref<1x128x128xf32, #tpu.memory_space<vmem>> -> memref<128x128xf32, #tpu.memory_space<vmem>>
      %dma_wait3A_154 = arith.constant 0 : i32
      %dma_wait3A_155 = tpu.memref_slice %arg5[%dma_wait3A_147, %dma_wait3A_148, %dma_wait3A_154] : memref<2x2x128xi32, #tpu.memory_space<vmem>> -> memref<1x1x128xi32, #tpu.memory_space<vmem>>
      %dma_wait3A_156 = tpu.memref_squeeze %dma_wait3A_155 : memref<1x1x128xi32, #tpu.memory_space<vmem>> -> memref<128xi32, #tpu.memory_space<vmem>>
      %dma_wait3A_157 = arith.constant 0 : i32
      %dma_wait3A_158 = arith.constant 0 : i32
      %dma_wait3A_159 = tpu.memref_slice %arg3[%dma_wait3A_157, %dma_wait3A_158] : memref<10000x128xf32, #tpu.memory_space<hbm>> -> memref<10000x128xf32, #tpu.memory_space<hbm>>
      tpu.wait_indirect_dma semaphore(%arg10 : memref<!tpu.dma_semaphore, #tpu.memory_space<semaphore_mem>>) src(%dma_wait3A_159 : memref<10000x128xf32, #tpu.memory_space<hbm>>) dst(%dma_wait3A_153 : memref<128x128xf32, #tpu.memory_space<vmem>>)
      %run_scoped3A_160 = arith.constant 0 : i32
      %run_scoped3A_161 = arith.constant 0 : i32
      %run_scoped3A_162 = arith.constant 1 : i32
      "tpu.region"() ({
        %run_scoped3A_254 = tpu.sem_alloc : memref<!tpu.dma_semaphore, #tpu.memory_space<semaphore_mem>>
        %dma_start3A_255 = arith.constant 0 : i32
        %dma_start3A_256 = arith.constant 0 : i32
        %dma_start3A_257 = tpu.memref_slice %arg6[%run_scoped3A_160, %dma_start3A_255, %dma_start3A_256] : memref<2x128x128xf32, #tpu.memory_space<vmem>> -> memref<1x128x128xf32, #tpu.memory_space<vmem>>
        %dma_start3A_258 = tpu.memref_squeeze %dma_start3A_257 : memref<1x128x128xf32, #tpu.memory_space<vmem>> -> memref<128x128xf32, #tpu.memory_space<vmem>>
        %dma_start3A_259 = arith.constant 0 : i32
        %dma_start3A_260 = tpu.memref_slice %arg5[%run_scoped3A_161, %run_scoped3A_162, %dma_start3A_259] : memref<2x2x128xi32, #tpu.memory_space<vmem>> -> memref<1x1x128xi32, #tpu.memory_space<vmem>>
        %dma_start3A_261 = tpu.memref_squeeze %dma_start3A_260 : memref<1x1x128xi32, #tpu.memory_space<vmem>> -> memref<128xi32, #tpu.memory_space<vmem>>
        %dma_start3A_262 = arith.constant 0 : i32
        %dma_start3A_263 = arith.constant 0 : i32
        %dma_start3A_264 = tpu.memref_slice %arg7[%dma_start3A_262, %dma_start3A_263] : memref<10112x128xf32, #tpu.memory_space<vmem_shared>> -> memref<10112x128xf32, #tpu.memory_space<vmem_shared>>
        tpu.enqueue_indirect_dma source(%dma_start3A_258 : memref<128x128xf32, #tpu.memory_space<vmem>>) target(%dma_start3A_264 : memref<10112x128xf32, #tpu.memory_space<vmem_shared>>) offsets(%dma_start3A_261 : memref<128xi32, #tpu.memory_space<vmem>>) semaphore(%run_scoped3A_254 : memref<!tpu.dma_semaphore, #tpu.memory_space<semaphore_mem>>) {add = true}
        %dma_wait3A_265 = arith.constant 0 : i32
        %dma_wait3A_266 = arith.constant 0 : i32
        %dma_wait3A_267 = tpu.memref_slice %arg6[%run_scoped3A_160, %dma_wait3A_265, %dma_wait3A_266] : memref<2x128x128xf32, #tpu.memory_space<vmem>> -> memref<1x128x128xf32, #tpu.memory_space<vmem>>
        %dma_wait3A_268 = tpu.memref_squeeze %dma_wait3A_267 : memref<1x128x128xf32, #tpu.memory_space<vmem>> -> memref<128x128xf32, #tpu.memory_space<vmem>>
        %dma_wait3A_269 = arith.constant 0 : i32
        %dma_wait3A_270 = tpu.memref_slice %arg5[%run_scoped3A_161, %run_scoped3A_162, %dma_wait3A_269] : memref<2x2x128xi32, #tpu.memory_space<vmem>> -> memref<1x1x128xi32, #tpu.memory_space<vmem>>
        %dma_wait3A_271 = tpu.memref_squeeze %dma_wait3A_270 : memref<1x1x128xi32, #tpu.memory_space<vmem>> -> memref<128xi32, #tpu.memory_space<vmem>>
        %dma_wait3A_272 = arith.constant 0 : i32
        %dma_wait3A_273 = arith.constant 0 : i32
        %dma_wait3A_274 = tpu.memref_slice %arg7[%dma_wait3A_272, %dma_wait3A_273] : memref<10112x128xf32, #tpu.memory_space<vmem_shared>> -> memref<10112x128xf32, #tpu.memory_space<vmem_shared>>
        tpu.wait_indirect_dma semaphore(%run_scoped3A_254 : memref<!tpu.dma_semaphore, #tpu.memory_space<semaphore_mem>>) src(%dma_wait3A_268 : memref<128x128xf32, #tpu.memory_space<vmem>>) dst(%dma_wait3A_274 : memref<10112x128xf32, #tpu.memory_space<vmem_shared>>)
        tpu.yield
      }) : () -> ()
      %add3A_163 = arith.addi %mul3A_2, %add3A_113 : i32
      %add3A_164 = arith.constant 2 : i32
      %add3A_165 = arith.addi %add3A_163, %add3A_164 : i32
      %dma_start3A_166 = arith.constant 0 : i32
      %dma_start3A_167 = arith.constant 0 : i32
      %dma_start3A_168 = arith.constant 0 : i32
      %dma_start3A_169 = tpu.memref_slice %arg5[%dma_start3A_166, %dma_start3A_167, %dma_start3A_168] : memref<2x2x128xi32, #tpu.memory_space<vmem>> -> memref<1x2x128xi32, #tpu.memory_space<vmem>>
      %dma_start3A_170 = tpu.memref_squeeze %dma_start3A_169 : memref<1x2x128xi32, #tpu.memory_space<vmem>> -> memref<2x128xi32, #tpu.memory_space<vmem>>
      %dma_start3A_171 = arith.constant 0 : i32
      %dma_start3A_172 = arith.constant 0 : i32
      %dma_start3A_173 = tpu.memref_slice %arg2[%add3A_165, %dma_start3A_171, %dma_start3A_172] : memref<2562x2x128xi32, #tpu.memory_space<hbm>> -> memref<1x2x128xi32, #tpu.memory_space<hbm>>
      %dma_start3A_174 = tpu.memref_squeeze %dma_start3A_173 : memref<1x2x128xi32, #tpu.memory_space<hbm>> -> memref<2x128xi32, #tpu.memory_space<hbm>>
      %dma_start3A_175 = arith.constant 0 : i32
      %dma_start3A_176 = arith.constant 0 : i32
      %dma_start3A_177 = tpu.memref_slice %arg5[%dma_start3A_166, %dma_start3A_175, %dma_start3A_176] : memref<2x2x128xi32, #tpu.memory_space<vmem>> -> memref<1x2x128xi32, #tpu.memory_space<vmem>>
      %dma_start3A_178 = tpu.memref_squeeze %dma_start3A_177 : memref<1x2x128xi32, #tpu.memory_space<vmem>> -> memref<2x128xi32, #tpu.memory_space<vmem>>
      %dma_start3A_179 = arith.constant 0 : i32
      %dma_start3A_180 = arith.constant 0 : i32
      %dma_start3A_181 = tpu.memref_slice %arg2[%add3A_165, %dma_start3A_179, %dma_start3A_180] : memref<2562x2x128xi32, #tpu.memory_space<hbm>> -> memref<1x2x128xi32, #tpu.memory_space<hbm>>
      %dma_start3A_182 = tpu.memref_squeeze %dma_start3A_181 : memref<1x2x128xi32, #tpu.memory_space<hbm>> -> memref<2x128xi32, #tpu.memory_space<hbm>>
      tpu.enqueue_dma source(%dma_start3A_182 : memref<2x128xi32, #tpu.memory_space<hbm>>) target(%dma_start3A_178 : memref<2x128xi32, #tpu.memory_space<vmem>>) target_semaphore(%arg8 : memref<!tpu.dma_semaphore, #tpu.memory_space<semaphore_mem>>)
      %add3A_183 = arith.constant 1 : i32
      %add3A_184 = arith.addi %add3A_111, %add3A_183 : i32
      %add3A_185 = arith.addi %mul3A_2, %add3A_184 : i32
      %add3A_186 = arith.constant 1 : i32
      %add3A_187 = arith.addi %add3A_185, %add3A_186 : i32
      %dma_wait3A_188 = arith.constant 0 : i32
      %dma_wait3A_189 = arith.constant 0 : i32
      %dma_wait3A_190 = arith.constant 0 : i32
      %dma_wait3A_191 = tpu.memref_slice %arg5[%dma_wait3A_188, %dma_wait3A_189, %dma_wait3A_190] : memref<2x2x128xi32, #tpu.memory_space<vmem>> -> memref<1x2x128xi32, #tpu.memory_space<vmem>>
      %dma_wait3A_192 = tpu.memref_squeeze %dma_wait3A_191 : memref<1x2x128xi32, #tpu.memory_space<vmem>> -> memref<2x128xi32, #tpu.memory_space<vmem>>
      %dma_wait3A_193 = arith.constant 0 : i32
      %dma_wait3A_194 = arith.constant 0 : i32
      %dma_wait3A_195 = tpu.memref_slice %arg2[%add3A_187, %dma_wait3A_193, %dma_wait3A_194] : memref<2562x2x128xi32, #tpu.memory_space<hbm>> -> memref<1x2x128xi32, #tpu.memory_space<hbm>>
      %dma_wait3A_196 = tpu.memref_squeeze %dma_wait3A_195 : memref<1x2x128xi32, #tpu.memory_space<hbm>> -> memref<2x128xi32, #tpu.memory_space<hbm>>
      %dma_wait3A_197 = arith.constant 0 : i32
      %dma_wait3A_198 = arith.constant 0 : i32
      %dma_wait3A_199 = tpu.memref_slice %arg5[%dma_wait3A_188, %dma_wait3A_197, %dma_wait3A_198] : memref<2x2x128xi32, #tpu.memory_space<vmem>> -> memref<1x2x128xi32, #tpu.memory_space<vmem>>
      %dma_wait3A_200 = tpu.memref_squeeze %dma_wait3A_199 : memref<1x2x128xi32, #tpu.memory_space<vmem>> -> memref<2x128xi32, #tpu.memory_space<vmem>>
      %dma_wait3A_201 = arith.constant 0 : i32
      %dma_wait3A_202 = arith.constant 0 : i32
      %dma_wait3A_203 = tpu.memref_slice %arg2[%add3A_187, %dma_wait3A_201, %dma_wait3A_202] : memref<2562x2x128xi32, #tpu.memory_space<hbm>> -> memref<1x2x128xi32, #tpu.memory_space<hbm>>
      %dma_wait3A_204 = tpu.memref_squeeze %dma_wait3A_203 : memref<1x2x128xi32, #tpu.memory_space<hbm>> -> memref<2x128xi32, #tpu.memory_space<hbm>>
      tpu.wait_dma2 semaphore(%arg8 : memref<!tpu.dma_semaphore, #tpu.memory_space<semaphore_mem>>) src(%dma_wait3A_204 : memref<2x128xi32, #tpu.memory_space<hbm>>) dst(%dma_wait3A_200 : memref<2x128xi32, #tpu.memory_space<vmem>>)
      %dma_start3A_205 = arith.constant 0 : i32
      %dma_start3A_206 = arith.constant 0 : i32
      %dma_start3A_207 = arith.constant 0 : i32
      %dma_start3A_208 = arith.constant 0 : i32
      %dma_start3A_209 = arith.constant 0 : i32
      %dma_start3A_210 = tpu.memref_slice %arg6[%dma_start3A_207, %dma_start3A_208, %dma_start3A_209] : memref<2x128x128xf32, #tpu.memory_space<vmem>> -> memref<1x128x128xf32, #tpu.memory_space<vmem>>
      %dma_start3A_211 = tpu.memref_squeeze %dma_start3A_210 : memref<1x128x128xf32, #tpu.memory_space<vmem>> -> memref<128x128xf32, #tpu.memory_space<vmem>>
      %dma_start3A_212 = arith.constant 0 : i32
      %dma_start3A_213 = tpu.memref_slice %arg5[%dma_start3A_205, %dma_start3A_206, %dma_start3A_212] : memref<2x2x128xi32, #tpu.memory_space<vmem>> -> memref<1x1x128xi32, #tpu.memory_space<vmem>>
      %dma_start3A_214 = tpu.memref_squeeze %dma_start3A_213 : memref<1x1x128xi32, #tpu.memory_space<vmem>> -> memref<128xi32, #tpu.memory_space<vmem>>
      %dma_start3A_215 = arith.constant 0 : i32
      %dma_start3A_216 = arith.constant 0 : i32
      %dma_start3A_217 = tpu.memref_slice %arg3[%dma_start3A_215, %dma_start3A_216] : memref<10000x128xf32, #tpu.memory_space<hbm>> -> memref<10000x128xf32, #tpu.memory_space<hbm>>
      tpu.enqueue_indirect_dma source(%dma_start3A_217 : memref<10000x128xf32, #tpu.memory_space<hbm>>) target(%dma_start3A_211 : memref<128x128xf32, #tpu.memory_space<vmem>>) offsets(%dma_start3A_214 : memref<128xi32, #tpu.memory_space<vmem>>) semaphore(%arg10 : memref<!tpu.dma_semaphore, #tpu.memory_space<semaphore_mem>>)
      %dma_wait3A_218 = arith.constant 1 : i32
      %dma_wait3A_219 = arith.constant 0 : i32
      %dma_wait3A_220 = arith.constant 1 : i32
      %dma_wait3A_221 = arith.constant 0 : i32
      %dma_wait3A_222 = arith.constant 0 : i32
      %dma_wait3A_223 = tpu.memref_slice %arg6[%dma_wait3A_220, %dma_wait3A_221, %dma_wait3A_222] : memref<2x128x128xf32, #tpu.memory_space<vmem>> -> memref<1x128x128xf32, #tpu.memory_space<vmem>>
      %dma_wait3A_224 = tpu.memref_squeeze %dma_wait3A_223 : memref<1x128x128xf32, #tpu.memory_space<vmem>> -> memref<128x128xf32, #tpu.memory_space<vmem>>
      %dma_wait3A_225 = arith.constant 0 : i32
      %dma_wait3A_226 = tpu.memref_slice %arg5[%dma_wait3A_218, %dma_wait3A_219, %dma_wait3A_225] : memref<2x2x128xi32, #tpu.memory_space<vmem>> -> memref<1x1x128xi32, #tpu.memory_space<vmem>>
      %dma_wait3A_227 = tpu.memref_squeeze %dma_wait3A_226 : memref<1x1x128xi32, #tpu.memory_space<vmem>> -> memref<128xi32, #tpu.memory_space<vmem>>
      %dma_wait3A_228 = arith.constant 0 : i32
      %dma_wait3A_229 = arith.constant 0 : i32
      %dma_wait3A_230 = tpu.memref_slice %arg3[%dma_wait3A_228, %dma_wait3A_229] : memref<10000x128xf32, #tpu.memory_space<hbm>> -> memref<10000x128xf32, #tpu.memory_space<hbm>>
      tpu.wait_indirect_dma semaphore(%arg11 : memref<!tpu.dma_semaphore, #tpu.memory_space<semaphore_mem>>) src(%dma_wait3A_230 : memref<10000x128xf32, #tpu.memory_space<hbm>>) dst(%dma_wait3A_224 : memref<128x128xf32, #tpu.memory_space<vmem>>)
      %run_scoped3A_231 = arith.constant 1 : i32
      %run_scoped3A_232 = arith.constant 1 : i32
      %run_scoped3A_233 = arith.constant 1 : i32
      "tpu.region"() ({
        %run_scoped3A_254 = tpu.sem_alloc : memref<!tpu.dma_semaphore, #tpu.memory_space<semaphore_mem>>
        %dma_start3A_255 = arith.constant 0 : i32
        %dma_start3A_256 = arith.constant 0 : i32
        %dma_start3A_257 = tpu.memref_slice %arg6[%run_scoped3A_231, %dma_start3A_255, %dma_start3A_256] : memref<2x128x128xf32, #tpu.memory_space<vmem>> -> memref<1x128x128xf32, #tpu.memory_space<vmem>>
        %dma_start3A_258 = tpu.memref_squeeze %dma_start3A_257 : memref<1x128x128xf32, #tpu.memory_space<vmem>> -> memref<128x128xf32, #tpu.memory_space<vmem>>
        %dma_start3A_259 = arith.constant 0 : i32
        %dma_start3A_260 = tpu.memref_slice %arg5[%run_scoped3A_232, %run_scoped3A_233, %dma_start3A_259] : memref<2x2x128xi32, #tpu.memory_space<vmem>> -> memref<1x1x128xi32, #tpu.memory_space<vmem>>
        %dma_start3A_261 = tpu.memref_squeeze %dma_start3A_260 : memref<1x1x128xi32, #tpu.memory_space<vmem>> -> memref<128xi32, #tpu.memory_space<vmem>>
        %dma_start3A_262 = arith.constant 0 : i32
        %dma_start3A_263 = arith.constant 0 : i32
        %dma_start3A_264 = tpu.memref_slice %arg7[%dma_start3A_262, %dma_start3A_263] : memref<10112x128xf32, #tpu.memory_space<vmem_shared>> -> memref<10112x128xf32, #tpu.memory_space<vmem_shared>>
        tpu.enqueue_indirect_dma source(%dma_start3A_258 : memref<128x128xf32, #tpu.memory_space<vmem>>) target(%dma_start3A_264 : memref<10112x128xf32, #tpu.memory_space<vmem_shared>>) offsets(%dma_start3A_261 : memref<128xi32, #tpu.memory_space<vmem>>) semaphore(%run_scoped3A_254 : memref<!tpu.dma_semaphore, #tpu.memory_space<semaphore_mem>>) {add = true}
        %dma_wait3A_265 = arith.constant 0 : i32
        %dma_wait3A_266 = arith.constant 0 : i32
        %dma_wait3A_267 = tpu.memref_slice %arg6[%run_scoped3A_231, %dma_wait3A_265, %dma_wait3A_266] : memref<2x128x128xf32, #tpu.memory_space<vmem>> -> memref<1x128x128xf32, #tpu.memory_space<vmem>>
        %dma_wait3A_268 = tpu.memref_squeeze %dma_wait3A_267 : memref<1x128x128xf32, #tpu.memory_space<vmem>> -> memref<128x128xf32, #tpu.memory_space<vmem>>
        %dma_wait3A_269 = arith.constant 0 : i32
        %dma_wait3A_270 = tpu.memref_slice %arg5[%run_scoped3A_232, %run_scoped3A_233, %dma_wait3A_269] : memref<2x2x128xi32, #tpu.memory_space<vmem>> -> memref<1x1x128xi32, #tpu.memory_space<vmem>>
        %dma_wait3A_271 = tpu.memref_squeeze %dma_wait3A_270 : memref<1x1x128xi32, #tpu.memory_space<vmem>> -> memref<128xi32, #tpu.memory_space<vmem>>
        %dma_wait3A_272 = arith.constant 0 : i32
        %dma_wait3A_273 = arith.constant 0 : i32
        %dma_wait3A_274 = tpu.memref_slice %arg7[%dma_wait3A_272, %dma_wait3A_273] : memref<10112x128xf32, #tpu.memory_space<vmem_shared>> -> memref<10112x128xf32, #tpu.memory_space<vmem_shared>>
        tpu.wait_indirect_dma semaphore(%run_scoped3A_254 : memref<!tpu.dma_semaphore, #tpu.memory_space<semaphore_mem>>) src(%dma_wait3A_268 : memref<128x128xf32, #tpu.memory_space<vmem>>) dst(%dma_wait3A_274 : memref<10112x128xf32, #tpu.memory_space<vmem_shared>>)
        tpu.yield
      }) : () -> ()
      %add3A_234 = arith.addi %mul3A_2, %add3A_184 : i32
      %add3A_235 = arith.constant 2 : i32
      %add3A_236 = arith.addi %add3A_234, %add3A_235 : i32
      %dma_start3A_237 = arith.constant 1 : i32
      %dma_start3A_238 = arith.constant 0 : i32
      %dma_start3A_239 = arith.constant 0 : i32
      %dma_start3A_240 = tpu.memref_slice %arg5[%dma_start3A_237, %dma_start3A_238, %dma_start3A_239] : memref<2x2x128xi32, #tpu.memory_space<vmem>> -> memref<1x2x128xi32, #tpu.memory_space<vmem>>
      %dma_start3A_241 = tpu.memref_squeeze %dma_start3A_240 : memref<1x2x128xi32, #tpu.memory_space<vmem>> -> memref<2x128xi32, #tpu.memory_space<vmem>>
      %dma_start3A_242 = arith.constant 0 : i32
      %dma_start3A_243 = arith.constant 0 : i32
      %dma_start3A_244 = tpu.memref_slice %arg2[%add3A_236, %dma_start3A_242, %dma_start3A_243] : memref<2562x2x128xi32, #tpu.memory_space<hbm>> -> memref<1x2x128xi32, #tpu.memory_space<hbm>>
      %dma_start3A_245 = tpu.memref_squeeze %dma_start3A_244 : memref<1x2x128xi32, #tpu.memory_space<hbm>> -> memref<2x128xi32, #tpu.memory_space<hbm>>
      %dma_start3A_246 = arith.constant 0 : i32
      %dma_start3A_247 = arith.constant 0 : i32
      %dma_start3A_248 = tpu.memref_slice %arg5[%dma_start3A_237, %dma_start3A_246, %dma_start3A_247] : memref<2x2x128xi32, #tpu.memory_space<vmem>> -> memref<1x2x128xi32, #tpu.memory_space<vmem>>
      %dma_start3A_249 = tpu.memref_squeeze %dma_start3A_248 : memref<1x2x128xi32, #tpu.memory_space<vmem>> -> memref<2x128xi32, #tpu.memory_space<vmem>>
      %dma_start3A_250 = arith.constant 0 : i32
      %dma_start3A_251 = arith.constant 0 : i32
      %dma_start3A_252 = tpu.memref_slice %arg2[%add3A_236, %dma_start3A_250, %dma_start3A_251] : memref<2562x2x128xi32, #tpu.memory_space<hbm>> -> memref<1x2x128xi32, #tpu.memory_space<hbm>>
      %dma_start3A_253 = tpu.memref_squeeze %dma_start3A_252 : memref<1x2x128xi32, #tpu.memory_space<hbm>> -> memref<2x128xi32, #tpu.memory_space<hbm>>
      tpu.enqueue_dma source(%dma_start3A_253 : memref<2x128xi32, #tpu.memory_space<hbm>>) target(%dma_start3A_249 : memref<2x128xi32, #tpu.memory_space<vmem>>) target_semaphore(%arg9 : memref<!tpu.dma_semaphore, #tpu.memory_space<semaphore_mem>>)
    }
    %scan3A_68 = arith.constant 40 : i32
    %dma_wait3A = arith.constant 0 : i32
    %dma_wait3A_69 = arith.constant 0 : i32
    %dma_wait3A_70 = arith.constant 0 : i32
    %dma_wait3A_71 = arith.constant 0 : i32
    %dma_wait3A_72 = arith.constant 0 : i32
    %dma_wait3A_73 = tpu.memref_slice %arg6[%dma_wait3A_70, %dma_wait3A_71, %dma_wait3A_72] : memref<2x128x128xf32, #tpu.memory_space<vmem>> -> memref<1x128x128xf32, #tpu.memory_space<vmem>>
    %dma_wait3A_74 = tpu.memref_squeeze %dma_wait3A_73 : memref<1x128x128xf32, #tpu.memory_space<vmem>> -> memref<128x128xf32, #tpu.memory_space<vmem>>
    %dma_wait3A_75 = arith.constant 0 : i32
    %dma_wait3A_76 = tpu.memref_slice %arg5[%dma_wait3A, %dma_wait3A_69, %dma_wait3A_75] : memref<2x2x128xi32, #tpu.memory_space<vmem>> -> memref<1x1x128xi32, #tpu.memory_space<vmem>>
    %dma_wait3A_77 = tpu.memref_squeeze %dma_wait3A_76 : memref<1x1x128xi32, #tpu.memory_space<vmem>> -> memref<128xi32, #tpu.memory_space<vmem>>
    %dma_wait3A_78 = arith.constant 0 : i32
    %dma_wait3A_79 = arith.constant 0 : i32
    %dma_wait3A_80 = tpu.memref_slice %arg3[%dma_wait3A_78, %dma_wait3A_79] : memref<10000x128xf32, #tpu.memory_space<hbm>> -> memref<10000x128xf32, #tpu.memory_space<hbm>>
    tpu.wait_indirect_dma semaphore(%arg10 : memref<!tpu.dma_semaphore, #tpu.memory_space<semaphore_mem>>) src(%dma_wait3A_80 : memref<10000x128xf32, #tpu.memory_space<hbm>>) dst(%dma_wait3A_74 : memref<128x128xf32, #tpu.memory_space<vmem>>)
    %add3A_81 = arith.constant 80 : i32
    %add3A_82 = arith.addi %mul3A_2, %add3A_81 : i32
    %add3A_83 = arith.constant 1 : i32
    %add3A_84 = arith.addi %add3A_82, %add3A_83 : i32
    %dma_wait3A_85 = arith.constant 1 : i32
    %dma_wait3A_86 = arith.constant 0 : i32
    %dma_wait3A_87 = arith.constant 0 : i32
    %dma_wait3A_88 = tpu.memref_slice %arg5[%dma_wait3A_85, %dma_wait3A_86, %dma_wait3A_87] : memref<2x2x128xi32, #tpu.memory_space<vmem>> -> memref<1x2x128xi32, #tpu.memory_space<vmem>>
    %dma_wait3A_89 = tpu.memref_squeeze %dma_wait3A_88 : memref<1x2x128xi32, #tpu.memory_space<vmem>> -> memref<2x128xi32, #tpu.memory_space<vmem>>
    %dma_wait3A_90 = arith.constant 0 : i32
    %dma_wait3A_91 = arith.constant 0 : i32
    %dma_wait3A_92 = tpu.memref_slice %arg2[%add3A_84, %dma_wait3A_90, %dma_wait3A_91] : memref<2562x2x128xi32, #tpu.memory_space<hbm>> -> memref<1x2x128xi32, #tpu.memory_space<hbm>>
    %dma_wait3A_93 = tpu.memref_squeeze %dma_wait3A_92 : memref<1x2x128xi32, #tpu.memory_space<hbm>> -> memref<2x128xi32, #tpu.memory_space<hbm>>
    %dma_wait3A_94 = arith.constant 0 : i32
    %dma_wait3A_95 = arith.constant 0 : i32
    %dma_wait3A_96 = tpu.memref_slice %arg5[%dma_wait3A_85, %dma_wait3A_94, %dma_wait3A_95] : memref<2x2x128xi32, #tpu.memory_space<vmem>> -> memref<1x2x128xi32, #tpu.memory_space<vmem>>
    %dma_wait3A_97 = tpu.memref_squeeze %dma_wait3A_96 : memref<1x2x128xi32, #tpu.memory_space<vmem>> -> memref<2x128xi32, #tpu.memory_space<vmem>>
    %dma_wait3A_98 = arith.constant 0 : i32
    %dma_wait3A_99 = arith.constant 0 : i32
    %dma_wait3A_100 = tpu.memref_slice %arg2[%add3A_84, %dma_wait3A_98, %dma_wait3A_99] : memref<2562x2x128xi32, #tpu.memory_space<hbm>> -> memref<1x2x128xi32, #tpu.memory_space<hbm>>
    %dma_wait3A_101 = tpu.memref_squeeze %dma_wait3A_100 : memref<1x2x128xi32, #tpu.memory_space<hbm>> -> memref<2x128xi32, #tpu.memory_space<hbm>>
    tpu.wait_dma2 semaphore(%arg9 : memref<!tpu.dma_semaphore, #tpu.memory_space<semaphore_mem>>) src(%dma_wait3A_101 : memref<2x128xi32, #tpu.memory_space<hbm>>) dst(%dma_wait3A_97 : memref<2x128xi32, #tpu.memory_space<vmem>>)
    %barrier3A_102 = arith.constant 0 : index
    tpu.barrier barrier_id(%barrier3A_102)
    %mul3A_103 = arith.constant 632 : i32
    %mul3A_104 = arith.muli %arg1, %mul3A_103 : i32
    %mul3A_105 = arith.constant 632 : i32
    %mul3A_106 = arith.muli %arg1, %mul3A_105 : i32
    "tpu.region"() ({
      %run_scoped3A_107 = tpu.sem_alloc : memref<!tpu.dma_semaphore, #tpu.memory_space<semaphore_mem>>
      %dma_start3A_108 = arith.constant 0 : i32
      %dma_start3A_109 = tpu.memref_slice %arg4[%arg0, %mul3A_106, %dma_start3A_108] : memref<2x10112x128xf32, #tpu.memory_space<hbm>> -> memref<1x632x128xf32, #tpu.memory_space<hbm>>
      %dma_start3A_110 = tpu.memref_squeeze %dma_start3A_109 : memref<1x632x128xf32, #tpu.memory_space<hbm>> -> memref<632x128xf32, #tpu.memory_space<hbm>>
      %dma_start3A_111 = arith.constant 0 : i32
      %dma_start3A_112 = tpu.memref_slice %arg7[%mul3A_104, %dma_start3A_111] : memref<10112x128xf32, #tpu.memory_space<vmem_shared>> -> memref<632x128xf32, #tpu.memory_space<vmem_shared>>
      tpu.enqueue_dma source(%dma_start3A_112 : memref<632x128xf32, #tpu.memory_space<vmem_shared>>) target(%dma_start3A_110 : memref<632x128xf32, #tpu.memory_space<hbm>>) target_semaphore(%run_scoped3A_107 : memref<!tpu.dma_semaphore, #tpu.memory_space<semaphore_mem>>)
      %dma_wait3A_113 = arith.constant 0 : i32
      %dma_wait3A_114 = tpu.memref_slice %arg4[%arg0, %mul3A_106, %dma_wait3A_113] : memref<2x10112x128xf32, #tpu.memory_space<hbm>> -> memref<1x632x128xf32, #tpu.memory_space<hbm>>
      %dma_wait3A_115 = tpu.memref_squeeze %dma_wait3A_114 : memref<1x632x128xf32, #tpu.memory_space<hbm>> -> memref<632x128xf32, #tpu.memory_space<hbm>>
      %dma_wait3A_116 = arith.constant 0 : i32
      %dma_wait3A_117 = tpu.memref_slice %arg7[%mul3A_104, %dma_wait3A_116] : memref<10112x128xf32, #tpu.memory_space<vmem_shared>> -> memref<632x128xf32, #tpu.memory_space<vmem_shared>>
      tpu.wait_dma2 semaphore(%run_scoped3A_107 : memref<!tpu.dma_semaphore, #tpu.memory_space<semaphore_mem>>) src(%dma_wait3A_117 : memref<632x128xf32, #tpu.memory_space<vmem_shared>>) dst(%dma_wait3A_115 : memref<632x128xf32, #tpu.memory_space<hbm>>)
      tpu.yield
    }) : () -> ()
    return
  }
}

#map = affine_map<(d0, d1) -> (0, 0, 0)>
#map1 = affine_map<(d0, d1) -> (0, 0)>
module attributes {stable_mosaic.version = 14 : i64} {
  func.func @_sc_round(%arg0: i32, %arg1: i32, %arg2: memref<2562x2x128xi32, #tpu.memory_space<hbm>>, %arg3: memref<10000x128xf32, #tpu.memory_space<hbm>>, %arg4: memref<2x10112x128xf32, #tpu.memory_space<hbm>>, %arg5: memref<2x2x128xi32, #tpu.memory_space<vmem>>, %arg6: memref<2x128x128xf32, #tpu.memory_space<vmem>>, %arg7: memref<10112x128xf32, #tpu.memory_space<vmem_shared>>, %arg8: memref<!tpu.dma_semaphore, #tpu.memory_space<semaphore_mem>>, %arg9: memref<!tpu.dma_semaphore, #tpu.memory_space<semaphore_mem>>, %arg10: memref<!tpu.dma_semaphore, #tpu.memory_space<semaphore_mem>>, %arg11: memref<!tpu.dma_semaphore, #tpu.memory_space<semaphore_mem>>) attributes {dimension_semantics = [#tpu.dimension_semantics<core_parallel>, #tpu.dimension_semantics<subcore_parallel>], iteration_bounds = array<i64: 2, 16>, scalar_prefetch = 0 : i64, scratch_operands = 7 : i64, tpu.core_type = #tpu.core_type<sc_vector_subcore>, window_params = [{transform_indices = #map}, {transform_indices = #map1}, {transform_indices = #map}]} {
    %mul3A = arith.constant 2 : i32
    %mul3A_0 = arith.muli %arg1, %mul3A : i32
    %add3A = arith.addi %mul3A_0, %arg0 : i32
    %mul3A_1 = arith.constant 80 : i32
    %mul3A_2 = arith.muli %add3A, %mul3A_1 : i32
    %broadcast_in_dim3A = arith.constant 0.000000e+00 : f32
    %broadcast_in_dim3A_3 = vector.broadcast %broadcast_in_dim3A : f32 to vector<16xf32>
    %scan3A = arith.constant 0 : i32
    %scan3A_4 = arith.constant 128 : i32
    %scan3A_5 = arith.addi %scan3A, %scan3A_4 : i32
    %scan3A_6 = arith.constant 1 : i32
    scf.for %scan3A_107 = %scan3A to %scan3A_5 step %scan3A_6  : i32 {
      %mul3A_108 = arith.constant 1 : i32
      %mul3A_109 = arith.muli %scan3A_107, %mul3A_108 : i32
      %add3A_110 = arith.constant 0 : i32
      %add3A_111 = arith.addi %add3A_110, %mul3A_109 : i32
      %scan3A_112 = arith.constant 0 : i32
      %scan3A_113 = arith.constant 8 : i32
      %scan3A_114 = arith.addi %scan3A_112, %scan3A_113 : i32
      %scan3A_115 = arith.constant 1 : i32
      scf.for %scan3A_117 = %scan3A_112 to %scan3A_114 step %scan3A_115  : i32 {
        %mul3A_118 = arith.constant 16 : i32
        %mul3A_119 = arith.muli %scan3A_117, %mul3A_118 : i32
        %add3A_120 = arith.constant 0 : i32
        %add3A_121 = arith.addi %add3A_120, %mul3A_119 : i32
        %swap3A = arith.constant 0 : i32
        %swap3A_122 = arith.index_cast %swap3A : i32 to index
        %swap3A_123 = arith.index_cast %add3A_111 : i32 to index
        %swap3A_124 = arith.index_cast %add3A_121 : i32 to index
        %swap3A_125 = tpu.vector_load %arg6[%swap3A_122, %swap3A_123, %swap3A_124] {strides = array<i32>} : memref<2x128x128xf32, #tpu.memory_space<vmem>>, vector<1x1x16xf32>,
        %swap3A_126 = vector.shape_cast %swap3A_125 : vector<1x1x16xf32> to vector<16xf32>
        %swap3A_127 = vector.shape_cast %broadcast_in_dim3A_3 : vector<16xf32> to vector<1x1x16xf32>
        tpu.vector_store %arg6[%swap3A_122, %swap3A_123, %swap3A_124], %swap3A_127 {strides = array<i32>} : memref<2x128x128xf32, #tpu.memory_space<vmem>>, vector<1x1x16xf32>,
      }
      %scan3A_116 = arith.constant 8 : i32
    }
    %scan3A_7 = arith.constant 128 : i32
    %mul3A_8 = arith.constant 632 : i32
    %mul3A_9 = arith.muli %arg1, %mul3A_8 : i32
    %add3A_10 = arith.constant 0 : i32
    %add3A_11 = arith.addi %mul3A_9, %add3A_10 : i32
    %run_scoped3A = arith.constant 0 : i32
    "tpu.region"() ({
      %run_scoped3A_107 = tpu.sem_alloc : memref<!tpu.dma_semaphore, #tpu.memory_space<semaphore_mem>>
      %dma_start3A_108 = arith.constant 0 : i32
      %dma_start3A_109 = arith.constant 0 : i32
      %dma_start3A_110 = tpu.memref_slice %arg6[%run_scoped3A, %dma_start3A_108, %dma_start3A_109] : memref<2x128x128xf32, #tpu.memory_space<vmem>> -> memref<1x128x128xf32, #tpu.memory_space<vmem>>
      %dma_start3A_111 = tpu.memref_squeeze %dma_start3A_110 : memref<1x128x128xf32, #tpu.memory_space<vmem>> -> memref<128x128xf32, #tpu.memory_space<vmem>>
      %dma_start3A_112 = arith.constant 0 : i32
      %dma_start3A_113 = tpu.memref_slice %arg7[%add3A_11, %dma_start3A_112] : memref<10112x128xf32, #tpu.memory_space<vmem_shared>> -> memref<128x128xf32, #tpu.memory_space<vmem_shared>>
      %dma_start3A_114 = arith.constant 0 : i32
      %dma_start3A_115 = tpu.memref_slice %arg7[%add3A_11, %dma_start3A_114] : memref<10112x128xf32, #tpu.memory_space<vmem_shared>> -> memref<128x128xf32, #tpu.memory_space<vmem_shared>>
      %dma_start3A_116 = arith.constant 0 : i32
      %dma_start3A_117 = arith.constant 0 : i32
      %dma_start3A_118 = tpu.memref_slice %arg6[%run_scoped3A, %dma_start3A_116, %dma_start3A_117] : memref<2x128x128xf32, #tpu.memory_space<vmem>> -> memref<1x128x128xf32, #tpu.memory_space<vmem>>
      %dma_start3A_119 = tpu.memref_squeeze %dma_start3A_118 : memref<1x128x128xf32, #tpu.memory_space<vmem>> -> memref<128x128xf32, #tpu.memory_space<vmem>>
      tpu.enqueue_dma source(%dma_start3A_119 : memref<128x128xf32, #tpu.memory_space<vmem>>) target(%dma_start3A_115 : memref<128x128xf32, #tpu.memory_space<vmem_shared>>) target_semaphore(%run_scoped3A_107 : memref<!tpu.dma_semaphore, #tpu.memory_space<semaphore_mem>>)
      %dma_wait3A_120 = arith.constant 0 : i32
      %dma_wait3A_121 = arith.constant 0 : i32
      %dma_wait3A_122 = tpu.memref_slice %arg6[%run_scoped3A, %dma_wait3A_120, %dma_wait3A_121] : memref<2x128x128xf32, #tpu.memory_space<vmem>> -> memref<1x128x128xf32, #tpu.memory_space<vmem>>
      %dma_wait3A_123 = tpu.memref_squeeze %dma_wait3A_122 : memref<1x128x128xf32, #tpu.memory_space<vmem>> -> memref<128x128xf32, #tpu.memory_space<vmem>>
      %dma_wait3A_124 = arith.constant 0 : i32
      %dma_wait3A_125 = tpu.memref_slice %arg7[%add3A_11, %dma_wait3A_124] : memref<10112x128xf32, #tpu.memory_space<vmem_shared>> -> memref<128x128xf32, #tpu.memory_space<vmem_shared>>
      %dma_wait3A_126 = arith.constant 0 : i32
      %dma_wait3A_127 = tpu.memref_slice %arg7[%add3A_11, %dma_wait3A_126] : memref<10112x128xf32, #tpu.memory_space<vmem_shared>> -> memref<128x128xf32, #tpu.memory_space<vmem_shared>>
      %dma_wait3A_128 = arith.constant 0 : i32
      %dma_wait3A_129 = arith.constant 0 : i32
      %dma_wait3A_130 = tpu.memref_slice %arg6[%run_scoped3A, %dma_wait3A_128, %dma_wait3A_129] : memref<2x128x128xf32, #tpu.memory_space<vmem>> -> memref<1x128x128xf32, #tpu.memory_space<vmem>>
      %dma_wait3A_131 = tpu.memref_squeeze %dma_wait3A_130 : memref<1x128x128xf32, #tpu.memory_space<vmem>> -> memref<128x128xf32, #tpu.memory_space<vmem>>
      tpu.wait_dma2 semaphore(%run_scoped3A_107 : memref<!tpu.dma_semaphore, #tpu.memory_space<semaphore_mem>>) src(%dma_wait3A_131 : memref<128x128xf32, #tpu.memory_space<vmem>>) dst(%dma_wait3A_127 : memref<128x128xf32, #tpu.memory_space<vmem_shared>>)
      tpu.yield
    }) : () -> ()
    %mul3A_12 = arith.constant 632 : i32
    %mul3A_13 = arith.muli %arg1, %mul3A_12 : i32
    %add3A_14 = arith.constant 128 : i32
    %add3A_15 = arith.addi %mul3A_13, %add3A_14 : i32
    %run_scoped3A_16 = arith.constant 0 : i32
    "tpu.region"() ({
      %run_scoped3A_107 = tpu.sem_alloc : memref<!tpu.dma_semaphore, #tpu.memory_space<semaphore_mem>>
      %dma_start3A_108 = arith.constant 0 : i32
      %dma_start3A_109 = arith.constant 0 : i32
      %dma_start3A_110 = tpu.memref_slice %arg6[%run_scoped3A_16, %dma_start3A_108, %dma_start3A_109] : memref<2x128x128xf32, #tpu.memory_space<vmem>> -> memref<1x128x128xf32, #tpu.memory_space<vmem>>
      %dma_start3A_111 = tpu.memref_squeeze %dma_start3A_110 : memref<1x128x128xf32, #tpu.memory_space<vmem>> -> memref<128x128xf32, #tpu.memory_space<vmem>>
      %dma_start3A_112 = arith.constant 0 : i32
      %dma_start3A_113 = tpu.memref_slice %arg7[%add3A_15, %dma_start3A_112] : memref<10112x128xf32, #tpu.memory_space<vmem_shared>> -> memref<128x128xf32, #tpu.memory_space<vmem_shared>>
      %dma_start3A_114 = arith.constant 0 : i32
      %dma_start3A_115 = tpu.memref_slice %arg7[%add3A_15, %dma_start3A_114] : memref<10112x128xf32, #tpu.memory_space<vmem_shared>> -> memref<128x128xf32, #tpu.memory_space<vmem_shared>>
      %dma_start3A_116 = arith.constant 0 : i32
      %dma_start3A_117 = arith.constant 0 : i32
      %dma_start3A_118 = tpu.memref_slice %arg6[%run_scoped3A_16, %dma_start3A_116, %dma_start3A_117] : memref<2x128x128xf32, #tpu.memory_space<vmem>> -> memref<1x128x128xf32, #tpu.memory_space<vmem>>
      %dma_start3A_119 = tpu.memref_squeeze %dma_start3A_118 : memref<1x128x128xf32, #tpu.memory_space<vmem>> -> memref<128x128xf32, #tpu.memory_space<vmem>>
      tpu.enqueue_dma source(%dma_start3A_119 : memref<128x128xf32, #tpu.memory_space<vmem>>) target(%dma_start3A_115 : memref<128x128xf32, #tpu.memory_space<vmem_shared>>) target_semaphore(%run_scoped3A_107 : memref<!tpu.dma_semaphore, #tpu.memory_space<semaphore_mem>>)
      %dma_wait3A_120 = arith.constant 0 : i32
      %dma_wait3A_121 = arith.constant 0 : i32
      %dma_wait3A_122 = tpu.memref_slice %arg6[%run_scoped3A_16, %dma_wait3A_120, %dma_wait3A_121] : memref<2x128x128xf32, #tpu.memory_space<vmem>> -> memref<1x128x128xf32, #tpu.memory_space<vmem>>
      %dma_wait3A_123 = tpu.memref_squeeze %dma_wait3A_122 : memref<1x128x128xf32, #tpu.memory_space<vmem>> -> memref<128x128xf32, #tpu.memory_space<vmem>>
      %dma_wait3A_124 = arith.constant 0 : i32
      %dma_wait3A_125 = tpu.memref_slice %arg7[%add3A_15, %dma_wait3A_124] : memref<10112x128xf32, #tpu.memory_space<vmem_shared>> -> memref<128x128xf32, #tpu.memory_space<vmem_shared>>
      %dma_wait3A_126 = arith.constant 0 : i32
      %dma_wait3A_127 = tpu.memref_slice %arg7[%add3A_15, %dma_wait3A_126] : memref<10112x128xf32, #tpu.memory_space<vmem_shared>> -> memref<128x128xf32, #tpu.memory_space<vmem_shared>>
      %dma_wait3A_128 = arith.constant 0 : i32
      %dma_wait3A_129 = arith.constant 0 : i32
      %dma_wait3A_130 = tpu.memref_slice %arg6[%run_scoped3A_16, %dma_wait3A_128, %dma_wait3A_129] : memref<2x128x128xf32, #tpu.memory_space<vmem>> -> memref<1x128x128xf32, #tpu.memory_space<vmem>>
      %dma_wait3A_131 = tpu.memref_squeeze %dma_wait3A_130 : memref<1x128x128xf32, #tpu.memory_space<vmem>> -> memref<128x128xf32, #tpu.memory_space<vmem>>
      tpu.wait_dma2 semaphore(%run_scoped3A_107 : memref<!tpu.dma_semaphore, #tpu.memory_space<semaphore_mem>>) src(%dma_wait3A_131 : memref<128x128xf32, #tpu.memory_space<vmem>>) dst(%dma_wait3A_127 : memref<128x128xf32, #tpu.memory_space<vmem_shared>>)
      tpu.yield
    }) : () -> ()
    %mul3A_17 = arith.constant 632 : i32
    %mul3A_18 = arith.muli %arg1, %mul3A_17 : i32
    %add3A_19 = arith.constant 256 : i32
    %add3A_20 = arith.addi %mul3A_18, %add3A_19 : i32
    %run_scoped3A_21 = arith.constant 0 : i32
    "tpu.region"() ({
      %run_scoped3A_107 = tpu.sem_alloc : memref<!tpu.dma_semaphore, #tpu.memory_space<semaphore_mem>>
      %dma_start3A_108 = arith.constant 0 : i32
      %dma_start3A_109 = arith.constant 0 : i32
      %dma_start3A_110 = tpu.memref_slice %arg6[%run_scoped3A_21, %dma_start3A_108, %dma_start3A_109] : memref<2x128x128xf32, #tpu.memory_space<vmem>> -> memref<1x128x128xf32, #tpu.memory_space<vmem>>
      %dma_start3A_111 = tpu.memref_squeeze %dma_start3A_110 : memref<1x128x128xf32, #tpu.memory_space<vmem>> -> memref<128x128xf32, #tpu.memory_space<vmem>>
      %dma_start3A_112 = arith.constant 0 : i32
      %dma_start3A_113 = tpu.memref_slice %arg7[%add3A_20, %dma_start3A_112] : memref<10112x128xf32, #tpu.memory_space<vmem_shared>> -> memref<128x128xf32, #tpu.memory_space<vmem_shared>>
      %dma_start3A_114 = arith.constant 0 : i32
      %dma_start3A_115 = tpu.memref_slice %arg7[%add3A_20, %dma_start3A_114] : memref<10112x128xf32, #tpu.memory_space<vmem_shared>> -> memref<128x128xf32, #tpu.memory_space<vmem_shared>>
      %dma_start3A_116 = arith.constant 0 : i32
      %dma_start3A_117 = arith.constant 0 : i32
      %dma_start3A_118 = tpu.memref_slice %arg6[%run_scoped3A_21, %dma_start3A_116, %dma_start3A_117] : memref<2x128x128xf32, #tpu.memory_space<vmem>> -> memref<1x128x128xf32, #tpu.memory_space<vmem>>
      %dma_start3A_119 = tpu.memref_squeeze %dma_start3A_118 : memref<1x128x128xf32, #tpu.memory_space<vmem>> -> memref<128x128xf32, #tpu.memory_space<vmem>>
      tpu.enqueue_dma source(%dma_start3A_119 : memref<128x128xf32, #tpu.memory_space<vmem>>) target(%dma_start3A_115 : memref<128x128xf32, #tpu.memory_space<vmem_shared>>) target_semaphore(%run_scoped3A_107 : memref<!tpu.dma_semaphore, #tpu.memory_space<semaphore_mem>>)
      %dma_wait3A_120 = arith.constant 0 : i32
      %dma_wait3A_121 = arith.constant 0 : i32
      %dma_wait3A_122 = tpu.memref_slice %arg6[%run_scoped3A_21, %dma_wait3A_120, %dma_wait3A_121] : memref<2x128x128xf32, #tpu.memory_space<vmem>> -> memref<1x128x128xf32, #tpu.memory_space<vmem>>
      %dma_wait3A_123 = tpu.memref_squeeze %dma_wait3A_122 : memref<1x128x128xf32, #tpu.memory_space<vmem>> -> memref<128x128xf32, #tpu.memory_space<vmem>>
      %dma_wait3A_124 = arith.constant 0 : i32
      %dma_wait3A_125 = tpu.memref_slice %arg7[%add3A_20, %dma_wait3A_124] : memref<10112x128xf32, #tpu.memory_space<vmem_shared>> -> memref<128x128xf32, #tpu.memory_space<vmem_shared>>
      %dma_wait3A_126 = arith.constant 0 : i32
      %dma_wait3A_127 = tpu.memref_slice %arg7[%add3A_20, %dma_wait3A_126] : memref<10112x128xf32, #tpu.memory_space<vmem_shared>> -> memref<128x128xf32, #tpu.memory_space<vmem_shared>>
      %dma_wait3A_128 = arith.constant 0 : i32
      %dma_wait3A_129 = arith.constant 0 : i32
      %dma_wait3A_130 = tpu.memref_slice %arg6[%run_scoped3A_21, %dma_wait3A_128, %dma_wait3A_129] : memref<2x128x128xf32, #tpu.memory_space<vmem>> -> memref<1x128x128xf32, #tpu.memory_space<vmem>>
      %dma_wait3A_131 = tpu.memref_squeeze %dma_wait3A_130 : memref<1x128x128xf32, #tpu.memory_space<vmem>> -> memref<128x128xf32, #tpu.memory_space<vmem>>
      tpu.wait_dma2 semaphore(%run_scoped3A_107 : memref<!tpu.dma_semaphore, #tpu.memory_space<semaphore_mem>>) src(%dma_wait3A_131 : memref<128x128xf32, #tpu.memory_space<vmem>>) dst(%dma_wait3A_127 : memref<128x128xf32, #tpu.memory_space<vmem_shared>>)
      tpu.yield
    }) : () -> ()
    %mul3A_22 = arith.constant 632 : i32
    %mul3A_23 = arith.muli %arg1, %mul3A_22 : i32
    %add3A_24 = arith.constant 384 : i32
    %add3A_25 = arith.addi %mul3A_23, %add3A_24 : i32
    %run_scoped3A_26 = arith.constant 0 : i32
    "tpu.region"() ({
      %run_scoped3A_107 = tpu.sem_alloc : memref<!tpu.dma_semaphore, #tpu.memory_space<semaphore_mem>>
      %dma_start3A_108 = arith.constant 0 : i32
      %dma_start3A_109 = arith.constant 0 : i32
      %dma_start3A_110 = tpu.memref_slice %arg6[%run_scoped3A_26, %dma_start3A_108, %dma_start3A_109] : memref<2x128x128xf32, #tpu.memory_space<vmem>> -> memref<1x128x128xf32, #tpu.memory_space<vmem>>
      %dma_start3A_111 = tpu.memref_squeeze %dma_start3A_110 : memref<1x128x128xf32, #tpu.memory_space<vmem>> -> memref<128x128xf32, #tpu.memory_space<vmem>>
      %dma_start3A_112 = arith.constant 0 : i32
      %dma_start3A_113 = tpu.memref_slice %arg7[%add3A_25, %dma_start3A_112] : memref<10112x128xf32, #tpu.memory_space<vmem_shared>> -> memref<128x128xf32, #tpu.memory_space<vmem_shared>>
      %dma_start3A_114 = arith.constant 0 : i32
      %dma_start3A_115 = tpu.memref_slice %arg7[%add3A_25, %dma_start3A_114] : memref<10112x128xf32, #tpu.memory_space<vmem_shared>> -> memref<128x128xf32, #tpu.memory_space<vmem_shared>>
      %dma_start3A_116 = arith.constant 0 : i32
      %dma_start3A_117 = arith.constant 0 : i32
      %dma_start3A_118 = tpu.memref_slice %arg6[%run_scoped3A_26, %dma_start3A_116, %dma_start3A_117] : memref<2x128x128xf32, #tpu.memory_space<vmem>> -> memref<1x128x128xf32, #tpu.memory_space<vmem>>
      %dma_start3A_119 = tpu.memref_squeeze %dma_start3A_118 : memref<1x128x128xf32, #tpu.memory_space<vmem>> -> memref<128x128xf32, #tpu.memory_space<vmem>>
      tpu.enqueue_dma source(%dma_start3A_119 : memref<128x128xf32, #tpu.memory_space<vmem>>) target(%dma_start3A_115 : memref<128x128xf32, #tpu.memory_space<vmem_shared>>) target_semaphore(%run_scoped3A_107 : memref<!tpu.dma_semaphore, #tpu.memory_space<semaphore_mem>>)
      %dma_wait3A_120 = arith.constant 0 : i32
      %dma_wait3A_121 = arith.constant 0 : i32
      %dma_wait3A_122 = tpu.memref_slice %arg6[%run_scoped3A_26, %dma_wait3A_120, %dma_wait3A_121] : memref<2x128x128xf32, #tpu.memory_space<vmem>> -> memref<1x128x128xf32, #tpu.memory_space<vmem>>
      %dma_wait3A_123 = tpu.memref_squeeze %dma_wait3A_122 : memref<1x128x128xf32, #tpu.memory_space<vmem>> -> memref<128x128xf32, #tpu.memory_space<vmem>>
      %dma_wait3A_124 = arith.constant 0 : i32
      %dma_wait3A_125 = tpu.memref_slice %arg7[%add3A_25, %dma_wait3A_124] : memref<10112x128xf32, #tpu.memory_space<vmem_shared>> -> memref<128x128xf32, #tpu.memory_space<vmem_shared>>
      %dma_wait3A_126 = arith.constant 0 : i32
      %dma_wait3A_127 = tpu.memref_slice %arg7[%add3A_25, %dma_wait3A_126] : memref<10112x128xf32, #tpu.memory_space<vmem_shared>> -> memref<128x128xf32, #tpu.memory_space<vmem_shared>>
      %dma_wait3A_128 = arith.constant 0 : i32
      %dma_wait3A_129 = arith.constant 0 : i32
      %dma_wait3A_130 = tpu.memref_slice %arg6[%run_scoped3A_26, %dma_wait3A_128, %dma_wait3A_129] : memref<2x128x128xf32, #tpu.memory_space<vmem>> -> memref<1x128x128xf32, #tpu.memory_space<vmem>>
      %dma_wait3A_131 = tpu.memref_squeeze %dma_wait3A_130 : memref<1x128x128xf32, #tpu.memory_space<vmem>> -> memref<128x128xf32, #tpu.memory_space<vmem>>
      tpu.wait_dma2 semaphore(%run_scoped3A_107 : memref<!tpu.dma_semaphore, #tpu.memory_space<semaphore_mem>>) src(%dma_wait3A_131 : memref<128x128xf32, #tpu.memory_space<vmem>>) dst(%dma_wait3A_127 : memref<128x128xf32, #tpu.memory_space<vmem_shared>>)
      tpu.yield
    }) : () -> ()
    %mul3A_27 = arith.constant 632 : i32
    %mul3A_28 = arith.muli %arg1, %mul3A_27 : i32
    %add3A_29 = arith.constant 512 : i32
    %add3A_30 = arith.addi %mul3A_28, %add3A_29 : i32
    %run_scoped3A_31 = arith.constant 0 : i32
    "tpu.region"() ({
      %run_scoped3A_107 = tpu.sem_alloc : memref<!tpu.dma_semaphore, #tpu.memory_space<semaphore_mem>>
      %dma_start3A_108 = arith.constant 0 : i32
      %dma_start3A_109 = arith.constant 0 : i32
      %dma_start3A_110 = tpu.memref_slice %arg6[%run_scoped3A_31, %dma_start3A_108, %dma_start3A_109] : memref<2x128x128xf32, #tpu.memory_space<vmem>> -> memref<1x120x128xf32, #tpu.memory_space<vmem>>
      %dma_start3A_111 = tpu.memref_squeeze %dma_start3A_110 : memref<1x120x128xf32, #tpu.memory_space<vmem>> -> memref<120x128xf32, #tpu.memory_space<vmem>>
      %dma_start3A_112 = arith.constant 0 : i32
      %dma_start3A_113 = tpu.memref_slice %arg7[%add3A_30, %dma_start3A_112] : memref<10112x128xf32, #tpu.memory_space<vmem_shared>> -> memref<120x128xf32, #tpu.memory_space<vmem_shared>>
      %dma_start3A_114 = arith.constant 0 : i32
      %dma_start3A_115 = tpu.memref_slice %arg7[%add3A_30, %dma_start3A_114] : memref<10112x128xf32, #tpu.memory_space<vmem_shared>> -> memref<120x128xf32, #tpu.memory_space<vmem_shared>>
      %dma_start3A_116 = arith.constant 0 : i32
      %dma_start3A_117 = arith.constant 0 : i32
      %dma_start3A_118 = tpu.memref_slice %arg6[%run_scoped3A_31, %dma_start3A_116, %dma_start3A_117] : memref<2x128x128xf32, #tpu.memory_space<vmem>> -> memref<1x120x128xf32, #tpu.memory_space<vmem>>
      %dma_start3A_119 = tpu.memref_squeeze %dma_start3A_118 : memref<1x120x128xf32, #tpu.memory_space<vmem>> -> memref<120x128xf32, #tpu.memory_space<vmem>>
      tpu.enqueue_dma source(%dma_start3A_119 : memref<120x128xf32, #tpu.memory_space<vmem>>) target(%dma_start3A_115 : memref<120x128xf32, #tpu.memory_space<vmem_shared>>) target_semaphore(%run_scoped3A_107 : memref<!tpu.dma_semaphore, #tpu.memory_space<semaphore_mem>>)
      %dma_wait3A_120 = arith.constant 0 : i32
      %dma_wait3A_121 = arith.constant 0 : i32
      %dma_wait3A_122 = tpu.memref_slice %arg6[%run_scoped3A_31, %dma_wait3A_120, %dma_wait3A_121] : memref<2x128x128xf32, #tpu.memory_space<vmem>> -> memref<1x120x128xf32, #tpu.memory_space<vmem>>
      %dma_wait3A_123 = tpu.memref_squeeze %dma_wait3A_122 : memref<1x120x128xf32, #tpu.memory_space<vmem>> -> memref<120x128xf32, #tpu.memory_space<vmem>>
      %dma_wait3A_124 = arith.constant 0 : i32
      %dma_wait3A_125 = tpu.memref_slice %arg7[%add3A_30, %dma_wait3A_124] : memref<10112x128xf32, #tpu.memory_space<vmem_shared>> -> memref<120x128xf32, #tpu.memory_space<vmem_shared>>
      %dma_wait3A_126 = arith.constant 0 : i32
      %dma_wait3A_127 = tpu.memref_slice %arg7[%add3A_30, %dma_wait3A_126] : memref<10112x128xf32, #tpu.memory_space<vmem_shared>> -> memref<120x128xf32, #tpu.memory_space<vmem_shared>>
      %dma_wait3A_128 = arith.constant 0 : i32
      %dma_wait3A_129 = arith.constant 0 : i32
      %dma_wait3A_130 = tpu.memref_slice %arg6[%run_scoped3A_31, %dma_wait3A_128, %dma_wait3A_129] : memref<2x128x128xf32, #tpu.memory_space<vmem>> -> memref<1x120x128xf32, #tpu.memory_space<vmem>>
      %dma_wait3A_131 = tpu.memref_squeeze %dma_wait3A_130 : memref<1x120x128xf32, #tpu.memory_space<vmem>> -> memref<120x128xf32, #tpu.memory_space<vmem>>
      tpu.wait_dma2 semaphore(%run_scoped3A_107 : memref<!tpu.dma_semaphore, #tpu.memory_space<semaphore_mem>>) src(%dma_wait3A_131 : memref<120x128xf32, #tpu.memory_space<vmem>>) dst(%dma_wait3A_127 : memref<120x128xf32, #tpu.memory_space<vmem_shared>>)
      tpu.yield
    }) : () -> ()
    %run_scoped3A_32 = arith.constant 0 : i32
    "tpu.region"() ({
      %run_scoped3A_107 = tpu.sem_alloc : memref<!tpu.dma_semaphore, #tpu.memory_space<semaphore_mem>>
      %dma_start3A_108 = arith.constant 0 : i32
      %dma_start3A_109 = arith.constant 0 : i32
      %dma_start3A_110 = tpu.memref_slice %arg5[%run_scoped3A_32, %dma_start3A_108, %dma_start3A_109] : memref<2x2x128xi32, #tpu.memory_space<vmem>> -> memref<1x2x128xi32, #tpu.memory_space<vmem>>
      %dma_start3A_111 = tpu.memref_squeeze %dma_start3A_110 : memref<1x2x128xi32, #tpu.memory_space<vmem>> -> memref<2x128xi32, #tpu.memory_space<vmem>>
      %dma_start3A_112 = arith.constant 0 : i32
      %dma_start3A_113 = arith.constant 0 : i32
      %dma_start3A_114 = tpu.memref_slice %arg2[%mul3A_2, %dma_start3A_112, %dma_start3A_113] : memref<2562x2x128xi32, #tpu.memory_space<hbm>> -> memref<1x2x128xi32, #tpu.memory_space<hbm>>
      %dma_start3A_115 = tpu.memref_squeeze %dma_start3A_114 : memref<1x2x128xi32, #tpu.memory_space<hbm>> -> memref<2x128xi32, #tpu.memory_space<hbm>>
      %dma_start3A_116 = arith.constant 0 : i32
      %dma_start3A_117 = arith.constant 0 : i32
      %dma_start3A_118 = tpu.memref_slice %arg5[%run_scoped3A_32, %dma_start3A_116, %dma_start3A_117] : memref<2x2x128xi32, #tpu.memory_space<vmem>> -> memref<1x2x128xi32, #tpu.memory_space<vmem>>
      %dma_start3A_119 = tpu.memref_squeeze %dma_start3A_118 : memref<1x2x128xi32, #tpu.memory_space<vmem>> -> memref<2x128xi32, #tpu.memory_space<vmem>>
      %dma_start3A_120 = arith.constant 0 : i32
      %dma_start3A_121 = arith.constant 0 : i32
      %dma_start3A_122 = tpu.memref_slice %arg2[%mul3A_2, %dma_start3A_120, %dma_start3A_121] : memref<2562x2x128xi32, #tpu.memory_space<hbm>> -> memref<1x2x128xi32, #tpu.memory_space<hbm>>
      %dma_start3A_123 = tpu.memref_squeeze %dma_start3A_122 : memref<1x2x128xi32, #tpu.memory_space<hbm>> -> memref<2x128xi32, #tpu.memory_space<hbm>>
      tpu.enqueue_dma source(%dma_start3A_123 : memref<2x128xi32, #tpu.memory_space<hbm>>) target(%dma_start3A_119 : memref<2x128xi32, #tpu.memory_space<vmem>>) target_semaphore(%run_scoped3A_107 : memref<!tpu.dma_semaphore, #tpu.memory_space<semaphore_mem>>)
      %dma_wait3A_124 = arith.constant 0 : i32
      %dma_wait3A_125 = arith.constant 0 : i32
      %dma_wait3A_126 = tpu.memref_slice %arg5[%run_scoped3A_32, %dma_wait3A_124, %dma_wait3A_125] : memref<2x2x128xi32, #tpu.memory_space<vmem>> -> memref<1x2x128xi32, #tpu.memory_space<vmem>>
      %dma_wait3A_127 = tpu.memref_squeeze %dma_wait3A_126 : memref<1x2x128xi32, #tpu.memory_space<vmem>> -> memref<2x128xi32, #tpu.memory_space<vmem>>
      %dma_wait3A_128 = arith.constant 0 : i32
      %dma_wait3A_129 = arith.constant 0 : i32
      %dma_wait3A_130 = tpu.memref_slice %arg2[%mul3A_2, %dma_wait3A_128, %dma_wait3A_129] : memref<2562x2x128xi32, #tpu.memory_space<hbm>> -> memref<1x2x128xi32, #tpu.memory_space<hbm>>
      %dma_wait3A_131 = tpu.memref_squeeze %dma_wait3A_130 : memref<1x2x128xi32, #tpu.memory_space<hbm>> -> memref<2x128xi32, #tpu.memory_space<hbm>>
      %dma_wait3A_132 = arith.constant 0 : i32
      %dma_wait3A_133 = arith.constant 0 : i32
      %dma_wait3A_134 = tpu.memref_slice %arg5[%run_scoped3A_32, %dma_wait3A_132, %dma_wait3A_133] : memref<2x2x128xi32, #tpu.memory_space<vmem>> -> memref<1x2x128xi32, #tpu.memory_space<vmem>>
      %dma_wait3A_135 = tpu.memref_squeeze %dma_wait3A_134 : memref<1x2x128xi32, #tpu.memory_space<vmem>> -> memref<2x128xi32, #tpu.memory_space<vmem>>
      %dma_wait3A_136 = arith.constant 0 : i32
      %dma_wait3A_137 = arith.constant 0 : i32
      %dma_wait3A_138 = tpu.memref_slice %arg2[%mul3A_2, %dma_wait3A_136, %dma_wait3A_137] : memref<2562x2x128xi32, #tpu.memory_space<hbm>> -> memref<1x2x128xi32, #tpu.memory_space<hbm>>
      %dma_wait3A_139 = tpu.memref_squeeze %dma_wait3A_138 : memref<1x2x128xi32, #tpu.memory_space<hbm>> -> memref<2x128xi32, #tpu.memory_space<hbm>>
      tpu.wait_dma2 semaphore(%run_scoped3A_107 : memref<!tpu.dma_semaphore, #tpu.memory_space<semaphore_mem>>) src(%dma_wait3A_139 : memref<2x128xi32, #tpu.memory_space<hbm>>) dst(%dma_wait3A_135 : memref<2x128xi32, #tpu.memory_space<vmem>>)
      tpu.yield
    }) : () -> ()
    %dma_start3A = arith.constant 0 : i32
    %dma_start3A_33 = arith.constant 0 : i32
    %dma_start3A_34 = arith.constant 0 : i32
    %dma_start3A_35 = arith.constant 0 : i32
    %dma_start3A_36 = arith.constant 0 : i32
    %dma_start3A_37 = tpu.memref_slice %arg6[%dma_start3A_34, %dma_start3A_35, %dma_start3A_36] : memref<2x128x128xf32, #tpu.memory_space<vmem>> -> memref<1x128x128xf32, #tpu.memory_space<vmem>>
    %dma_start3A_38 = tpu.memref_squeeze %dma_start3A_37 : memref<1x128x128xf32, #tpu.memory_space<vmem>> -> memref<128x128xf32, #tpu.memory_space<vmem>>
    %dma_start3A_39 = arith.constant 0 : i32
    %dma_start3A_40 = tpu.memref_slice %arg5[%dma_start3A, %dma_start3A_33, %dma_start3A_39] : memref<2x2x128xi32, #tpu.memory_space<vmem>> -> memref<1x1x128xi32, #tpu.memory_space<vmem>>
    %dma_start3A_41 = tpu.memref_squeeze %dma_start3A_40 : memref<1x1x128xi32, #tpu.memory_space<vmem>> -> memref<128xi32, #tpu.memory_space<vmem>>
    %dma_start3A_42 = arith.constant 0 : i32
    %dma_start3A_43 = arith.constant 0 : i32
    %dma_start3A_44 = tpu.memref_slice %arg3[%dma_start3A_42, %dma_start3A_43] : memref<10000x128xf32, #tpu.memory_space<hbm>> -> memref<10000x128xf32, #tpu.memory_space<hbm>>
    tpu.enqueue_indirect_dma source(%dma_start3A_44 : memref<10000x128xf32, #tpu.memory_space<hbm>>) target(%dma_start3A_38 : memref<128x128xf32, #tpu.memory_space<vmem>>) offsets(%dma_start3A_41 : memref<128xi32, #tpu.memory_space<vmem>>) semaphore(%arg10 : memref<!tpu.dma_semaphore, #tpu.memory_space<semaphore_mem>>)
    %add3A_45 = arith.constant 1 : i32
    %add3A_46 = arith.addi %mul3A_2, %add3A_45 : i32
    %dma_start3A_47 = arith.constant 1 : i32
    %dma_start3A_48 = arith.constant 0 : i32
    %dma_start3A_49 = arith.constant 0 : i32
    %dma_start3A_50 = tpu.memref_slice %arg5[%dma_start3A_47, %dma_start3A_48, %dma_start3A_49] : memref<2x2x128xi32, #tpu.memory_space<vmem>> -> memref<1x2x128xi32, #tpu.memory_space<vmem>>
    %dma_start3A_51 = tpu.memref_squeeze %dma_start3A_50 : memref<1x2x128xi32, #tpu.memory_space<vmem>> -> memref<2x128xi32, #tpu.memory_space<vmem>>
    %dma_start3A_52 = arith.constant 0 : i32
    %dma_start3A_53 = arith.constant 0 : i32
    %dma_start3A_54 = tpu.memref_slice %arg2[%add3A_46, %dma_start3A_52, %dma_start3A_53] : memref<2562x2x128xi32, #tpu.memory_space<hbm>> -> memref<1x2x128xi32, #tpu.memory_space<hbm>>
    %dma_start3A_55 = tpu.memref_squeeze %dma_start3A_54 : memref<1x2x128xi32, #tpu.memory_space<hbm>> -> memref<2x128xi32, #tpu.memory_space<hbm>>
    %dma_start3A_56 = arith.constant 0 : i32
    %dma_start3A_57 = arith.constant 0 : i32
    %dma_start3A_58 = tpu.memref_slice %arg5[%dma_start3A_47, %dma_start3A_56, %dma_start3A_57] : memref<2x2x128xi32, #tpu.memory_space<vmem>> -> memref<1x2x128xi32, #tpu.memory_space<vmem>>
    %dma_start3A_59 = tpu.memref_squeeze %dma_start3A_58 : memref<1x2x128xi32, #tpu.memory_space<vmem>> -> memref<2x128xi32, #tpu.memory_space<vmem>>
    %dma_start3A_60 = arith.constant 0 : i32
    %dma_start3A_61 = arith.constant 0 : i32
    %dma_start3A_62 = tpu.memref_slice %arg2[%add3A_46, %dma_start3A_60, %dma_start3A_61] : memref<2562x2x128xi32, #tpu.memory_space<hbm>> -> memref<1x2x128xi32, #tpu.memory_space<hbm>>
    %dma_start3A_63 = tpu.memref_squeeze %dma_start3A_62 : memref<1x2x128xi32, #tpu.memory_space<hbm>> -> memref<2x128xi32, #tpu.memory_space<hbm>>
    tpu.enqueue_dma source(%dma_start3A_63 : memref<2x128xi32, #tpu.memory_space<hbm>>) target(%dma_start3A_59 : memref<2x128xi32, #tpu.memory_space<vmem>>) target_semaphore(%arg9 : memref<!tpu.dma_semaphore, #tpu.memory_space<semaphore_mem>>)
    %barrier3A = arith.constant 0 : index
    tpu.barrier barrier_id(%barrier3A)
    %scan3A_64 = arith.constant 0 : i32
    %scan3A_65 = arith.constant 40 : i32
    %scan3A_66 = arith.addi %scan3A_64, %scan3A_65 : i32
    %scan3A_67 = arith.constant 1 : i32
    scf.for %scan3A_107 = %scan3A_64 to %scan3A_66 step %scan3A_67  : i32 {
      %mul3A_108 = arith.constant 2 : i32
      %mul3A_109 = arith.muli %scan3A_107, %mul3A_108 : i32
      %add3A_110 = arith.constant 0 : i32
      %add3A_111 = arith.addi %add3A_110, %mul3A_109 : i32
      %add3A_112 = arith.constant 0 : i32
      %add3A_113 = arith.addi %add3A_111, %add3A_112 : i32
      %add3A_114 = arith.addi %mul3A_2, %add3A_113 : i32
      %add3A_115 = arith.constant 1 : i32
      %add3A_116 = arith.addi %add3A_114, %add3A_115 : i32
      %dma_wait3A_117 = arith.constant 1 : i32
      %dma_wait3A_118 = arith.constant 0 : i32
      %dma_wait3A_119 = arith.constant 0 : i32
      %dma_wait3A_120 = tpu.memref_slice %arg5[%dma_wait3A_117, %dma_wait3A_118, %dma_wait3A_119] : memref<2x2x128xi32, #tpu.memory_space<vmem>> -> memref<1x2x128xi32, #tpu.memory_space<vmem>>
      %dma_wait3A_121 = tpu.memref_squeeze %dma_wait3A_120 : memref<1x2x128xi32, #tpu.memory_space<vmem>> -> memref<2x128xi32, #tpu.memory_space<vmem>>
      %dma_wait3A_122 = arith.constant 0 : i32
      %dma_wait3A_123 = arith.constant 0 : i32
      %dma_wait3A_124 = tpu.memref_slice %arg2[%add3A_116, %dma_wait3A_122, %dma_wait3A_123] : memref<2562x2x128xi32, #tpu.memory_space<hbm>> -> memref<1x2x128xi32, #tpu.memory_space<hbm>>
      %dma_wait3A_125 = tpu.memref_squeeze %dma_wait3A_124 : memref<1x2x128xi32, #tpu.memory_space<hbm>> -> memref<2x128xi32, #tpu.memory_space<hbm>>
      %dma_wait3A_126 = arith.constant 0 : i32
      %dma_wait3A_127 = arith.constant 0 : i32
      %dma_wait3A_128 = tpu.memref_slice %arg5[%dma_wait3A_117, %dma_wait3A_126, %dma_wait3A_127] : memref<2x2x128xi32, #tpu.memory_space<vmem>> -> memref<1x2x128xi32, #tpu.memory_space<vmem>>
      %dma_wait3A_129 = tpu.memref_squeeze %dma_wait3A_128 : memref<1x2x128xi32, #tpu.memory_space<vmem>> -> memref<2x128xi32, #tpu.memory_space<vmem>>
      %dma_wait3A_130 = arith.constant 0 : i32
      %dma_wait3A_131 = arith.constant 0 : i32
      %dma_wait3A_132 = tpu.memref_slice %arg2[%add3A_116, %dma_wait3A_130, %dma_wait3A_131] : memref<2562x2x128xi32, #tpu.memory_space<hbm>> -> memref<1x2x128xi32, #tpu.memory_space<hbm>>
      %dma_wait3A_133 = tpu.memref_squeeze %dma_wait3A_132 : memref<1x2x128xi32, #tpu.memory_space<hbm>> -> memref<2x128xi32, #tpu.memory_space<hbm>>
      tpu.wait_dma2 semaphore(%arg9 : memref<!tpu.dma_semaphore, #tpu.memory_space<semaphore_mem>>) src(%dma_wait3A_133 : memref<2x128xi32, #tpu.memory_space<hbm>>) dst(%dma_wait3A_129 : memref<2x128xi32, #tpu.memory_space<vmem>>)
      %dma_start3A_134 = arith.constant 1 : i32
      %dma_start3A_135 = arith.constant 0 : i32
      %dma_start3A_136 = arith.constant 1 : i32
      %dma_start3A_137 = arith.constant 0 : i32
      %dma_start3A_138 = arith.constant 0 : i32
      %dma_start3A_139 = tpu.memref_slice %arg6[%dma_start3A_136, %dma_start3A_137, %dma_start3A_138] : memref<2x128x128xf32, #tpu.memory_space<vmem>> -> memref<1x128x128xf32, #tpu.memory_space<vmem>>
      %dma_start3A_140 = tpu.memref_squeeze %dma_start3A_139 : memref<1x128x128xf32, #tpu.memory_space<vmem>> -> memref<128x128xf32, #tpu.memory_space<vmem>>
      %dma_start3A_141 = arith.constant 0 : i32
      %dma_start3A_142 = tpu.memref_slice %arg5[%dma_start3A_134, %dma_start3A_135, %dma_start3A_141] : memref<2x2x128xi32, #tpu.memory_space<vmem>> -> memref<1x1x128xi32, #tpu.memory_space<vmem>>
      %dma_start3A_143 = tpu.memref_squeeze %dma_start3A_142 : memref<1x1x128xi32, #tpu.memory_space<vmem>> -> memref<128xi32, #tpu.memory_space<vmem>>
      %dma_start3A_144 = arith.constant 0 : i32
      %dma_start3A_145 = arith.constant 0 : i32
      %dma_start3A_146 = tpu.memref_slice %arg3[%dma_start3A_144, %dma_start3A_145] : memref<10000x128xf32, #tpu.memory_space<hbm>> -> memref<10000x128xf32, #tpu.memory_space<hbm>>
      tpu.enqueue_indirect_dma source(%dma_start3A_146 : memref<10000x128xf32, #tpu.memory_space<hbm>>) target(%dma_start3A_140 : memref<128x128xf32, #tpu.memory_space<vmem>>) offsets(%dma_start3A_143 : memref<128xi32, #tpu.memory_space<vmem>>) semaphore(%arg11 : memref<!tpu.dma_semaphore, #tpu.memory_space<semaphore_mem>>)
      %dma_wait3A_147 = arith.constant 0 : i32
      %dma_wait3A_148 = arith.constant 0 : i32
      %dma_wait3A_149 = arith.constant 0 : i32
      %dma_wait3A_150 = arith.constant 0 : i32
      %dma_wait3A_151 = arith.constant 0 : i32
      %dma_wait3A_152 = tpu.memref_slice %arg6[%dma_wait3A_149, %dma_wait3A_150, %dma_wait3A_151] : memref<2x128x128xf32, #tpu.memory_space<vmem>> -> memref<1x128x128xf32, #tpu.memory_space<vmem>>
      %dma_wait3A_153 = tpu.memref_squeeze %dma_wait3A_152 : memref<1x128x128xf32, #tpu.memory_space<vmem>> -> memref<128x128xf32, #tpu.memory_space<vmem>>
      %dma_wait3A_154 = arith.constant 0 : i32
      %dma_wait3A_155 = tpu.memref_slice %arg5[%dma_wait3A_147, %dma_wait3A_148, %dma_wait3A_154] : memref<2x2x128xi32, #tpu.memory_space<vmem>> -> memref<1x1x128xi32, #tpu.memory_space<vmem>>
      %dma_wait3A_156 = tpu.memref_squeeze %dma_wait3A_155 : memref<1x1x128xi32, #tpu.memory_space<vmem>> -> memref<128xi32, #tpu.memory_space<vmem>>
      %dma_wait3A_157 = arith.constant 0 : i32
      %dma_wait3A_158 = arith.constant 0 : i32
      %dma_wait3A_159 = tpu.memref_slice %arg3[%dma_wait3A_157, %dma_wait3A_158] : memref<10000x128xf32, #tpu.memory_space<hbm>> -> memref<10000x128xf32, #tpu.memory_space<hbm>>
      tpu.wait_indirect_dma semaphore(%arg10 : memref<!tpu.dma_semaphore, #tpu.memory_space<semaphore_mem>>) src(%dma_wait3A_159 : memref<10000x128xf32, #tpu.memory_space<hbm>>) dst(%dma_wait3A_153 : memref<128x128xf32, #tpu.memory_space<vmem>>)
      %run_scoped3A_160 = arith.constant 0 : i32
      %run_scoped3A_161 = arith.constant 0 : i32
      %run_scoped3A_162 = arith.constant 1 : i32
      "tpu.region"() ({
        %run_scoped3A_254 = tpu.sem_alloc : memref<!tpu.dma_semaphore, #tpu.memory_space<semaphore_mem>>
        %dma_start3A_255 = arith.constant 0 : i32
        %dma_start3A_256 = arith.constant 0 : i32
        %dma_start3A_257 = tpu.memref_slice %arg6[%run_scoped3A_160, %dma_start3A_255, %dma_start3A_256] : memref<2x128x128xf32, #tpu.memory_space<vmem>> -> memref<1x128x128xf32, #tpu.memory_space<vmem>>
        %dma_start3A_258 = tpu.memref_squeeze %dma_start3A_257 : memref<1x128x128xf32, #tpu.memory_space<vmem>> -> memref<128x128xf32, #tpu.memory_space<vmem>>
        %dma_start3A_259 = arith.constant 0 : i32
        %dma_start3A_260 = tpu.memref_slice %arg5[%run_scoped3A_161, %run_scoped3A_162, %dma_start3A_259] : memref<2x2x128xi32, #tpu.memory_space<vmem>> -> memref<1x1x128xi32, #tpu.memory_space<vmem>>
        %dma_start3A_261 = tpu.memref_squeeze %dma_start3A_260 : memref<1x1x128xi32, #tpu.memory_space<vmem>> -> memref<128xi32, #tpu.memory_space<vmem>>
        %dma_start3A_262 = arith.constant 0 : i32
        %dma_start3A_263 = arith.constant 0 : i32
        %dma_start3A_264 = tpu.memref_slice %arg7[%dma_start3A_262, %dma_start3A_263] : memref<10112x128xf32, #tpu.memory_space<vmem_shared>> -> memref<10112x128xf32, #tpu.memory_space<vmem_shared>>
        tpu.enqueue_indirect_dma source(%dma_start3A_258 : memref<128x128xf32, #tpu.memory_space<vmem>>) target(%dma_start3A_264 : memref<10112x128xf32, #tpu.memory_space<vmem_shared>>) offsets(%dma_start3A_261 : memref<128xi32, #tpu.memory_space<vmem>>) semaphore(%run_scoped3A_254 : memref<!tpu.dma_semaphore, #tpu.memory_space<semaphore_mem>>) {add = true}
        %dma_wait3A_265 = arith.constant 0 : i32
        %dma_wait3A_266 = arith.constant 0 : i32
        %dma_wait3A_267 = tpu.memref_slice %arg6[%run_scoped3A_160, %dma_wait3A_265, %dma_wait3A_266] : memref<2x128x128xf32, #tpu.memory_space<vmem>> -> memref<1x128x128xf32, #tpu.memory_space<vmem>>
        %dma_wait3A_268 = tpu.memref_squeeze %dma_wait3A_267 : memref<1x128x128xf32, #tpu.memory_space<vmem>> -> memref<128x128xf32, #tpu.memory_space<vmem>>
        %dma_wait3A_269 = arith.constant 0 : i32
        %dma_wait3A_270 = tpu.memref_slice %arg5[%run_scoped3A_161, %run_scoped3A_162, %dma_wait3A_269] : memref<2x2x128xi32, #tpu.memory_space<vmem>> -> memref<1x1x128xi32, #tpu.memory_space<vmem>>
        %dma_wait3A_271 = tpu.memref_squeeze %dma_wait3A_270 : memref<1x1x128xi32, #tpu.memory_space<vmem>> -> memref<128xi32, #tpu.memory_space<vmem>>
        %dma_wait3A_272 = arith.constant 0 : i32
        %dma_wait3A_273 = arith.constant 0 : i32
        %dma_wait3A_274 = tpu.memref_slice %arg7[%dma_wait3A_272, %dma_wait3A_273] : memref<10112x128xf32, #tpu.memory_space<vmem_shared>> -> memref<10112x128xf32, #tpu.memory_space<vmem_shared>>
        tpu.wait_indirect_dma semaphore(%run_scoped3A_254 : memref<!tpu.dma_semaphore, #tpu.memory_space<semaphore_mem>>) src(%dma_wait3A_268 : memref<128x128xf32, #tpu.memory_space<vmem>>) dst(%dma_wait3A_274 : memref<10112x128xf32, #tpu.memory_space<vmem_shared>>)
        tpu.yield
      }) : () -> ()
      %add3A_163 = arith.addi %mul3A_2, %add3A_113 : i32
      %add3A_164 = arith.constant 2 : i32
      %add3A_165 = arith.addi %add3A_163, %add3A_164 : i32
      %dma_start3A_166 = arith.constant 0 : i32
      %dma_start3A_167 = arith.constant 0 : i32
      %dma_start3A_168 = arith.constant 0 : i32
      %dma_start3A_169 = tpu.memref_slice %arg5[%dma_start3A_166, %dma_start3A_167, %dma_start3A_168] : memref<2x2x128xi32, #tpu.memory_space<vmem>> -> memref<1x2x128xi32, #tpu.memory_space<vmem>>
      %dma_start3A_170 = tpu.memref_squeeze %dma_start3A_169 : memref<1x2x128xi32, #tpu.memory_space<vmem>> -> memref<2x128xi32, #tpu.memory_space<vmem>>
      %dma_start3A_171 = arith.constant 0 : i32
      %dma_start3A_172 = arith.constant 0 : i32
      %dma_start3A_173 = tpu.memref_slice %arg2[%add3A_165, %dma_start3A_171, %dma_start3A_172] : memref<2562x2x128xi32, #tpu.memory_space<hbm>> -> memref<1x2x128xi32, #tpu.memory_space<hbm>>
      %dma_start3A_174 = tpu.memref_squeeze %dma_start3A_173 : memref<1x2x128xi32, #tpu.memory_space<hbm>> -> memref<2x128xi32, #tpu.memory_space<hbm>>
      %dma_start3A_175 = arith.constant 0 : i32
      %dma_start3A_176 = arith.constant 0 : i32
      %dma_start3A_177 = tpu.memref_slice %arg5[%dma_start3A_166, %dma_start3A_175, %dma_start3A_176] : memref<2x2x128xi32, #tpu.memory_space<vmem>> -> memref<1x2x128xi32, #tpu.memory_space<vmem>>
      %dma_start3A_178 = tpu.memref_squeeze %dma_start3A_177 : memref<1x2x128xi32, #tpu.memory_space<vmem>> -> memref<2x128xi32, #tpu.memory_space<vmem>>
      %dma_start3A_179 = arith.constant 0 : i32
      %dma_start3A_180 = arith.constant 0 : i32
      %dma_start3A_181 = tpu.memref_slice %arg2[%add3A_165, %dma_start3A_179, %dma_start3A_180] : memref<2562x2x128xi32, #tpu.memory_space<hbm>> -> memref<1x2x128xi32, #tpu.memory_space<hbm>>
      %dma_start3A_182 = tpu.memref_squeeze %dma_start3A_181 : memref<1x2x128xi32, #tpu.memory_space<hbm>> -> memref<2x128xi32, #tpu.memory_space<hbm>>
      tpu.enqueue_dma source(%dma_start3A_182 : memref<2x128xi32, #tpu.memory_space<hbm>>) target(%dma_start3A_178 : memref<2x128xi32, #tpu.memory_space<vmem>>) target_semaphore(%arg8 : memref<!tpu.dma_semaphore, #tpu.memory_space<semaphore_mem>>)
      %add3A_183 = arith.constant 1 : i32
      %add3A_184 = arith.addi %add3A_111, %add3A_183 : i32
      %add3A_185 = arith.addi %mul3A_2, %add3A_184 : i32
      %add3A_186 = arith.constant 1 : i32
      %add3A_187 = arith.addi %add3A_185, %add3A_186 : i32
      %dma_wait3A_188 = arith.constant 0 : i32
      %dma_wait3A_189 = arith.constant 0 : i32
      %dma_wait3A_190 = arith.constant 0 : i32
      %dma_wait3A_191 = tpu.memref_slice %arg5[%dma_wait3A_188, %dma_wait3A_189, %dma_wait3A_190] : memref<2x2x128xi32, #tpu.memory_space<vmem>> -> memref<1x2x128xi32, #tpu.memory_space<vmem>>
      %dma_wait3A_192 = tpu.memref_squeeze %dma_wait3A_191 : memref<1x2x128xi32, #tpu.memory_space<vmem>> -> memref<2x128xi32, #tpu.memory_space<vmem>>
      %dma_wait3A_193 = arith.constant 0 : i32
      %dma_wait3A_194 = arith.constant 0 : i32
      %dma_wait3A_195 = tpu.memref_slice %arg2[%add3A_187, %dma_wait3A_193, %dma_wait3A_194] : memref<2562x2x128xi32, #tpu.memory_space<hbm>> -> memref<1x2x128xi32, #tpu.memory_space<hbm>>
      %dma_wait3A_196 = tpu.memref_squeeze %dma_wait3A_195 : memref<1x2x128xi32, #tpu.memory_space<hbm>> -> memref<2x128xi32, #tpu.memory_space<hbm>>
      %dma_wait3A_197 = arith.constant 0 : i32
      %dma_wait3A_198 = arith.constant 0 : i32
      %dma_wait3A_199 = tpu.memref_slice %arg5[%dma_wait3A_188, %dma_wait3A_197, %dma_wait3A_198] : memref<2x2x128xi32, #tpu.memory_space<vmem>> -> memref<1x2x128xi32, #tpu.memory_space<vmem>>
      %dma_wait3A_200 = tpu.memref_squeeze %dma_wait3A_199 : memref<1x2x128xi32, #tpu.memory_space<vmem>> -> memref<2x128xi32, #tpu.memory_space<vmem>>
      %dma_wait3A_201 = arith.constant 0 : i32
      %dma_wait3A_202 = arith.constant 0 : i32
      %dma_wait3A_203 = tpu.memref_slice %arg2[%add3A_187, %dma_wait3A_201, %dma_wait3A_202] : memref<2562x2x128xi32, #tpu.memory_space<hbm>> -> memref<1x2x128xi32, #tpu.memory_space<hbm>>
      %dma_wait3A_204 = tpu.memref_squeeze %dma_wait3A_203 : memref<1x2x128xi32, #tpu.memory_space<hbm>> -> memref<2x128xi32, #tpu.memory_space<hbm>>
      tpu.wait_dma2 semaphore(%arg8 : memref<!tpu.dma_semaphore, #tpu.memory_space<semaphore_mem>>) src(%dma_wait3A_204 : memref<2x128xi32, #tpu.memory_space<hbm>>) dst(%dma_wait3A_200 : memref<2x128xi32, #tpu.memory_space<vmem>>)
      %dma_start3A_205 = arith.constant 0 : i32
      %dma_start3A_206 = arith.constant 0 : i32
      %dma_start3A_207 = arith.constant 0 : i32
      %dma_start3A_208 = arith.constant 0 : i32
      %dma_start3A_209 = arith.constant 0 : i32
      %dma_start3A_210 = tpu.memref_slice %arg6[%dma_start3A_207, %dma_start3A_208, %dma_start3A_209] : memref<2x128x128xf32, #tpu.memory_space<vmem>> -> memref<1x128x128xf32, #tpu.memory_space<vmem>>
      %dma_start3A_211 = tpu.memref_squeeze %dma_start3A_210 : memref<1x128x128xf32, #tpu.memory_space<vmem>> -> memref<128x128xf32, #tpu.memory_space<vmem>>
      %dma_start3A_212 = arith.constant 0 : i32
      %dma_start3A_213 = tpu.memref_slice %arg5[%dma_start3A_205, %dma_start3A_206, %dma_start3A_212] : memref<2x2x128xi32, #tpu.memory_space<vmem>> -> memref<1x1x128xi32, #tpu.memory_space<vmem>>
      %dma_start3A_214 = tpu.memref_squeeze %dma_start3A_213 : memref<1x1x128xi32, #tpu.memory_space<vmem>> -> memref<128xi32, #tpu.memory_space<vmem>>
      %dma_start3A_215 = arith.constant 0 : i32
      %dma_start3A_216 = arith.constant 0 : i32
      %dma_start3A_217 = tpu.memref_slice %arg3[%dma_start3A_215, %dma_start3A_216] : memref<10000x128xf32, #tpu.memory_space<hbm>> -> memref<10000x128xf32, #tpu.memory_space<hbm>>
      tpu.enqueue_indirect_dma source(%dma_start3A_217 : memref<10000x128xf32, #tpu.memory_space<hbm>>) target(%dma_start3A_211 : memref<128x128xf32, #tpu.memory_space<vmem>>) offsets(%dma_start3A_214 : memref<128xi32, #tpu.memory_space<vmem>>) semaphore(%arg10 : memref<!tpu.dma_semaphore, #tpu.memory_space<semaphore_mem>>)
      %dma_wait3A_218 = arith.constant 1 : i32
      %dma_wait3A_219 = arith.constant 0 : i32
      %dma_wait3A_220 = arith.constant 1 : i32
      %dma_wait3A_221 = arith.constant 0 : i32
      %dma_wait3A_222 = arith.constant 0 : i32
      %dma_wait3A_223 = tpu.memref_slice %arg6[%dma_wait3A_220, %dma_wait3A_221, %dma_wait3A_222] : memref<2x128x128xf32, #tpu.memory_space<vmem>> -> memref<1x128x128xf32, #tpu.memory_space<vmem>>
      %dma_wait3A_224 = tpu.memref_squeeze %dma_wait3A_223 : memref<1x128x128xf32, #tpu.memory_space<vmem>> -> memref<128x128xf32, #tpu.memory_space<vmem>>
      %dma_wait3A_225 = arith.constant 0 : i32
      %dma_wait3A_226 = tpu.memref_slice %arg5[%dma_wait3A_218, %dma_wait3A_219, %dma_wait3A_225] : memref<2x2x128xi32, #tpu.memory_space<vmem>> -> memref<1x1x128xi32, #tpu.memory_space<vmem>>
      %dma_wait3A_227 = tpu.memref_squeeze %dma_wait3A_226 : memref<1x1x128xi32, #tpu.memory_space<vmem>> -> memref<128xi32, #tpu.memory_space<vmem>>
      %dma_wait3A_228 = arith.constant 0 : i32
      %dma_wait3A_229 = arith.constant 0 : i32
      %dma_wait3A_230 = tpu.memref_slice %arg3[%dma_wait3A_228, %dma_wait3A_229] : memref<10000x128xf32, #tpu.memory_space<hbm>> -> memref<10000x128xf32, #tpu.memory_space<hbm>>
      tpu.wait_indirect_dma semaphore(%arg11 : memref<!tpu.dma_semaphore, #tpu.memory_space<semaphore_mem>>) src(%dma_wait3A_230 : memref<10000x128xf32, #tpu.memory_space<hbm>>) dst(%dma_wait3A_224 : memref<128x128xf32, #tpu.memory_space<vmem>>)
      %run_scoped3A_231 = arith.constant 1 : i32
      %run_scoped3A_232 = arith.constant 1 : i32
      %run_scoped3A_233 = arith.constant 1 : i32
      "tpu.region"() ({
        %run_scoped3A_254 = tpu.sem_alloc : memref<!tpu.dma_semaphore, #tpu.memory_space<semaphore_mem>>
        %dma_start3A_255 = arith.constant 0 : i32
        %dma_start3A_256 = arith.constant 0 : i32
        %dma_start3A_257 = tpu.memref_slice %arg6[%run_scoped3A_231, %dma_start3A_255, %dma_start3A_256] : memref<2x128x128xf32, #tpu.memory_space<vmem>> -> memref<1x128x128xf32, #tpu.memory_space<vmem>>
        %dma_start3A_258 = tpu.memref_squeeze %dma_start3A_257 : memref<1x128x128xf32, #tpu.memory_space<vmem>> -> memref<128x128xf32, #tpu.memory_space<vmem>>
        %dma_start3A_259 = arith.constant 0 : i32
        %dma_start3A_260 = tpu.memref_slice %arg5[%run_scoped3A_232, %run_scoped3A_233, %dma_start3A_259] : memref<2x2x128xi32, #tpu.memory_space<vmem>> -> memref<1x1x128xi32, #tpu.memory_space<vmem>>
        %dma_start3A_261 = tpu.memref_squeeze %dma_start3A_260 : memref<1x1x128xi32, #tpu.memory_space<vmem>> -> memref<128xi32, #tpu.memory_space<vmem>>
        %dma_start3A_262 = arith.constant 0 : i32
        %dma_start3A_263 = arith.constant 0 : i32
        %dma_start3A_264 = tpu.memref_slice %arg7[%dma_start3A_262, %dma_start3A_263] : memref<10112x128xf32, #tpu.memory_space<vmem_shared>> -> memref<10112x128xf32, #tpu.memory_space<vmem_shared>>
        tpu.enqueue_indirect_dma source(%dma_start3A_258 : memref<128x128xf32, #tpu.memory_space<vmem>>) target(%dma_start3A_264 : memref<10112x128xf32, #tpu.memory_space<vmem_shared>>) offsets(%dma_start3A_261 : memref<128xi32, #tpu.memory_space<vmem>>) semaphore(%run_scoped3A_254 : memref<!tpu.dma_semaphore, #tpu.memory_space<semaphore_mem>>) {add = true}
        %dma_wait3A_265 = arith.constant 0 : i32
        %dma_wait3A_266 = arith.constant 0 : i32
        %dma_wait3A_267 = tpu.memref_slice %arg6[%run_scoped3A_231, %dma_wait3A_265, %dma_wait3A_266] : memref<2x128x128xf32, #tpu.memory_space<vmem>> -> memref<1x128x128xf32, #tpu.memory_space<vmem>>
        %dma_wait3A_268 = tpu.memref_squeeze %dma_wait3A_267 : memref<1x128x128xf32, #tpu.memory_space<vmem>> -> memref<128x128xf32, #tpu.memory_space<vmem>>
        %dma_wait3A_269 = arith.constant 0 : i32
        %dma_wait3A_270 = tpu.memref_slice %arg5[%run_scoped3A_232, %run_scoped3A_233, %dma_wait3A_269] : memref<2x2x128xi32, #tpu.memory_space<vmem>> -> memref<1x1x128xi32, #tpu.memory_space<vmem>>
        %dma_wait3A_271 = tpu.memref_squeeze %dma_wait3A_270 : memref<1x1x128xi32, #tpu.memory_space<vmem>> -> memref<128xi32, #tpu.memory_space<vmem>>
        %dma_wait3A_272 = arith.constant 0 : i32
        %dma_wait3A_273 = arith.constant 0 : i32
        %dma_wait3A_274 = tpu.memref_slice %arg7[%dma_wait3A_272, %dma_wait3A_273] : memref<10112x128xf32, #tpu.memory_space<vmem_shared>> -> memref<10112x128xf32, #tpu.memory_space<vmem_shared>>
        tpu.wait_indirect_dma semaphore(%run_scoped3A_254 : memref<!tpu.dma_semaphore, #tpu.memory_space<semaphore_mem>>) src(%dma_wait3A_268 : memref<128x128xf32, #tpu.memory_space<vmem>>) dst(%dma_wait3A_274 : memref<10112x128xf32, #tpu.memory_space<vmem_shared>>)
        tpu.yield
      }) : () -> ()
      %add3A_234 = arith.addi %mul3A_2, %add3A_184 : i32
      %add3A_235 = arith.constant 2 : i32
      %add3A_236 = arith.addi %add3A_234, %add3A_235 : i32
      %dma_start3A_237 = arith.constant 1 : i32
      %dma_start3A_238 = arith.constant 0 : i32
      %dma_start3A_239 = arith.constant 0 : i32
      %dma_start3A_240 = tpu.memref_slice %arg5[%dma_start3A_237, %dma_start3A_238, %dma_start3A_239] : memref<2x2x128xi32, #tpu.memory_space<vmem>> -> memref<1x2x128xi32, #tpu.memory_space<vmem>>
      %dma_start3A_241 = tpu.memref_squeeze %dma_start3A_240 : memref<1x2x128xi32, #tpu.memory_space<vmem>> -> memref<2x128xi32, #tpu.memory_space<vmem>>
      %dma_start3A_242 = arith.constant 0 : i32
      %dma_start3A_243 = arith.constant 0 : i32
      %dma_start3A_244 = tpu.memref_slice %arg2[%add3A_236, %dma_start3A_242, %dma_start3A_243] : memref<2562x2x128xi32, #tpu.memory_space<hbm>> -> memref<1x2x128xi32, #tpu.memory_space<hbm>>
      %dma_start3A_245 = tpu.memref_squeeze %dma_start3A_244 : memref<1x2x128xi32, #tpu.memory_space<hbm>> -> memref<2x128xi32, #tpu.memory_space<hbm>>
      %dma_start3A_246 = arith.constant 0 : i32
      %dma_start3A_247 = arith.constant 0 : i32
      %dma_start3A_248 = tpu.memref_slice %arg5[%dma_start3A_237, %dma_start3A_246, %dma_start3A_247] : memref<2x2x128xi32, #tpu.memory_space<vmem>> -> memref<1x2x128xi32, #tpu.memory_space<vmem>>
      %dma_start3A_249 = tpu.memref_squeeze %dma_start3A_248 : memref<1x2x128xi32, #tpu.memory_space<vmem>> -> memref<2x128xi32, #tpu.memory_space<vmem>>
      %dma_start3A_250 = arith.constant 0 : i32
      %dma_start3A_251 = arith.constant 0 : i32
      %dma_start3A_252 = tpu.memref_slice %arg2[%add3A_236, %dma_start3A_250, %dma_start3A_251] : memref<2562x2x128xi32, #tpu.memory_space<hbm>> -> memref<1x2x128xi32, #tpu.memory_space<hbm>>
      %dma_start3A_253 = tpu.memref_squeeze %dma_start3A_252 : memref<1x2x128xi32, #tpu.memory_space<hbm>> -> memref<2x128xi32, #tpu.memory_space<hbm>>
      tpu.enqueue_dma source(%dma_start3A_253 : memref<2x128xi32, #tpu.memory_space<hbm>>) target(%dma_start3A_249 : memref<2x128xi32, #tpu.memory_space<vmem>>) target_semaphore(%arg9 : memref<!tpu.dma_semaphore, #tpu.memory_space<semaphore_mem>>)
    }
    %scan3A_68 = arith.constant 40 : i32
    %dma_wait3A = arith.constant 0 : i32
    %dma_wait3A_69 = arith.constant 0 : i32
    %dma_wait3A_70 = arith.constant 0 : i32
    %dma_wait3A_71 = arith.constant 0 : i32
    %dma_wait3A_72 = arith.constant 0 : i32
    %dma_wait3A_73 = tpu.memref_slice %arg6[%dma_wait3A_70, %dma_wait3A_71, %dma_wait3A_72] : memref<2x128x128xf32, #tpu.memory_space<vmem>> -> memref<1x128x128xf32, #tpu.memory_space<vmem>>
    %dma_wait3A_74 = tpu.memref_squeeze %dma_wait3A_73 : memref<1x128x128xf32, #tpu.memory_space<vmem>> -> memref<128x128xf32, #tpu.memory_space<vmem>>
    %dma_wait3A_75 = arith.constant 0 : i32
    %dma_wait3A_76 = tpu.memref_slice %arg5[%dma_wait3A, %dma_wait3A_69, %dma_wait3A_75] : memref<2x2x128xi32, #tpu.memory_space<vmem>> -> memref<1x1x128xi32, #tpu.memory_space<vmem>>
    %dma_wait3A_77 = tpu.memref_squeeze %dma_wait3A_76 : memref<1x1x128xi32, #tpu.memory_space<vmem>> -> memref<128xi32, #tpu.memory_space<vmem>>
    %dma_wait3A_78 = arith.constant 0 : i32
    %dma_wait3A_79 = arith.constant 0 : i32
    %dma_wait3A_80 = tpu.memref_slice %arg3[%dma_wait3A_78, %dma_wait3A_79] : memref<10000x128xf32, #tpu.memory_space<hbm>> -> memref<10000x128xf32, #tpu.memory_space<hbm>>
    tpu.wait_indirect_dma semaphore(%arg10 : memref<!tpu.dma_semaphore, #tpu.memory_space<semaphore_mem>>) src(%dma_wait3A_80 : memref<10000x128xf32, #tpu.memory_space<hbm>>) dst(%dma_wait3A_74 : memref<128x128xf32, #tpu.memory_space<vmem>>)
    %add3A_81 = arith.constant 80 : i32
    %add3A_82 = arith.addi %mul3A_2, %add3A_81 : i32
    %add3A_83 = arith.constant 1 : i32
    %add3A_84 = arith.addi %add3A_82, %add3A_83 : i32
    %dma_wait3A_85 = arith.constant 1 : i32
    %dma_wait3A_86 = arith.constant 0 : i32
    %dma_wait3A_87 = arith.constant 0 : i32
    %dma_wait3A_88 = tpu.memref_slice %arg5[%dma_wait3A_85, %dma_wait3A_86, %dma_wait3A_87] : memref<2x2x128xi32, #tpu.memory_space<vmem>> -> memref<1x2x128xi32, #tpu.memory_space<vmem>>
    %dma_wait3A_89 = tpu.memref_squeeze %dma_wait3A_88 : memref<1x2x128xi32, #tpu.memory_space<vmem>> -> memref<2x128xi32, #tpu.memory_space<vmem>>
    %dma_wait3A_90 = arith.constant 0 : i32
    %dma_wait3A_91 = arith.constant 0 : i32
    %dma_wait3A_92 = tpu.memref_slice %arg2[%add3A_84, %dma_wait3A_90, %dma_wait3A_91] : memref<2562x2x128xi32, #tpu.memory_space<hbm>> -> memref<1x2x128xi32, #tpu.memory_space<hbm>>
    %dma_wait3A_93 = tpu.memref_squeeze %dma_wait3A_92 : memref<1x2x128xi32, #tpu.memory_space<hbm>> -> memref<2x128xi32, #tpu.memory_space<hbm>>
    %dma_wait3A_94 = arith.constant 0 : i32
    %dma_wait3A_95 = arith.constant 0 : i32
    %dma_wait3A_96 = tpu.memref_slice %arg5[%dma_wait3A_85, %dma_wait3A_94, %dma_wait3A_95] : memref<2x2x128xi32, #tpu.memory_space<vmem>> -> memref<1x2x128xi32, #tpu.memory_space<vmem>>
    %dma_wait3A_97 = tpu.memref_squeeze %dma_wait3A_96 : memref<1x2x128xi32, #tpu.memory_space<vmem>> -> memref<2x128xi32, #tpu.memory_space<vmem>>
    %dma_wait3A_98 = arith.constant 0 : i32
    %dma_wait3A_99 = arith.constant 0 : i32
    %dma_wait3A_100 = tpu.memref_slice %arg2[%add3A_84, %dma_wait3A_98, %dma_wait3A_99] : memref<2562x2x128xi32, #tpu.memory_space<hbm>> -> memref<1x2x128xi32, #tpu.memory_space<hbm>>
    %dma_wait3A_101 = tpu.memref_squeeze %dma_wait3A_100 : memref<1x2x128xi32, #tpu.memory_space<hbm>> -> memref<2x128xi32, #tpu.memory_space<hbm>>
    tpu.wait_dma2 semaphore(%arg9 : memref<!tpu.dma_semaphore, #tpu.memory_space<semaphore_mem>>) src(%dma_wait3A_101 : memref<2x128xi32, #tpu.memory_space<hbm>>) dst(%dma_wait3A_97 : memref<2x128xi32, #tpu.memory_space<vmem>>)
    %barrier3A_102 = arith.constant 0 : index
    tpu.barrier barrier_id(%barrier3A_102)
    %mul3A_103 = arith.constant 632 : i32
    %mul3A_104 = arith.muli %arg1, %mul3A_103 : i32
    %mul3A_105 = arith.constant 632 : i32
    %mul3A_106 = arith.muli %arg1, %mul3A_105 : i32
    "tpu.region"() ({
      %run_scoped3A_107 = tpu.sem_alloc : memref<!tpu.dma_semaphore, #tpu.memory_space<semaphore_mem>>
      %dma_start3A_108 = arith.constant 0 : i32
      %dma_start3A_109 = tpu.memref_slice %arg4[%arg0, %mul3A_106, %dma_start3A_108] : memref<2x10112x128xf32, #tpu.memory_space<hbm>> -> memref<1x632x128xf32, #tpu.memory_space<hbm>>
      %dma_start3A_110 = tpu.memref_squeeze %dma_start3A_109 : memref<1x632x128xf32, #tpu.memory_space<hbm>> -> memref<632x128xf32, #tpu.memory_space<hbm>>
      %dma_start3A_111 = arith.constant 0 : i32
      %dma_start3A_112 = tpu.memref_slice %arg7[%mul3A_104, %dma_start3A_111] : memref<10112x128xf32, #tpu.memory_space<vmem_shared>> -> memref<632x128xf32, #tpu.memory_space<vmem_shared>>
      tpu.enqueue_dma source(%dma_start3A_112 : memref<632x128xf32, #tpu.memory_space<vmem_shared>>) target(%dma_start3A_110 : memref<632x128xf32, #tpu.memory_space<hbm>>) target_semaphore(%run_scoped3A_107 : memref<!tpu.dma_semaphore, #tpu.memory_space<semaphore_mem>>)
      %dma_wait3A_113 = arith.constant 0 : i32
      %dma_wait3A_114 = tpu.memref_slice %arg4[%arg0, %mul3A_106, %dma_wait3A_113] : memref<2x10112x128xf32, #tpu.memory_space<hbm>> -> memref<1x632x128xf32, #tpu.memory_space<hbm>>
      %dma_wait3A_115 = tpu.memref_squeeze %dma_wait3A_114 : memref<1x632x128xf32, #tpu.memory_space<hbm>> -> memref<632x128xf32, #tpu.memory_space<hbm>>
      %dma_wait3A_116 = arith.constant 0 : i32
      %dma_wait3A_117 = tpu.memref_slice %arg7[%mul3A_104, %dma_wait3A_116] : memref<10112x128xf32, #tpu.memory_space<vmem_shared>> -> memref<632x128xf32, #tpu.memory_space<vmem_shared>>
      tpu.wait_dma2 semaphore(%run_scoped3A_107 : memref<!tpu.dma_semaphore, #tpu.memory_space<semaphore_mem>>) src(%dma_wait3A_117 : memref<632x128xf32, #tpu.memory_space<vmem_shared>>) dst(%dma_wait3A_115 : memref<632x128xf32, #tpu.memory_space<hbm>>)
      tpu.yield
    }) : () -> ()
    return
  }
}

module attributes {stable_mosaic.version = 14 : i64} {
  func.func @_tc_proj_body(%arg0: memref<32x10112xf32, #tpu.memory_space<vmem>>, %arg1: memref<10000x128xf32, #tpu.memory_space<vmem>>, %arg2: memref<128x128xf32, #tpu.memory_space<vmem>>, %arg3: memref<1x128xf32, #tpu.memory_space<vmem>>, %arg4: memref<10000x1xf32, #tpu.memory_space<vmem>>, %arg5: memref<10000x128xf32, #tpu.memory_space<vmem>>) attributes {dimension_semantics = [], scalar_prefetch = 0 : i64, scratch_operands = 0 : i64, tpu.core_type = #tpu.core_type<tc>} {
    %get3A = arith.constant 0 : index
    %get3A_0 = arith.constant 0 : index
    %get3A_1 = vector.load %arg0[%get3A, %get3A_0] : memref<32x10112xf32, #tpu.memory_space<vmem>>, vector<32x10112xf32>
    %slice3A = vector.extract_strided_slice %get3A_1 {offsets = [0, 0], sizes = [32, 10000], strides = [1, 1]} : vector<32x10112xf32> to vector<32x10000xf32>
    %reduce_sum3A = arith.constant dense<0.000000e+00> : vector<10000xf32>
    %reduce_sum3A_2 = vector.multi_reduction <add>, %slice3A, %reduce_sum3A [0] : vector<32x10000xf32> to vector<10000xf32>
    %add3A = arith.constant 1.000000e+00 : f32
    %add3A_3 = vector.broadcast %add3A : f32 to vector<10000xf32>
    %add3A_4 = arith.addf %reduce_sum3A_2, %add3A_3 : vector<10000xf32>
    %rsqrt3A = math.rsqrt %add3A_4 : vector<10000xf32>
    %broadcast_in_dim3A = vector.shape_cast %rsqrt3A : vector<10000xf32> to vector<10000x1xf32>
    %swap3A = arith.constant 0 : index
    %swap3A_5 = arith.constant 0 : index
    %swap3A_6 = vector.load %arg4[%swap3A, %swap3A_5] : memref<10000x1xf32, #tpu.memory_space<vmem>>, vector<10000x1xf32>
    tpu.vector_store %arg4[%swap3A, %swap3A_5], %broadcast_in_dim3A {strides = array<i32>} : memref<10000x1xf32, #tpu.memory_space<vmem>>, vector<10000x1xf32>,
    %get3A_7 = arith.constant 0 : index
    %get3A_8 = arith.constant 0 : index
    %get3A_9 = vector.load %arg1[%get3A_7, %get3A_8] : memref<10000x128xf32, #tpu.memory_space<vmem>>, vector<10000x128xf32>
    %get3A_10 = arith.constant 0 : index
    %get3A_11 = arith.constant 0 : index
    %get3A_12 = vector.load %arg2[%get3A_10, %get3A_11] : memref<128x128xf32, #tpu.memory_space<vmem>>, vector<128x128xf32>
    %dot_general3A = arith.constant dense<0.000000e+00> : vector<10000x128xf32>
    %dot_general3A_13 = tpu.matmul %get3A_9, %get3A_12, %dot_general3A {dimension_numbers = #tpu.dot_dimension_numbers<[1], [0], [0], [1], [0, 0, 1, 1], [], []>, transpose_lhs_hint = false} : vector<10000x128xf32>, vector<128x128xf32>, vector<10000x128xf32> -> vector<10000x128xf32>
    %get3A_14 = arith.constant 0 : index
    %get3A_15 = arith.constant 0 : index
    %get3A_16 = vector.load %arg3[%get3A_14, %get3A_15] : memref<1x128xf32, #tpu.memory_space<vmem>>, vector<1x128xf32>
    %add3A_17 = vector.broadcast %get3A_16 : vector<1x128xf32> to vector<10000x128xf32>
    %add3A_18 = arith.addf %dot_general3A_13, %add3A_17 : vector<10000x128xf32>
    %max3A = arith.constant 0.000000e+00 : f32
    %max3A_19 = vector.broadcast %max3A : f32 to vector<10000x128xf32>
    %max3A_20 = arith.maximumf %add3A_18, %max3A_19 : vector<10000x128xf32>
    %broadcast_in_dim3A_21 = vector.shape_cast %rsqrt3A : vector<10000xf32> to vector<10000x1xf32>
    %mul3A = vector.broadcast %broadcast_in_dim3A_21 : vector<10000x1xf32> to vector<10000x128xf32>
    %mul3A_22 = arith.mulf %max3A_20, %mul3A : vector<10000x128xf32>
    %swap3A_23 = arith.constant 0 : index
    %swap3A_24 = arith.constant 0 : index
    %swap3A_25 = vector.load %arg5[%swap3A_23, %swap3A_24] : memref<10000x128xf32, #tpu.memory_space<vmem>>, vector<10000x128xf32>
    tpu.vector_store %arg5[%swap3A_23, %swap3A_24], %mul3A_22 {strides = array<i32>} : memref<10000x128xf32, #tpu.memory_space<vmem>>, vector<10000x128xf32>,
    return
  }
}

module attributes {stable_mosaic.version = 14 : i64} {
  func.func @_tc_round_body(%arg0: memref<2x10112x128xf32, #tpu.memory_space<vmem>>, %arg1: memref<10000x1xf32, #tpu.memory_space<vmem>>, %arg2: memref<128x128xf32, #tpu.memory_space<vmem>>, %arg3: memref<1x128xf32, #tpu.memory_space<vmem>>, %arg4: memref<10000x128xf32, #tpu.memory_space<vmem>>) attributes {dimension_semantics = [], scalar_prefetch = 0 : i64, scratch_operands = 0 : i64, tpu.core_type = #tpu.core_type<tc>} {
    %get3A = arith.constant 0 : index
    %get3A_0 = arith.constant 0 : index
    %get3A_1 = vector.load %arg1[%get3A, %get3A_0] : memref<10000x1xf32, #tpu.memory_space<vmem>>, vector<10000x1xf32>
    %get3A_2 = arith.constant 0 : index
    %get3A_3 = arith.constant 0 : index
    %get3A_4 = arith.constant 0 : index
    %get3A_5 = vector.load %arg0[%get3A_2, %get3A_3, %get3A_4] : memref<2x10112x128xf32, #tpu.memory_space<vmem>>, vector<1x10000x128xf32>
    %get3A_6 = vector.shape_cast %get3A_5 : vector<1x10000x128xf32> to vector<10000x128xf32>
    %get3A_7 = arith.constant 1 : index
    %get3A_8 = arith.constant 0 : index
    %get3A_9 = arith.constant 0 : index
    %get3A_10 = vector.load %arg0[%get3A_7, %get3A_8, %get3A_9] : memref<2x10112x128xf32, #tpu.memory_space<vmem>>, vector<1x10000x128xf32>
    %get3A_11 = vector.shape_cast %get3A_10 : vector<1x10000x128xf32> to vector<10000x128xf32>
    %add3A = arith.addf %get3A_6, %get3A_11 : vector<10000x128xf32>
    %mul3A = vector.broadcast %get3A_1 : vector<10000x1xf32> to vector<10000x128xf32>
    %mul3A_12 = arith.mulf %add3A, %mul3A : vector<10000x128xf32>
    %get3A_13 = arith.constant 0 : index
    %get3A_14 = arith.constant 0 : index
    %get3A_15 = vector.load %arg2[%get3A_13, %get3A_14] : memref<128x128xf32, #tpu.memory_space<vmem>>, vector<128x128xf32>
    %dot_general3A = arith.constant dense<0.000000e+00> : vector<10000x128xf32>
    %dot_general3A_16 = tpu.matmul %mul3A_12, %get3A_15, %dot_general3A {dimension_numbers = #tpu.dot_dimension_numbers<[1], [0], [0], [1], [0, 0, 1, 1], [], []>, transpose_lhs_hint = false} : vector<10000x128xf32>, vector<128x128xf32>, vector<10000x128xf32> -> vector<10000x128xf32>
    %get3A_17 = arith.constant 0 : index
    %get3A_18 = arith.constant 0 : index
    %get3A_19 = vector.load %arg3[%get3A_17, %get3A_18] : memref<1x128xf32, #tpu.memory_space<vmem>>, vector<1x128xf32>
    %add3A_20 = vector.broadcast %get3A_19 : vector<1x128xf32> to vector<10000x128xf32>
    %add3A_21 = arith.addf %dot_general3A_16, %add3A_20 : vector<10000x128xf32>
    %max3A = arith.constant 0.000000e+00 : f32
    %max3A_22 = vector.broadcast %max3A : f32 to vector<10000x128xf32>
    %max3A_23 = arith.maximumf %add3A_21, %max3A_22 : vector<10000x128xf32>
    %mul3A_24 = vector.broadcast %get3A_1 : vector<10000x1xf32> to vector<10000x128xf32>
    %mul3A_25 = arith.mulf %max3A_23, %mul3A_24 : vector<10000x128xf32>
    %swap3A = arith.constant 0 : index
    %swap3A_26 = arith.constant 0 : index
    %swap3A_27 = vector.load %arg4[%swap3A, %swap3A_26] : memref<10000x128xf32, #tpu.memory_space<vmem>>, vector<10000x128xf32>
    tpu.vector_store %arg4[%swap3A, %swap3A_26], %mul3A_25 {strides = array<i32>} : memref<10000x128xf32, #tpu.memory_space<vmem>>, vector<10000x128xf32>,
    return
  }
}

module attributes {stable_mosaic.version = 14 : i64} {
  func.func @_tc_final_body(%arg0: memref<2x10112x128xf32, #tpu.memory_space<vmem>>, %arg1: memref<10000x1xf32, #tpu.memory_space<vmem>>, %arg2: memref<128x128xf32, #tpu.memory_space<vmem>>, %arg3: memref<1x128xf32, #tpu.memory_space<vmem>>, %arg4: memref<64x1xf32, #tpu.memory_space<vmem>>, %arg5: memref<1x64xf32, #tpu.memory_space<vmem>>, %arg6: memref<1x64xf32, #tpu.memory_space<vmem>>, %arg7: memref<64x64xf32, #tpu.memory_space<vmem>>, %arg8: memref<1x64xf32, #tpu.memory_space<vmem>>, %arg9: memref<128x192xf32, #tpu.memory_space<vmem>>, %arg10: memref<64x192xf32, #tpu.memory_space<vmem>>, %arg11: memref<1x192xf32, #tpu.memory_space<vmem>>, %arg12: memref<192x128xf32, #tpu.memory_space<vmem>>, %arg13: memref<1x128xf32, #tpu.memory_space<vmem>>, %arg14: memref<10000x1xf32, #tpu.memory_space<vmem>>, %arg15: memref<10000x1xf32, #tpu.memory_space<vmem>>, %arg16: memref<10000x1xf32, #tpu.memory_space<vmem>>, %arg17: memref<10000x128xf32, #tpu.memory_space<vmem>>) attributes {dimension_semantics = [], scalar_prefetch = 0 : i64, scratch_operands = 0 : i64, tpu.core_type = #tpu.core_type<tc>} {
    %get3A = arith.constant 0 : index
    %get3A_0 = arith.constant 0 : index
    %get3A_1 = vector.load %arg1[%get3A, %get3A_0] : memref<10000x1xf32, #tpu.memory_space<vmem>>, vector<10000x1xf32>
    %get3A_2 = arith.constant 0 : index
    %get3A_3 = arith.constant 0 : index
    %get3A_4 = arith.constant 0 : index
    %get3A_5 = vector.load %arg0[%get3A_2, %get3A_3, %get3A_4] : memref<2x10112x128xf32, #tpu.memory_space<vmem>>, vector<1x10000x128xf32>
    %get3A_6 = vector.shape_cast %get3A_5 : vector<1x10000x128xf32> to vector<10000x128xf32>
    %get3A_7 = arith.constant 1 : index
    %get3A_8 = arith.constant 0 : index
    %get3A_9 = arith.constant 0 : index
    %get3A_10 = vector.load %arg0[%get3A_7, %get3A_8, %get3A_9] : memref<2x10112x128xf32, #tpu.memory_space<vmem>>, vector<1x10000x128xf32>
    %get3A_11 = vector.shape_cast %get3A_10 : vector<1x10000x128xf32> to vector<10000x128xf32>
    %add3A = arith.addf %get3A_6, %get3A_11 : vector<10000x128xf32>
    %mul3A = vector.broadcast %get3A_1 : vector<10000x1xf32> to vector<10000x128xf32>
    %mul3A_12 = arith.mulf %add3A, %mul3A : vector<10000x128xf32>
    %get3A_13 = arith.constant 0 : index
    %get3A_14 = arith.constant 0 : index
    %get3A_15 = vector.load %arg2[%get3A_13, %get3A_14] : memref<128x128xf32, #tpu.memory_space<vmem>>, vector<128x128xf32>
    %dot_general3A = arith.constant dense<0.000000e+00> : vector<10000x128xf32>
    %dot_general3A_16 = tpu.matmul %mul3A_12, %get3A_15, %dot_general3A {dimension_numbers = #tpu.dot_dimension_numbers<[1], [0], [0], [1], [0, 0, 1, 1], [], []>, transpose_lhs_hint = false} : vector<10000x128xf32>, vector<128x128xf32>, vector<10000x128xf32> -> vector<10000x128xf32>
    %get3A_17 = arith.constant 0 : index
    %get3A_18 = arith.constant 0 : index
    %get3A_19 = vector.load %arg3[%get3A_17, %get3A_18] : memref<1x128xf32, #tpu.memory_space<vmem>>, vector<1x128xf32>
    %add3A_20 = vector.broadcast %get3A_19 : vector<1x128xf32> to vector<10000x128xf32>
    %add3A_21 = arith.addf %dot_general3A_16, %add3A_20 : vector<10000x128xf32>
    %max3A = arith.constant 0.000000e+00 : f32
    %max3A_22 = vector.broadcast %max3A : f32 to vector<10000x128xf32>
    %max3A_23 = arith.maximumf %add3A_21, %max3A_22 : vector<10000x128xf32>
    %swap3A = arith.constant 0 : index
    %swap3A_24 = arith.constant 0 : index
    %swap3A_25 = vector.load %arg17[%swap3A, %swap3A_24] : memref<10000x128xf32, #tpu.memory_space<vmem>>, vector<10000x128xf32>
    tpu.vector_store %arg17[%swap3A, %swap3A_24], %max3A_23 {strides = array<i32>} : memref<10000x128xf32, #tpu.memory_space<vmem>>, vector<10000x128xf32>,
    %get3A_26 = arith.constant 0 : index
    %get3A_27 = arith.constant 0 : index
    %get3A_28 = vector.load %arg4[%get3A_26, %get3A_27] : memref<64x1xf32, #tpu.memory_space<vmem>>, vector<64x1xf32>
    %get3A_29 = arith.constant 0 : index
    %get3A_30 = arith.constant 0 : index
    %get3A_31 = vector.load %arg5[%get3A_29, %get3A_30] : memref<1x64xf32, #tpu.memory_space<vmem>>, vector<1x64xf32>
    %mul3A_32 = vector.broadcast %get3A_28 : vector<64x1xf32> to vector<64x64xf32>
    %mul3A_33 = vector.broadcast %get3A_31 : vector<1x64xf32> to vector<64x64xf32>
    %mul3A_34 = arith.mulf %mul3A_32, %mul3A_33 : vector<64x64xf32>
    %get3A_35 = arith.constant 0 : index
    %get3A_36 = arith.constant 0 : index
    %get3A_37 = vector.load %arg6[%get3A_35, %get3A_36] : memref<1x64xf32, #tpu.memory_space<vmem>>, vector<1x64xf32>
    %add3A_38 = vector.broadcast %get3A_37 : vector<1x64xf32> to vector<64x64xf32>
    %add3A_39 = arith.addf %mul3A_34, %add3A_38 : vector<64x64xf32>
    %max3A_40 = arith.constant 0.000000e+00 : f32
    %max3A_41 = vector.broadcast %max3A_40 : f32 to vector<64x64xf32>
    %max3A_42 = arith.maximumf %add3A_39, %max3A_41 : vector<64x64xf32>
    %reduce_sum3A = arith.constant dense<0.000000e+00> : vector<64xf32>
    %reduce_sum3A_43 = vector.multi_reduction <add>, %max3A_42, %reduce_sum3A [0] : vector<64x64xf32> to vector<64xf32>
    %broadcast_in_dim3A = vector.shape_cast %reduce_sum3A_43 : vector<64xf32> to vector<1x64xf32>
    %div3A = arith.constant 6.400000e+01 : f32
    %div3A_44 = vector.broadcast %div3A : f32 to vector<1x64xf32>
    %div3A_45 = arith.divf %broadcast_in_dim3A, %div3A_44 : vector<1x64xf32>
    %get3A_46 = arith.constant 0 : index
    %get3A_47 = arith.constant 0 : index
    %get3A_48 = vector.load %arg7[%get3A_46, %get3A_47] : memref<64x64xf32, #tpu.memory_space<vmem>>, vector<64x64xf32>
    %dot_general3A_49 = arith.constant dense<0.000000e+00> : vector<1x64xf32>
    %dot_general3A_50 = tpu.matmul %div3A_45, %get3A_48, %dot_general3A_49 {dimension_numbers = #tpu.dot_dimension_numbers<[1], [0], [0], [1], [0, 0, 1, 1], [], []>, transpose_lhs_hint = false} : vector<1x64xf32>, vector<64x64xf32>, vector<1x64xf32> -> vector<1x64xf32>
    %get3A_51 = arith.constant 0 : index
    %get3A_52 = arith.constant 0 : index
    %get3A_53 = vector.load %arg8[%get3A_51, %get3A_52] : memref<1x64xf32, #tpu.memory_space<vmem>>, vector<1x64xf32>
    %add3A_54 = arith.addf %dot_general3A_50, %get3A_53 : vector<1x64xf32>
    %tanh3A = math.tanh %add3A_54 : vector<1x64xf32>
    %get3A_55 = arith.constant 0 : index
    %get3A_56 = arith.constant 0 : index
    %get3A_57 = vector.load %arg10[%get3A_55, %get3A_56] : memref<64x192xf32, #tpu.memory_space<vmem>>, vector<64x192xf32>
    %dot_general3A_58 = arith.constant dense<0.000000e+00> : vector<1x192xf32>
    %dot_general3A_59 = tpu.matmul %tanh3A, %get3A_57, %dot_general3A_58 {dimension_numbers = #tpu.dot_dimension_numbers<[1], [0], [0], [1], [0, 0, 1, 1], [], []>, transpose_lhs_hint = false} : vector<1x64xf32>, vector<64x192xf32>, vector<1x192xf32> -> vector<1x192xf32>
    %get3A_60 = arith.constant 0 : index
    %get3A_61 = arith.constant 0 : index
    %get3A_62 = vector.load %arg11[%get3A_60, %get3A_61] : memref<1x192xf32, #tpu.memory_space<vmem>>, vector<1x192xf32>
    %add3A_63 = arith.addf %dot_general3A_59, %get3A_62 : vector<1x192xf32>
    %get3A_64 = arith.constant 0 : index
    %get3A_65 = arith.constant 0 : index
    %get3A_66 = vector.load %arg9[%get3A_64, %get3A_65] : memref<128x192xf32, #tpu.memory_space<vmem>>, vector<128x192xf32>
    %dot_general3A_67 = arith.constant dense<0.000000e+00> : vector<10000x192xf32>
    %dot_general3A_68 = tpu.matmul %max3A_23, %get3A_66, %dot_general3A_67 {dimension_numbers = #tpu.dot_dimension_numbers<[1], [0], [0], [1], [0, 0, 1, 1], [], []>, transpose_lhs_hint = false} : vector<10000x128xf32>, vector<128x192xf32>, vector<10000x192xf32> -> vector<10000x192xf32>
    %add3A_69 = vector.broadcast %add3A_63 : vector<1x192xf32> to vector<10000x192xf32>
    %add3A_70 = arith.addf %dot_general3A_68, %add3A_69 : vector<10000x192xf32>
    %max3A_71 = arith.constant 0.000000e+00 : f32
    %max3A_72 = vector.broadcast %max3A_71 : f32 to vector<10000x192xf32>
    %max3A_73 = arith.maximumf %add3A_70, %max3A_72 : vector<10000x192xf32>
    %get3A_74 = arith.constant 0 : index
    %get3A_75 = arith.constant 0 : index
    %get3A_76 = vector.load %arg12[%get3A_74, %get3A_75] : memref<192x128xf32, #tpu.memory_space<vmem>>, vector<192x128xf32>
    %dot_general3A_77 = arith.constant dense<0.000000e+00> : vector<10000x128xf32>
    %dot_general3A_78 = tpu.matmul %max3A_73, %get3A_76, %dot_general3A_77 {dimension_numbers = #tpu.dot_dimension_numbers<[1], [0], [0], [1], [0, 0, 1, 1], [], []>, transpose_lhs_hint = false} : vector<10000x192xf32>, vector<192x128xf32>, vector<10000x128xf32> -> vector<10000x128xf32>
    %get3A_79 = arith.constant 0 : index
    %get3A_80 = arith.constant 0 : index
    %get3A_81 = vector.load %arg13[%get3A_79, %get3A_80] : memref<1x128xf32, #tpu.memory_space<vmem>>, vector<1x128xf32>
    %add3A_82 = vector.broadcast %get3A_81 : vector<1x128xf32> to vector<10000x128xf32>
    %add3A_83 = arith.addf %dot_general3A_78, %add3A_82 : vector<10000x128xf32>
    %slice3A = vector.extract_strided_slice %add3A_83 {offsets = [0, 0], sizes = [10000, 1], strides = [1, 1]} : vector<10000x128xf32> to vector<10000x1xf32>
    %slice3A_84 = vector.extract_strided_slice %add3A_83 {offsets = [0, 1], sizes = [10000, 1], strides = [1, 1]} : vector<10000x128xf32> to vector<10000x1xf32>
    %swap3A_85 = arith.constant 0 : index
    %swap3A_86 = arith.constant 0 : index
    %swap3A_87 = vector.load %arg14[%swap3A_85, %swap3A_86] : memref<10000x1xf32, #tpu.memory_space<vmem>>, vector<10000x1xf32>
    tpu.vector_store %arg14[%swap3A_85, %swap3A_86], %slice3A {strides = array<i32>} : memref<10000x1xf32, #tpu.memory_space<vmem>>, vector<10000x1xf32>,
    %swap3A_88 = arith.constant 0 : index
    %swap3A_89 = arith.constant 0 : index
    %swap3A_90 = vector.load %arg15[%swap3A_88, %swap3A_89] : memref<10000x1xf32, #tpu.memory_space<vmem>>, vector<10000x1xf32>
    tpu.vector_store %arg15[%swap3A_88, %swap3A_89], %slice3A_84 {strides = array<i32>} : memref<10000x1xf32, #tpu.memory_space<vmem>>, vector<10000x1xf32>,
    %mul3A_91 = arith.constant 2.000000e+00 : f32
    %mul3A_92 = vector.broadcast %mul3A_91 : f32 to vector<10000x1xf32>
    %mul3A_93 = arith.mulf %mul3A_92, %slice3A_84 : vector<10000x1xf32>
    %exp3A = math.exp %mul3A_93 : vector<10000x1xf32>
    %mul3A_94 = arith.constant 5.000000e-01 : f32
    %mul3A_95 = vector.broadcast %mul3A_94 : f32 to vector<10000x1xf32>
    %mul3A_96 = arith.mulf %mul3A_95, %exp3A : vector<10000x1xf32>
    %add3A_97 = arith.addf %slice3A, %mul3A_96 : vector<10000x1xf32>
    %exp3A_98 = math.exp %add3A_97 : vector<10000x1xf32>
    %swap3A_99 = arith.constant 0 : index
    %swap3A_100 = arith.constant 0 : index
    %swap3A_101 = vector.load %arg16[%swap3A_99, %swap3A_100] : memref<10000x1xf32, #tpu.memory_space<vmem>>, vector<10000x1xf32>
    tpu.vector_store %arg16[%swap3A_99, %swap3A_100], %exp3A_98 {strides = array<i32>} : memref<10000x1xf32, #tpu.memory_space<vmem>>, vector<10000x1xf32>,
    return
  }
}

</mosaic_0001>

<sc_bundles>
// kernel: kernel.10.cloned.1.call-start
scs
__scs_entry_jumppad:
0x0: {  	(pc) =	sbr.rel $0x88, $3  }
0x1: {  	(tag) =	ssettag $0x0;
	lr =	simm.s32 $0x1  }
0x2: {  	[smem:$0x3F92] =	sst lr;
	_ =	strace $0xD0000000  }
0x3: {  	_ = 	snop  }
0x4: {  	_ = 	snop  }
0x5: {  	_ = 	snop  }
0x6: {  	_ = 	snop  }
0x7: {  	_ = 	snop  }
__scs_overlays_trampoline_lowered:
0x8: {  	[smem:$0x3FA1] =	sst s0  }
0x9: {  	[smem:$0x3FA2] =	sst s1  }
0xa: {  	[smem:$0x3FA3] =	sst s2  }
0xb: {  	[smem:$0x3FA4] =	sst s3  }
0xc: {  	[smem:$0x3FA5] =	sst s4  }
0xd: {  	[smem:$0x3FA6] =	sst s5  }
0xe: {  	[smem:$0x3FA7] =	sst s6  }
0xf: {  	[smem:$0x3FA8] =	sst s7  }
0x10: {  	[smem:$0x3FA9] =	sst s8  }
0x11: {  	[smem:$0x3FAA] =	sst s9;
	s0 =	simm.s32 @!p0 $0x0  }
0x12: {  	s1 =	sld [smem:$0x3F90];
	s0 =	simm.s32 @p0 $0x1  }
0x13: {  	[smem:$0x3FAB] =	sst s0;
	s0 =	simm.s32 @!p1 $0x0  }
0x14: {  	s2 =	sld [smem:$0x3F8F];
	s0 =	simm.s32 @p1 $0x1  }
0x15: {  	[smem:$0x3FAC] =	sst s0;
	s0 =	simm.s32 @!p2 $0x0  }
0x16: {  	s3 =	sld [smem:$0x3FDB];
	s0 =	simm.s32 @p2 $0x1  }
0x17: {  	s4 =	simm.s32 $0x1BF5;
	[smem:$0x3FAE] =	sst s0  }
0x18: {  	s0 =	sld [smem:$0x3F91];
	_ =	swait.ge [sflag:s4], $0x0  }
0x19: {  	s7 =	sld [smem:$0x3F92]  }
0x1a: {  	s8 =	sadd.s32 $0xFFFFE003, lr  }
0x1b: {  	s9 =	sadd.s32 $0xFFFFFEF7, lr;
	s5 =	simm.s32 $0xFFFFFFFF;
	p2 =	slt.u32 s8, $0xFFFFF086  }
0x1c: {  	p1 =	slt.u32 s9, $0xF7A;
	s5 =	simm.s32 @!p2 $0x0  }
0x1d: {  	s5 =	simm.s32 @p1 $0x1;
	p0 =	seq.s32 s7, s2  }
0x1e: {  	s7 =	smul.u32 @!p0 $0xF7A, s2;
	p2 =	seq.s32 @!p0 s5, $0x0  }
0x1f: {  	s9 =	smul.u32 $0xF7A, s1;
	s8 =	simm.s32 @!p0 $0x1BF5;
	p2 =	por !p2, p0  }
0x20: {  	[sflag:s8] =	ssyncset.s32 @!p0 $0xFFFFF086;
	s6 =	sadd.s32 @!p0 s3, s7;
	s7 =	simm.s32 @!p0 $0x108  }
0x21: {  	s3 =	sadd.s32 s3, s9;
	s6 =	sadd.s32 @!p0 $0x88, s6;
	s7 =	simm.s32 @p2 $0x1082  }
0x22: {  	[simem:s7], [sflag:s8] =	dma.local @!p0 [hbm:s6], $0xF7A  }
0x23: {  	s9 =	sor.u32 $0xD0000000, s2;
	s6 =	simm.s32 $0x108;
	_ =	swait.ge @!p0 [sflag:s8], $0x0  }
0x24: {  	s3 =	sadd.s32 $0x88, s3;
	s6 =	simm.s32 @!p1 $0x1082;
	[sflag:s4] =	ssyncset.s32 $0xFFFFF086  }
0x25: {  	[simem:s6], [sflag:s4] =	dma.local [hbm:s3], $0xF7A  }
0x26: {  	[smem:$0x3F92] =	sst s1;
	(tag) =	ssettag s2;
	_ =	strace s9  }
0x27: {  	s1 =	sld [smem:$0x3FA2]  }
0x28: {  	s2 =	sld [smem:$0x3FA3]  }
0x29: {  	s4 =	sld [smem:$0x3FA5]  }
0x2a: {  	p0 =	seq.s32 s5, $0x0;
	s5 =	sld [smem:$0x3FA6]  }
0x2b: {  	s6 =	sld [smem:$0x3FA7]  }
0x2c: {  	s7 =	sld [smem:$0x3FA8]  }
0x2d: {  	s3 =	simm.s32 $0x108;
	s8 =	sld [smem:$0x3FA9]  }
0x2e: {  	s3 =	simm.s32 @!p0 $0x1082;
	s9 =	sld [smem:$0x3FAA]  }
0x2f: {  	lr =	sadd.s32 s0, s3;
	s0 =	sld [smem:$0x3FA1]  }
0x30: {  	s3 =	sld [smem:$0x3FA4]  }
0x31: {  	[smem:$0x3FAD] =	sst s10  }
0x32: {  	s10 =	sld [smem:$0x3FAB];
	_ =	sdelay $0x3  }
0x33: {  	p0 =	seq.s32 s10, $0x1;
	s10 =	sld [smem:$0x3FAD];
	_ =	sdelay $0x3  }
0x34: {  	[smem:$0x3FAD] =	sst s10  }
0x35: {  	s10 =	sld [smem:$0x3FAC];
	_ =	sdelay $0x3  }
0x36: {  	p1 =	seq.s32 s10, $0x1;
	s10 =	sld [smem:$0x3FAD];
	_ =	sdelay $0x3  }
0x37: {  	[smem:$0x3FAD] =	sst s10  }
0x38: {  	s10 =	sld [smem:$0x3FAE]  }
0x39: {  	_ = 	snop;
	(pc) =	sbr.ind lr, $3  }
0x3a: {  	_ = 	snop  }
0x3b: {  	_ = 	snop  }
0x3c: {  	p2 =	seq.s32 s10, $0x1;
	s10 =	sld [smem:$0x3FAD]  }
0x3d: {  	_ =	shalt  }
0x3e: {  	_ =	shalt  }
0x3f: {  	_ =	shalt  }
0x40: {  	_ =	shalt  }
0x41: {  	_ =	shalt  }
0x42: {  	_ =	shalt  }
0x43: {  	_ =	shalt  }
0x44: {  	_ =	shalt  }
0x45: {  	_ =	shalt  }
0x46: {  	_ =	shalt  }
0x47: {  	_ =	shalt  }
0x48: {  	_ =	shalt  }
0x49: {  	_ =	shalt  }
0x4a: {  	_ =	shalt  }
0x4b: {  	_ =	shalt  }
0x4c: {  	_ =	shalt  }
0x4d: {  	_ =	shalt  }
0x4e: {  	_ =	shalt  }
0x4f: {  	_ =	shalt  }
0x50: {  	_ =	shalt  }
0x51: {  	_ =	shalt  }
0x52: {  	_ =	shalt  }
0x53: {  	_ =	shalt  }
0x54: {  	_ =	shalt  }
0x55: {  	_ =	shalt  }
0x56: {  	_ =	shalt  }
0x57: {  	_ =	shalt  }
0x58: {  	_ =	shalt  }
0x59: {  	_ =	shalt  }
0x5a: {  	_ =	shalt  }
0x5b: {  	_ =	shalt  }
0x5c: {  	_ =	shalt  }
0x5d: {  	_ =	shalt  }
0x5e: {  	_ =	shalt  }
0x5f: {  	_ =	shalt  }
0x60: {  	_ =	shalt  }
0x61: {  	_ =	shalt  }
0x62: {  	_ =	shalt  }
0x63: {  	_ =	shalt  }
0x64: {  	_ =	shalt  }
0x65: {  	_ =	shalt  }
0x66: {  	_ =	shalt  }
0x67: {  	_ =	shalt  }
0x68: {  	_ =	shalt  }
0x69: {  	_ =	shalt  }
0x6a: {  	_ =	shalt  }
0x6b: {  	_ =	shalt  }
0x6c: {  	_ =	shalt  }
0x6d: {  	_ =	shalt  }
0x6e: {  	_ =	shalt  }
0x6f: {  	_ =	shalt  }
0x70: {  	_ =	shalt  }
0x71: {  	_ =	shalt  }
0x72: {  	_ =	shalt  }
0x73: {  	_ =	shalt  }
0x74: {  	_ =	shalt  }
0x75: {  	_ =	shalt  }
0x76: {  	_ =	shalt  }
0x77: {  	_ =	shalt  }
0x78: {  	_ =	shalt  }
0x79: {  	_ =	shalt  }
0x7a: {  	_ =	shalt  }
0x7b: {  	_ =	shalt  }
0x7c: {  	_ =	shalt  }
0x7d: {  	_ =	shalt  }
0x7e: {  	_ =	shalt  }
0x7f: {  	_ =	shalt  }
0x80: {  	_ =	shalt  }
0x81: {  	_ =	shalt  }
0x82: {  	_ =	shalt  }
0x83: {  	_ =	shalt  }
0x84: {  	_ =	shalt  }
0x85: {  	_ =	shalt  }
0x86: {  	_ =	shalt  }
0x87: {  	_ =	shalt  }
.Lfunc_end0:
.L_simem_size_0:
called_computation_lowered:
.L_overlay_start_0:
0x88: {  	s2 =	sld [smem:$0x3FD9]  }
0x89: {  	s3 =	sld [smem:$0x3FFE];
	_ =	sdelay $0x1  }
0x8a: {  	s1 =	srdreg.scid  }
0x8b: {  	s0 =	sand.u32 $0x1, s1  }
0x8c: {  	s14 =	sshll.u32 s0, $0xA;
	s2 =	sadd.s32 s3, s2  }
0x8d: {  	s2 =	sadd.s32 s2, s14  }
0x8e: {  	[smem:$0x3FB9] =	sst s2  }
0x8f: {  	_ = 	snop  }
0x90: {  	s2 =	sld [smem:$0x3FD0];
	_ =	sdelay $0x2  }
0x91: {  	s15 =	simm.s32 $0xA;
	s4 =	simm.s32 $0x10  }
0x92: {  	[smem:s4], [sflag:s15] =	dma.local [hbm:s2], $0x1  }
0x93: {  	_ =	swait.eq [sflag:s15], $0x1  }
0x94: {  	[sflag:s15] =	ssyncset.done $0x0  }
0x95: {  	[sflag:s15] =	ssyncadd.s32 $0xFFFFFFFF  }
0x96: {  	s16 =	sld [smem:$0x13];
	(tm) =	ssettm $0x1  }
0x97: {  	s17 =	sld [smem:$0x3FFB];
	_ =	sdelay $0x3  }
0x98: {  	_ =	strace s17  }
0x99: {  	s3 =	sld [smem:$0x3FFC];
	_ =	sdelay $0x3  }
0x9a: {  	_ =	strace s3  }
0x9b: {  	s3 =	sld [smem:$0x3FFD];
	_ =	sdelay $0x3  }
0x9c: {  	_ =	strace s3  }
0x9d: {  	_ =	strace $0x8FFFFFFF  }
0x9e: {  	s18 =	sld [smem:$0x3FDB];
	_ =	sdelay $0x1  }
0x9f: {  	s19 =	simm.s32 $_scs_section_size  }
0xa0: {  	s5 =	simm.s32 $_size__tile_overlayer_lowered;
	s6 =	simm.s32 $_tile_overlayer_lowered  }
0xa1: {  	s22 =	simm.s32 $0x1BFF;
	s21 =	sshll.u32 s6, $0x1;
	s3 =	sadd.s32 s19, s18  }
0xa2: {  	s7 =	simm.s32 $0x0;
	s20 =	sshll.u32 s5, $0x1;
	s5 =	sadd.s32 s21, s3  }
0xa3: {  	[timem:s7], [sflag:s22] =	dma.local [hbm:s5], s20  }
0xa4: {  	_ =	swait.ge [sflag:s22], s20  }
0xa5: {  	s4 =	ssub.s32 $0x0, s20;
	[sflag:s22] =	ssyncset.done $0x0  }
0xa6: {  	[sflag:s22] =	ssyncadd.s32 s4;
	_ =	sdelay $0x1  }
0xa7: {  	s23 =	simm.s32 $0x1B8B  }
0xa8: {  	_ =	swait.ge [sflag:s23], $0x1  }
0xa9: {  	[sflag:s23] =	ssyncset.done $0x0  }
0xaa: {  	s25 =	simm.s32 $0x1B8E;
	s24 =	sld [smem:$0x3FFE];
	[sflag:s23] =	ssyncadd.s32 $0xFFFFFFFF  }
0xab: {  	s26 =	simm.s32 $execute0_lowered;
	[smem:$0x3FD2] =	sst s25  }
0xac: {  	s5 =	sshll.u32 s26, $0x1;
	_ =	strace $0x80000046;
	[dreg:$0x1] =	wrdreg $0xFFFFFFFF  }
0xad: {  	s28 =	simm.s32 $_size_execute0_lowered;
	s3 =	sadd.s32 s3, s5;
	[dreg:$0x0] =	wrdreg $0x0  }
0xae: {  	s5 =	sshll.u32 s28, $0x1;
	[dreg:$0x2] =	wrdreg s3  }
0xaf: {  	[dreg:$0x3] =	wrdreg s5  }
0xb0: {  	[dreg:$0x4] =	wrdreg $0xC0  }
0xb1: {  	_ =	task [dreg:s7], $0x5FFFF  }
0xb2: {  	[dreg:$0x1] =	wrdreg $0xFFFFFFFF  }
0xb3: {  	[dreg:$0x0] =	wrdreg $0x60  }
0xb4: {  	[dreg:$0x2] =	wrdreg s16  }
0xb5: {  	[dreg:$0x3] =	wrdreg s24  }
0xb6: {  	[dreg:$0x4] =	wrdreg $0x9  }
0xb7: {  	_ =	task.clear_ibuf [dreg:s7], $0x5FFFF;
	_ =	strace $0x90000046  }
0xb8: {  	s29 =	simm.s32 $0x9;
	_ =	strace $0x80000048  }
0xb9: {  	_ =	swait.ge [sflag:s29], $0x1  }
0xba: {  	[sflag:s29] =	ssyncadd.s32 $0xFFFFFFFF  }
0xbb: {  	_ =	strace $0x90000048  }
0xbc: {  	_ =	sfence  }
0xbd: {  	s30 =	sld [smem:$0x0];
	_ =	sdelay $0x2  }
0xbe: {  	s31 =	sshll.u32 s1, $0xD;
	s1 =	sshrl.u32 s1, $0x2  }
0xbf: {  	s3 =	sand.u32 $0x4000, s31;
	s1 =	sadd.s32 s1, s30  }
0xc0: {  	s0 =	sor.u32 s3, s0;
	s1 =	sshll.u32 s1, $0x11  }
0xc1: {  	s0 =	sor.u32 s1, s0  }
0xc2: {  	s0 =	sadd.s32 $0x8F2B, s0  }
0xc3: {  	[sflag:s0] =	ssyncadd.remote.s32 $0x1  }
0xc4: {  	_ =	sfence.sel $0xFFFF  }
0xc5: {  	[dreg:$0x0] =	wrdreg $0xFFFFFFFF;
	(pc) =	sbr.abs _section_cstart, $3  }
0xc6: {  	[dreg:$0x1] =	wrdreg $0xFFFFFFFF  }
0xc7: {  	_ =	task.clear_ibuf [dreg:s7], $0x2FFFF;
	_ =	strace $0x9FFFFFFF  }
0xc8: {  	(tm) =	ssettm $0x7FFFFFFF  }
0xc9: {  	_ =	shalt  }
tec
execute0_lowered:
.L_overlay_start_1:
0x0: {  	(tag) =	ssettag $0x1  }
0x1: {  	s1 =	srdreg.scid  }
0x2: {  	s0 =	stileid.u32;
	s4 =	rddreg [dreg:$0x0]  }
0x3: {  	s6 =	rddreg [dreg:$0x1];
	s3 =	sand.u32 $0x1, s1;
	s29 =	sshll.u32 s0, $0x1  }
0x4: {  	s2 =	simm.s32 $0x0;
	s30 =	sshrl.u32 s0, $0x2;
	s5 =	sor.u32 s3, s29  }
0x5: {  	s9 =	simm.s32 $0x400;
	s7 =	smul.u32 $0x13C00, s30;
	s8 =	sshll.u32 s5, $0x7  }
0x6: {  	s10 =	simm.s32 $0x0;
	s1 =	rddreg [dreg:$0x2];
	s8 =	sand.u32 $0x380, s8  }
0x7: {  	[smem:$0x7FF] =	sst s2;
	s3 =	ssub.s32 $0x2, s3;
	s7 =	sor.u32 s7, s8  }
0x8: {  	_ =	strace $0x80000047;
	s5 =	smul.u32 $0x500, s5;
	s7 =	sshrl.u32 s7, $0x3  }
0x9: {  	s31 =	sshrl.u32 s3, $0x1;
	s8 =	simm.s32 $0x80;
	s6 =	sadd.s32 s7, s6  }
0xa: {  	s7 =	ssub.s32 s3, s31;
	s3 =	sadd.s32 s4, s5;
	s4 =	sadd.s32 $0x2200, s6  }
0xb: {  	v0 =	vimm.f32 $0.0e+00;
	v1 =	vimm.f32 $1.000000000e+00;
	s5 =	smax.u32 s7, $0x1;
	s6 =	simm.s32 $0x2780;
	s7 =	simm.s32 $0x1  }
.LBB2_1:
0xc: {  	s11 =	simm.s32 $0x40;
	s12 =	simm.s32 $0x0  }
.LBB2_2:
0xd: {  	p0 =	sne.s32 s11, $0x9DC0;
	[tilespmem:s12+$0x0] =	vst v0;
	s12 =	smov.u32 s11;
	s11 =	sadd.s32 $0x40, s11  }
.Ltmp0:
0xe: {  	(pc) =	sbr.rel @p0 .LBB2_2-.Ltmp0, $2  }
0xf: {  	_ =	sdelay $0x2  }
0x10: {  	s12 =	sshra.s32 s12, $0x2  }
0x11: {  	[tilespmem:s12+$0x0] =	vst v0  }
0x12: {  	[tilespmem:s6], [sflag:$0x1] =	stream.linear.gather [hbm4b:s3+s2], $0x2800, $0x38;
	[tilespmem:$0x4F80] =	vst v63  }
0x13: {  	_ =	swait.ge [sflag:s7], $0x2800  }
0x14: {  	[sflag:s7] =	ssyncset.done $0x0  }
0x15: {  	s11 =	simm.s32 $0x1C0;
	[sflag:s7] =	ssyncadd.s32 $0xFFFFD800  }
.LBB2_4:
0x16: {  	s12 =	sshra.s32 s11, $0x2  }
0x17: {  	v2 =	vld [tilespmem:s12+$0x2710];
	_ =	sdelay $0x7  }
0x18: {  	[tilespmem:v2+s2+$0x0] =	vst.idx.add.f32.msk $0xffff, v1  }
0x19: {  	v2 =	vld [tilespmem:s12+$0x2720];
	_ =	sdelay $0x7  }
0x1a: {  	[tilespmem:v2+s2+$0x0] =	vst.idx.add.f32.msk $0xffff, v1  }
0x1b: {  	v2 =	vld [tilespmem:s12+$0x2730];
	_ =	sdelay $0x7  }
0x1c: {  	[tilespmem:v2+s2+$0x0] =	vst.idx.add.f32.msk $0xffff, v1  }
0x1d: {  	v2 =	vld [tilespmem:s12+$0x2740];
	_ =	sdelay $0x7  }
0x1e: {  	[tilespmem:v2+s2+$0x0] =	vst.idx.add.f32.msk $0xffff, v1  }
0x1f: {  	v2 =	vld [tilespmem:s12+$0x2750];
	_ =	sdelay $0x7  }
0x20: {  	[tilespmem:v2+s2+$0x0] =	vst.idx.add.f32.msk $0xffff, v1  }
0x21: {  	v2 =	vld [tilespmem:s12+$0x2760];
	_ =	sdelay $0x7  }
0x22: {  	[tilespmem:v2+s2+$0x0] =	vst.idx.add.f32.msk $0xffff, v1  }
0x23: {  	v2 =	vld [tilespmem:s12+$0x2770];
	_ =	sdelay $0x7  }
0x24: {  	[tilespmem:v2+s2+$0x0] =	vst.idx.add.f32.msk $0xffff, v1  }
0x25: {  	v2 =	vld [tilespmem:s12+$0x2780];
	_ =	sdelay $0x2  }
0x26: {  	p0 =	sne.s32 s11, $0x9FC0  }
.Ltmp1:
0x27: {  	_ = 	snop;
	(pc) =	sbr.rel @p0 .LBB2_4-.Ltmp1, $2  }
0x28: {  	_ =	sdelay $0x2  }
0x29: {  	s11 =	sadd.s32 $0x200, s11;
	[tilespmem:v2+s2+$0x0] =	vst.idx.add.f32.msk $0xffff, v1  }
0x2a: {  	s10 =	sadd.s32 $0x1, s10  }
0x2b: {  	p0 =	sne.s32 s10, s5  }
.Ltmp2:
0x2c: {  	_ = 	snop;
	(pc) =	sbr.rel @p0 .LBB2_1-.Ltmp2, $4  }
0x2d: {  	[hbm4b:s4+s8] =	stream.strided.scatter [tilespmem:s2], [sflag:$0x1], $0x2780, s9, s8, $0x38;
	[tilespmem:$0x4F80] =	vst v63  }
0x2e: {  	_ =	swait.ge [sflag:s7], $0x2780  }
0x2f: {  	[sflag:s7] =	ssyncset.done $0x0  }
0x30: {  	[sflag:s7] =	ssyncadd.s32 $0xFFFFD880  }
0x31: {  	_ =	sfence.sel $0x180000  }
0x32: {  	[bflag:$0x0] =	sbarrier.arrive $0xFFFF  }
0x33: {  	p0 =	sne.s32 s0, $0x0;
	_ =	strace $0x90000047  }
0x34: {  	s0 =	sadd.s32 @!p0 $0x100000, s1;
	[bflag:$0x2] =	sbarrier.arrive $0xFFFF  }
0x35: {  	[sflag:s0] =	ssyncadd.tile.s32 @!p0 $0x1;
	_ =	shalt  }
.Lfunc_end2:
_tile_overlayer_lowered:
.L_overlay_start_2:
0x36: {  	(tag) =	ssettag $0x2  }
0x37: {  	s0 =	rddreg [dreg:$0x0];
	s2 =	stileid.u32  }
0x38: {  	s1 =	rddreg [dreg:$0x1];
	p0 =	sne.s32 s2, $0x0  }
0x39: {  	s3 =	rddreg [dreg:$0x2];
	[bflag:$0x3] =	sbarrier.arrive $0xFFFF;
	s2 =	simm.s32 @!p0 $0x1C01  }
0x3a: {  	[timem:s3], [sflag:s2] =	dma.local @!p0 [hbm:s0], s1  }
0x3b: {  	s0 =	simm.s32 @!p0 $0x1  }
0x3c: {  	_ =	swait.ge @!p0 [sflag:s0], s1  }
0x3d: {  	s1 =	ssub.s32 @!p0 $0x0, s1;
	[sflag:s0] =	ssyncset.done @!p0 $0x0  }
0x3e: {  	[sflag:s0] =	ssyncadd.s32 @!p0 s1  }
0x3f: {  	[bflag:$0x3] =	sbarrier.arrive $0xFFFF  }
0x40: {  	_ =	shalt  }

// kernel: kernel.13.cloned.1.call-start
scs
__scs_entry_jumppad:
0x0: {  	(pc) =	sbr.rel $0x88, $3  }
0x1: {  	(tag) =	ssettag $0x0;
	lr =	simm.s32 $0x1  }
0x2: {  	[smem:$0x3F92] =	sst lr;
	_ =	strace $0xD0000000  }
0x3: {  	_ = 	snop  }
0x4: {  	_ = 	snop  }
0x5: {  	_ = 	snop  }
0x6: {  	_ = 	snop  }
0x7: {  	_ = 	snop  }
__scs_overlays_trampoline_lowered:
0x8: {  	[smem:$0x3FA1] =	sst s0  }
0x9: {  	[smem:$0x3FA2] =	sst s1  }
0xa: {  	[smem:$0x3FA3] =	sst s2  }
0xb: {  	[smem:$0x3FA4] =	sst s3  }
0xc: {  	[smem:$0x3FA5] =	sst s4  }
0xd: {  	[smem:$0x3FA6] =	sst s5  }
0xe: {  	[smem:$0x3FA7] =	sst s6  }
0xf: {  	[smem:$0x3FA8] =	sst s7  }
0x10: {  	[smem:$0x3FA9] =	sst s8  }
0x11: {  	[smem:$0x3FAA] =	sst s9;
	s0 =	simm.s32 @!p0 $0x0  }
0x12: {  	s1 =	sld [smem:$0x3F90];
	s0 =	simm.s32 @p0 $0x1  }
0x13: {  	[smem:$0x3FAB] =	sst s0;
	s0 =	simm.s32 @!p1 $0x0  }
0x14: {  	s2 =	sld [smem:$0x3F8F];
	s0 =	simm.s32 @p1 $0x1  }
0x15: {  	[smem:$0x3FAC] =	sst s0;
	s0 =	simm.s32 @!p2 $0x0  }
0x16: {  	s3 =	sld [smem:$0x3FDB];
	s0 =	simm.s32 @p2 $0x1  }
0x17: {  	s4 =	simm.s32 $0x1BF5;
	[smem:$0x3FAE] =	sst s0  }
0x18: {  	s0 =	sld [smem:$0x3F91];
	_ =	swait.ge [sflag:s4], $0x0  }
0x19: {  	s7 =	sld [smem:$0x3F92]  }
0x1a: {  	s8 =	sadd.s32 $0xFFFFE003, lr  }
0x1b: {  	s9 =	sadd.s32 $0xFFFFFEF7, lr;
	s5 =	simm.s32 $0xFFFFFFFF;
	p2 =	slt.u32 s8, $0xFFFFF086  }
0x1c: {  	p1 =	slt.u32 s9, $0xF7A;
	s5 =	simm.s32 @!p2 $0x0  }
0x1d: {  	s5 =	simm.s32 @p1 $0x1;
	p0 =	seq.s32 s7, s2  }
0x1e: {  	s7 =	smul.u32 @!p0 $0xF7A, s2;
	p2 =	seq.s32 @!p0 s5, $0x0  }
0x1f: {  	s9 =	smul.u32 $0xF7A, s1;
	s8 =	simm.s32 @!p0 $0x1BF5;
	p2 =	por !p2, p0  }
0x20: {  	[sflag:s8] =	ssyncset.s32 @!p0 $0xFFFFF086;
	s6 =	sadd.s32 @!p0 s3, s7;
	s7 =	simm.s32 @!p0 $0x108  }
0x21: {  	s3 =	sadd.s32 s3, s9;
	s6 =	sadd.s32 @!p0 $0x88, s6;
	s7 =	simm.s32 @p2 $0x1082  }
0x22: {  	[simem:s7], [sflag:s8] =	dma.local @!p0 [hbm:s6], $0xF7A  }
0x23: {  	s9 =	sor.u32 $0xD0000000, s2;
	s6 =	simm.s32 $0x108;
	_ =	swait.ge @!p0 [sflag:s8], $0x0  }
0x24: {  	s3 =	sadd.s32 $0x88, s3;
	s6 =	simm.s32 @!p1 $0x1082;
	[sflag:s4] =	ssyncset.s32 $0xFFFFF086  }
0x25: {  	[simem:s6], [sflag:s4] =	dma.local [hbm:s3], $0xF7A  }
0x26: {  	[smem:$0x3F92] =	sst s1;
	(tag) =	ssettag s2;
	_ =	strace s9  }
0x27: {  	s1 =	sld [smem:$0x3FA2]  }
0x28: {  	s2 =	sld [smem:$0x3FA3]  }
0x29: {  	s4 =	sld [smem:$0x3FA5]  }
0x2a: {  	p0 =	seq.s32 s5, $0x0;
	s5 =	sld [smem:$0x3FA6]  }
0x2b: {  	s6 =	sld [smem:$0x3FA7]  }
0x2c: {  	s7 =	sld [smem:$0x3FA8]  }
0x2d: {  	s3 =	simm.s32 $0x108;
	s8 =	sld [smem:$0x3FA9]  }
0x2e: {  	s3 =	simm.s32 @!p0 $0x1082;
	s9 =	sld [smem:$0x3FAA]  }
0x2f: {  	lr =	sadd.s32 s0, s3;
	s0 =	sld [smem:$0x3FA1]  }
0x30: {  	s3 =	sld [smem:$0x3FA4]  }
0x31: {  	[smem:$0x3FAD] =	sst s10  }
0x32: {  	s10 =	sld [smem:$0x3FAB];
	_ =	sdelay $0x3  }
0x33: {  	p0 =	seq.s32 s10, $0x1;
	s10 =	sld [smem:$0x3FAD];
	_ =	sdelay $0x3  }
0x34: {  	[smem:$0x3FAD] =	sst s10  }
0x35: {  	s10 =	sld [smem:$0x3FAC];
	_ =	sdelay $0x3  }
0x36: {  	p1 =	seq.s32 s10, $0x1;
	s10 =	sld [smem:$0x3FAD];
	_ =	sdelay $0x3  }
0x37: {  	[smem:$0x3FAD] =	sst s10  }
0x38: {  	s10 =	sld [smem:$0x3FAE]  }
0x39: {  	_ = 	snop;
	(pc) =	sbr.ind lr, $3  }
0x3a: {  	_ = 	snop  }
0x3b: {  	_ = 	snop  }
0x3c: {  	p2 =	seq.s32 s10, $0x1;
	s10 =	sld [smem:$0x3FAD]  }
0x3d: {  	_ =	shalt  }
0x3e: {  	_ =	shalt  }
0x3f: {  	_ =	shalt  }
0x40: {  	_ =	shalt  }
0x41: {  	_ =	shalt  }
0x42: {  	_ =	shalt  }
0x43: {  	_ =	shalt  }
0x44: {  	_ =	shalt  }
0x45: {  	_ =	shalt  }
0x46: {  	_ =	shalt  }
0x47: {  	_ =	shalt  }
0x48: {  	_ =	shalt  }
0x49: {  	_ =	shalt  }
0x4a: {  	_ =	shalt  }
0x4b: {  	_ =	shalt  }
0x4c: {  	_ =	shalt  }
0x4d: {  	_ =	shalt  }
0x4e: {  	_ =	shalt  }
0x4f: {  	_ =	shalt  }
0x50: {  	_ =	shalt  }
0x51: {  	_ =	shalt  }
0x52: {  	_ =	shalt  }
0x53: {  	_ =	shalt  }
0x54: {  	_ =	shalt  }
0x55: {  	_ =	shalt  }
0x56: {  	_ =	shalt  }
0x57: {  	_ =	shalt  }
0x58: {  	_ =	shalt  }
0x59: {  	_ =	shalt  }
0x5a: {  	_ =	shalt  }
0x5b: {  	_ =	shalt  }
0x5c: {  	_ =	shalt  }
0x5d: {  	_ =	shalt  }
0x5e: {  	_ =	shalt  }
0x5f: {  	_ =	shalt  }
0x60: {  	_ =	shalt  }
0x61: {  	_ =	shalt  }
0x62: {  	_ =	shalt  }
0x63: {  	_ =	shalt  }
0x64: {  	_ =	shalt  }
0x65: {  	_ =	shalt  }
0x66: {  	_ =	shalt  }
0x67: {  	_ =	shalt  }
0x68: {  	_ =	shalt  }
0x69: {  	_ =	shalt  }
0x6a: {  	_ =	shalt  }
0x6b: {  	_ =	shalt  }
0x6c: {  	_ =	shalt  }
0x6d: {  	_ =	shalt  }
0x6e: {  	_ =	shalt  }
0x6f: {  	_ =	shalt  }
0x70: {  	_ =	shalt  }
0x71: {  	_ =	shalt  }
0x72: {  	_ =	shalt  }
0x73: {  	_ =	shalt  }
0x74: {  	_ =	shalt  }
0x75: {  	_ =	shalt  }
0x76: {  	_ =	shalt  }
0x77: {  	_ =	shalt  }
0x78: {  	_ =	shalt  }
0x79: {  	_ =	shalt  }
0x7a: {  	_ =	shalt  }
0x7b: {  	_ =	shalt  }
0x7c: {  	_ =	shalt  }
0x7d: {  	_ =	shalt  }
0x7e: {  	_ =	shalt  }
0x7f: {  	_ =	shalt  }
0x80: {  	_ =	shalt  }
0x81: {  	_ =	shalt  }
0x82: {  	_ =	shalt  }
0x83: {  	_ =	shalt  }
0x84: {  	_ =	shalt  }
0x85: {  	_ =	shalt  }
0x86: {  	_ =	shalt  }
0x87: {  	_ =	shalt  }
.Lfunc_end0:
.L_simem_size_0:
called_computation.1_lowered:
.L_overlay_start_0:
0x88: {  	s2 =	sld [smem:$0x3FD9]  }
0x89: {  	s3 =	sld [smem:$0x3FFE];
	_ =	sdelay $0x1  }
0x8a: {  	s1 =	srdreg.scid  }
0x8b: {  	s0 =	sand.u32 $0x1, s1  }
0x8c: {  	s14 =	sshll.u32 s0, $0xA;
	s2 =	sadd.s32 s3, s2  }
0x8d: {  	s2 =	sadd.s32 s2, s14  }
0x8e: {  	[smem:$0x3FB9] =	sst s2  }
0x8f: {  	_ = 	snop  }
0x90: {  	s2 =	sld [smem:$0x3FD0];
	_ =	sdelay $0x2  }
0x91: {  	s15 =	simm.s32 $0xA;
	s4 =	simm.s32 $0x10  }
0x92: {  	[smem:s4], [sflag:s15] =	dma.local [hbm:s2], $0x1  }
0x93: {  	_ =	swait.eq [sflag:s15], $0x1  }
0x94: {  	[sflag:s15] =	ssyncset.done $0x0  }
0x95: {  	[sflag:s15] =	ssyncadd.s32 $0xFFFFFFFF  }
0x96: {  	s16 =	sld [smem:$0x13];
	(tm) =	ssettm $0x1  }
0x97: {  	s17 =	sld [smem:$0x3FFB];
	_ =	sdelay $0x3  }
0x98: {  	_ =	strace s17  }
0x99: {  	s3 =	sld [smem:$0x3FFC];
	_ =	sdelay $0x3  }
0x9a: {  	_ =	strace s3  }
0x9b: {  	s3 =	sld [smem:$0x3FFD];
	_ =	sdelay $0x3  }
0x9c: {  	_ =	strace s3  }
0x9d: {  	_ =	strace $0x8FFFFFFF  }
0x9e: {  	s18 =	sld [smem:$0x3FDB];
	_ =	sdelay $0x1  }
0x9f: {  	s19 =	simm.s32 $_scs_section_size  }
0xa0: {  	s5 =	simm.s32 $_size__tile_overlayer_lowered;
	s6 =	simm.s32 $_tile_overlayer_lowered  }
0xa1: {  	s22 =	simm.s32 $0x1BFF;
	s21 =	sshll.u32 s6, $0x1;
	s3 =	sadd.s32 s19, s18  }
0xa2: {  	s7 =	simm.s32 $0x0;
	s20 =	sshll.u32 s5, $0x1;
	s5 =	sadd.s32 s21, s3  }
0xa3: {  	[timem:s7], [sflag:s22] =	dma.local [hbm:s5], s20  }
0xa4: {  	_ =	swait.ge [sflag:s22], s20  }
0xa5: {  	s4 =	ssub.s32 $0x0, s20;
	[sflag:s22] =	ssyncset.done $0x0  }
0xa6: {  	[sflag:s22] =	ssyncadd.s32 s4;
	_ =	sdelay $0x1  }
0xa7: {  	s23 =	simm.s32 $0x1B8B  }
0xa8: {  	_ =	swait.ge [sflag:s23], $0x1  }
0xa9: {  	[sflag:s23] =	ssyncset.done $0x0  }
0xaa: {  	s25 =	simm.s32 $0x1B8E;
	s24 =	sld [smem:$0x3FFE];
	[sflag:s23] =	ssyncadd.s32 $0xFFFFFFFF  }
0xab: {  	s26 =	simm.s32 $execute0_lowered;
	[smem:$0x3FD2] =	sst s25  }
0xac: {  	s5 =	sshll.u32 s26, $0x1;
	_ =	strace $0x80000049;
	[dreg:$0x1] =	wrdreg $0xFFFFFFFF  }
0xad: {  	s28 =	simm.s32 $_size_execute0_lowered;
	s3 =	sadd.s32 s3, s5;
	[dreg:$0x0] =	wrdreg $0x0  }
0xae: {  	s5 =	sshll.u32 s28, $0x1;
	[dreg:$0x2] =	wrdreg s3  }
0xaf: {  	[dreg:$0x3] =	wrdreg s5  }
0xb0: {  	[dreg:$0x4] =	wrdreg $0xC0  }
0xb1: {  	_ =	task [dreg:s7], $0x5FFFF  }
0xb2: {  	[dreg:$0x1] =	wrdreg $0xFFFFFFFF  }
0xb3: {  	[dreg:$0x0] =	wrdreg $0x60  }
0xb4: {  	[dreg:$0x2] =	wrdreg s24  }
0xb5: {  	[dreg:$0x3] =	wrdreg s16  }
0xb6: {  	[dreg:$0x4] =	wrdreg $0x82000  }
0xb7: {  	[dreg:$0x5] =	wrdreg $0x9  }
0xb8: {  	_ =	task.clear_ibuf [dreg:s7], $0x6FFFF;
	_ =	strace $0x90000049  }
0xb9: {  	s29 =	simm.s32 $0x9;
	_ =	strace $0x8000004B  }
0xba: {  	_ =	swait.ge [sflag:s29], $0x1  }
0xbb: {  	[sflag:s29] =	ssyncadd.s32 $0xFFFFFFFF  }
0xbc: {  	_ =	strace $0x9000004B  }
0xbd: {  	_ =	sfence  }
0xbe: {  	s30 =	sld [smem:$0x0];
	_ =	sdelay $0x2  }
0xbf: {  	s31 =	sshll.u32 s1, $0xD;
	s1 =	sshrl.u32 s1, $0x2  }
0xc0: {  	s3 =	sand.u32 $0x4000, s31;
	s1 =	sadd.s32 s1, s30  }
0xc1: {  	s0 =	sor.u32 s3, s0;
	s1 =	sshll.u32 s1, $0x11  }
0xc2: {  	s0 =	sor.u32 s1, s0  }
0xc3: {  	s0 =	sadd.s32 $0x8F2B, s0  }
0xc4: {  	[sflag:s0] =	ssyncadd.remote.s32 $0x1  }
0xc5: {  	_ =	sfence.sel $0xFFFF  }
0xc6: {  	[dreg:$0x0] =	wrdreg $0xFFFFFFFF;
	(pc) =	sbr.abs _section_cstart, $3  }
0xc7: {  	[dreg:$0x1] =	wrdreg $0xFFFFFFFF  }
0xc8: {  	_ =	task.clear_ibuf [dreg:s7], $0x2FFFF;
	_ =	strace $0x9FFFFFFF  }
0xc9: {  	(tm) =	ssettm $0x7FFFFFFF  }
tec
execute0_lowered:
.L_overlay_start_1:
0x0: {  	(tag) =	ssettag $0x1  }
0x1: {  	s5 =	rddreg [dreg:$0x0]  }
0x2: {  	s2 =	rddreg [dreg:$0x1]  }
0x3: {  	s3 =	rddreg [dreg:$0x2]  }
0x4: {  	s0 =	srdreg.scid;
	s1 =	rddreg [dreg:$0x3];
	s4 =	simm.s32 $0x0  }
0x5: {  	s18 =	simm.s32 $0x100;
	s19 =	simm.s32 $0x2;
	s20 =	simm.s32 $0x4200  }
0x6: {  	s21 =	simm.s32 $0x3;
	s22 =	simm.s32 $0x1;
	s12 =	sand.u32 $0x1, s0  }
0x7: {  	s23 =	simm.s32 $0x4;
	s0 =	stileid.u32;
	s6 =	smul.u32 $0x13C000, s12  }
0x8: {  	s24 =	simm.s32 $0x180;
	s25 =	simm.s32 $0x0;
	s7 =	smul.u32 $0x13C00, s0  }
0x9: {  	[smem:$0x7FF] =	sst s4;
	s14 =	sadd.s32 $0xC000, s5;
	s26 =	smul.u32 $0x4F000, s0  }
0xa: {  	_ =	strace $0x8000004A;
	s28 =	sshll.u32 s0, $0x1;
	s16 =	smul.u32 $0x1400, s0  }
0xb: {  	s29 =	ssub.s32 $0x2, s12;
	s17 =	smul.u32 $0xA00, s12;
	s8 =	sor.u32 s12, s28  }
0xc: {  	s31 =	sshrl.u32 s29, $0x1;
	s6 =	sadd.s32 s7, s6;
	s9 =	smul.u32 $0xA00, s8  }
0xd: {  	s30 =	sshrl.u32 s26, $0x2;
	s15 =	ssub.s32 s29, s31;
	s6 =	sshrl.u32 s6, $0x3  }
0xe: {  	s13 =	sadd.s32 s6, s5;
	s5 =	sadd.s32 s30, s3;
	s9 =	sadd.s32 s14, s9  }
0xf: {  	s14 =	sadd.s32 s16, s14;
	s16 =	simm.s32 $0x5;
	s6 =	sadd.s32 $0x4000, s5  }
0x10: {  	s7 =	sadd.s32 $0x8000, s5;
	s8 =	sadd.s32 $0xC000, s5;
	s10 =	sadd.s32 $0x10000, s5  }
0x11: {  	s11 =	sadd.s32 $0x20, s9;
	s12 =	sadd.s32 $0x20200, s13;
	s13 =	smax.u32 s15, $0x1  }
0x12: {  	v0 =	vimm.f32 $0.0e+00;
	s14 =	sadd.s32 s17, s14;
	s15 =	simm.s32 $0x200;
	s17 =	simm.s32 $0x80  }
.LBB2_1:
0x13: {  	s26 =	simm.s32 $0x0;
	s28 =	simm.s32 $0x200  }
.LBB2_2:
0x14: {  	p0 =	sne.s32 s28, $0xFE00;
	[tilespmem:s26+$0x270] =	vst v0  }
0x15: {  	[tilespmem:s26+$0x200] =	vst v0  }
0x16: {  	[tilespmem:s26+$0x210] =	vst v0  }
.Ltmp0:
0x17: {  	[tilespmem:s26+$0x220] =	vst v0;
	(pc) =	sbr.rel @p0 .LBB2_2-.Ltmp0, $4  }
0x18: {  	[tilespmem:s26+$0x230] =	vst v0  }
0x19: {  	[tilespmem:s26+$0x240] =	vst v0  }
0x1a: {  	[tilespmem:s26+$0x250] =	vst v0  }
0x1b: {  	[tilespmem:s26+$0x260] =	vst v0;
	s26 =	sshra.s32 s28, $0x2;
	s28 =	sadd.s32 $0x200, s28  }
0x1c: {  	[tilespmem:s26+$0x270] =	vst v0  }
0x1d: {  	[tilespmem:s26+$0x200] =	vst v0  }
0x1e: {  	[tilespmem:s26+$0x210] =	vst v0  }
0x1f: {  	[tilespmem:s26+$0x220] =	vst v0  }
0x20: {  	[tilespmem:s26+$0x230] =	vst v0  }
0x21: {  	[tilespmem:s26+$0x240] =	vst v0  }
0x22: {  	[tilespmem:s26+$0x250] =	vst v0  }
0x23: {  	[tilespmem:s26+$0x260] =	vst v0  }
0x24: {  	[spmem:s5] =	stream.linear.scatter [tilespmem:s15], [sflag:$0x5], $0x4000, $0x38;
	[tilespmem:$0x1BE00] =	vst v63  }
0x25: {  	_ =	swait.ge [sflag:s16], $0x4000  }
0x26: {  	[sflag:s16] =	ssyncset.done $0x0  }
0x27: {  	[sflag:s16] =	ssyncadd.s32 $0xFFFFC000  }
0x28: {  	[spmem:s6] =	stream.linear.scatter [tilespmem:s15], [sflag:$0x5], $0x4000, $0x38;
	[tilespmem:$0x1BE00] =	vst v63  }
0x29: {  	_ =	swait.ge [sflag:s16], $0x4000  }
0x2a: {  	[sflag:s16] =	ssyncset.done $0x0  }
0x2b: {  	[sflag:s16] =	ssyncadd.s32 $0xFFFFC000  }
0x2c: {  	[spmem:s7] =	stream.linear.scatter [tilespmem:s15], [sflag:$0x5], $0x4000, $0x38;
	[tilespmem:$0x1BE00] =	vst v63  }
0x2d: {  	_ =	swait.ge [sflag:s16], $0x4000  }
0x2e: {  	[sflag:s16] =	ssyncset.done $0x0  }
0x2f: {  	[sflag:s16] =	ssyncadd.s32 $0xFFFFC000  }
0x30: {  	[spmem:s8] =	stream.linear.scatter [tilespmem:s15], [sflag:$0x5], $0x4000, $0x38;
	[tilespmem:$0x1BE00] =	vst v63  }
0x31: {  	_ =	swait.ge [sflag:s16], $0x4000  }
0x32: {  	[sflag:s16] =	ssyncset.done $0x0  }
0x33: {  	[sflag:s16] =	ssyncadd.s32 $0xFFFFC000  }
0x34: {  	[spmem:s10] =	stream.linear.scatter [tilespmem:s15], [sflag:$0x5], $0x3C00, $0x38;
	[tilespmem:$0x1BE00] =	vst v63  }
0x35: {  	_ =	swait.ge [sflag:s16], $0x3C00  }
0x36: {  	[sflag:s16] =	ssyncset.done $0x0  }
0x37: {  	[sflag:s16] =	ssyncadd.s32 $0xFFFFC400  }
0x38: {  	[tilespmem:s4], [sflag:$0x5] =	stream.linear.gather [hbm4b:s9+s4], $0x100, $0x38;
	[tilespmem:$0x1BE00] =	vst v63  }
0x39: {  	_ =	swait.ge [sflag:s16], $0x100  }
0x3a: {  	[sflag:s16] =	ssyncset.done $0x0  }
0x3b: {  	[sflag:s16] =	ssyncadd.s32 $0xFFFFFF00  }
0x3c: {  	[tilespmem:s15], [sflag:$0x3] =	stream.indirect.gather [hbm4b:s2+s17], $0x80, s4, s17, $0xb8;
	[tilespmem:$0x1BE00] =	vst v63  }
0x3d: {  	_ = 	snop  }
0x3e: {  	[tilespmem:s18], [sflag:$0x2] =	stream.linear.gather [hbm4b:s11+s4], $0x100, $0x38;
	[tilespmem:$0x1BE00] =	vst v63  }
0x3f: {  	[bflag:$0x0] =	sbarrier.arrive $0xFFFF  }
0x40: {  	_ =	swait.ge [sflag:s19], $0x100  }
0x41: {  	[sflag:s19] =	ssyncset.done $0x0  }
0x42: {  	[sflag:s19] =	ssyncadd.s32 $0xFFFFFF00  }
0x43: {  	[tilespmem:s20], [sflag:$0x4] =	stream.indirect.gather [hbm4b:s2+s17], $0x80, s18, s17, $0xb8;
	[tilespmem:$0x1BE00] =	vst v63  }
0x44: {  	_ =	swait.ge [sflag:s21], $0x4000  }
0x45: {  	[sflag:s21] =	ssyncset.done $0x0  }
0x46: {  	[sflag:s21] =	ssyncadd.s32 $0xFFFFC000  }
0x47: {  	[spmem:s3] =	stream.indirect.scatter.add.f32 [tilespmem:s15], [sflag:$0x5], $0x80, s17, s17, $0xb8;
	[tilespmem:$0x1BE00] =	vst v63  }
0x48: {  	_ =	swait.ge [sflag:s16], $0x4000  }
0x49: {  	s28 =	sadd.s32 $0xFFFFF600, s14;
	[sflag:s16] =	ssyncset.done $0x0  }
0x4a: {  	s31 =	sadd.s32 $0xA40, s28;
	[sflag:s16] =	ssyncadd.s32 $0xFFFFC000  }
0x4b: {  	[tilespmem:s4], [sflag:$0x1] =	stream.linear.gather [hbm4b:s31+s4], $0x100, $0x38;
	[tilespmem:$0x1BE00] =	vst v63  }
0x4c: {  	_ =	swait.ge [sflag:s22], $0x100  }
0x4d: {  	[sflag:s22] =	ssyncset.done $0x0  }
0x4e: {  	[sflag:s22] =	ssyncadd.s32 $0xFFFFFF00  }
0x4f: {  	[tilespmem:s15], [sflag:$0x3] =	stream.indirect.gather [hbm4b:s2+s17], $0x80, s4, s17, $0xb8;
	[tilespmem:$0x1BE00] =	vst v63  }
0x50: {  	_ =	swait.ge [sflag:s23], $0x4000  }
0x51: {  	[sflag:s23] =	ssyncset.done $0x0  }
0x52: {  	[sflag:s23] =	ssyncadd.s32 $0xFFFFC000  }
0x53: {  	[spmem:s3] =	stream.indirect.scatter.add.f32 [tilespmem:s20], [sflag:$0x5], $0x80, s24, s17, $0xb8;
	[tilespmem:$0x1BE00] =	vst v63  }
0x54: {  	_ =	swait.ge [sflag:s16], $0x4000  }
0x55: {  	[sflag:s16] =	ssyncset.done $0x0  }
0x56: {  	s26 =	simm.s32 $0xFFFFF640;
	s28 =	sadd.s32 $0xA60, s28;
	[sflag:s16] =	ssyncadd.s32 $0xFFFFC000  }
.LBB2_4:
0x57: {  	[tilespmem:s18], [sflag:$0x2] =	stream.linear.gather [hbm4b:s28+s4], $0x100, $0x38;
	[tilespmem:$0x1BE00] =	vst v63  }
0x58: {  	s28 =	smov.u32 s26  }
0x59: {  	p0 =	sne.s32 s26, $0xFFFFFFC0;
	s26 =	sadd.s32 $0x40, s26;
	_ =	swait.ge [sflag:s19], $0x100  }
0x5a: {  	[sflag:s19] =	ssyncset.done $0x0  }
0x5b: {  	[sflag:s19] =	ssyncadd.s32 $0xFFFFFF00  }
0x5c: {  	[tilespmem:s20], [sflag:$0x4] =	stream.indirect.gather [hbm4b:s2+s17], $0x80, s18, s17, $0xb8;
	[tilespmem:$0x1BE00] =	vst v63  }
0x5d: {  	_ =	swait.ge [sflag:s21], $0x4000  }
0x5e: {  	[sflag:s21] =	ssyncset.done $0x0  }
0x5f: {  	[sflag:s21] =	ssyncadd.s32 $0xFFFFC000  }
0x60: {  	[spmem:s3] =	stream.indirect.scatter.add.f32 [tilespmem:s15], [sflag:$0x5], $0x80, s17, s17, $0xb8;
	[tilespmem:$0x1BE00] =	vst v63  }
0x61: {  	_ =	swait.ge [sflag:s16], $0x4000  }
0x62: {  	s28 =	sadd.s32 s28, s14;
	[sflag:s16] =	ssyncset.done $0x0  }
0x63: {  	s29 =	sadd.s32 $0xA40, s28;
	[sflag:s16] =	ssyncadd.s32 $0xFFFFC000  }
0x64: {  	[tilespmem:s4], [sflag:$0x1] =	stream.linear.gather [hbm4b:s29+s4], $0x100, $0x38;
	[tilespmem:$0x1BE00] =	vst v63  }
0x65: {  	_ =	swait.ge [sflag:s22], $0x100  }
0x66: {  	[sflag:s22] =	ssyncset.done $0x0  }
0x67: {  	[sflag:s22] =	ssyncadd.s32 $0xFFFFFF00  }
0x68: {  	[tilespmem:s15], [sflag:$0x3] =	stream.indirect.gather [hbm4b:s2+s17], $0x80, s4, s17, $0xb8;
	[tilespmem:$0x1BE00] =	vst v63  }
0x69: {  	_ =	swait.ge [sflag:s23], $0x4000  }
0x6a: {  	[sflag:s23] =	ssyncset.done $0x0  }
.Ltmp1:
0x6b: {  	[sflag:s23] =	ssyncadd.s32 $0xFFFFC000;
	(pc) =	sbr.rel @p0 .LBB2_4-.Ltmp1, $4  }
0x6c: {  	[spmem:s3] =	stream.indirect.scatter.add.f32 [tilespmem:s20], [sflag:$0x5], $0x80, s24, s17, $0xb8;
	[tilespmem:$0x1BE00] =	vst v63  }
0x6d: {  	_ =	swait.ge [sflag:s16], $0x4000  }
0x6e: {  	[sflag:s16] =	ssyncset.done $0x0  }
0x6f: {  	s28 =	sadd.s32 $0xA60, s28;
	[sflag:s16] =	ssyncadd.s32 $0xFFFFC000  }
0x70: {  	[tilespmem:s18], [sflag:$0x2] =	stream.linear.gather [hbm4b:s28+s4], $0x100, $0x38;
	[tilespmem:$0x1BE00] =	vst v63  }
0x71: {  	_ =	swait.ge [sflag:s21], $0x4000  }
0x72: {  	[sflag:s21] =	ssyncset.done $0x0  }
0x73: {  	[sflag:s21] =	ssyncadd.s32 $0xFFFFC000  }
0x74: {  	_ =	swait.ge [sflag:s19], $0x100  }
0x75: {  	s26 =	sshll.u32 s0, $0x6;
	s25 =	sadd.s32 $0x1, s25;
	[sflag:s19] =	ssyncset.done $0x0  }
0x76: {  	s31 =	sshrl.u32 s5, $0x3;
	p0 =	sne.s32 s25, s13;
	[sflag:s19] =	ssyncadd.s32 $0xFFFFFF00  }
.Ltmp2:
0x77: {  	s26 =	sor.u32 $0x1C05, s26;
	[bflag:$0x0] =	sbarrier.arrive $0xFFFF;
	(pc) =	sbr.rel @p0 .LBB2_1-.Ltmp2, $4  }
0x78: {  	[hbm:s12], [sflag:s26] =	dma.local [spmem:s31], $0x2780  }
0x79: {  	_ =	swait.ge [sflag:s16], $0x2780  }
0x7a: {  	[sflag:s16] =	ssyncset.done $0x0  }
0x7b: {  	[sflag:s16] =	ssyncadd.s32 $0xFFFFD880  }
0x7c: {  	_ =	sfence.sel $0x180000  }
0x7d: {  	[bflag:$0x0] =	sbarrier.arrive $0xFFFF  }
0x7e: {  	p0 =	sne.s32 s0, $0x0;
	_ =	strace $0x9000004A  }
0x7f: {  	s0 =	sadd.s32 @!p0 $0x100000, s1;
	[bflag:$0x2] =	sbarrier.arrive $0xFFFF  }
0x80: {  	[sflag:s0] =	ssyncadd.tile.s32 @!p0 $0x1;
	_ =	shalt  }
.Lfunc_end2:
_tile_overlayer_lowered:
.L_overlay_start_2:
0x81: {  	(tag) =	ssettag $0x2  }
0x82: {  	s0 =	rddreg [dreg:$0x0];
	s2 =	stileid.u32  }
0x83: {  	s1 =	rddreg [dreg:$0x1];
	p0 =	sne.s32 s2, $0x0  }
0x84: {  	s3 =	rddreg [dreg:$0x2];
	[bflag:$0x3] =	sbarrier.arrive $0xFFFF;
	s2 =	simm.s32 @!p0 $0x1C05  }
0x85: {  	[timem:s3], [sflag:s2] =	dma.local @!p0 [hbm:s0], s1  }
0x86: {  	s0 =	simm.s32 @!p0 $0x5  }
0x87: {  	_ =	swait.ge @!p0 [sflag:s0], s1  }
0x88: {  	s1 =	ssub.s32 @!p0 $0x0, s1;
	[sflag:s0] =	ssyncset.done @!p0 $0x0  }
0x89: {  	[sflag:s0] =	ssyncadd.s32 @!p0 s1  }
0x8a: {  	[bflag:$0x3] =	sbarrier.arrive $0xFFFF  }
0x8b: {  	_ =	shalt  }

// kernel: kernel.16.cloned.1.call-start
scs
__scs_entry_jumppad:
0x0: {  	(pc) =	sbr.rel $0x88, $3  }
0x1: {  	(tag) =	ssettag $0x0;
	lr =	simm.s32 $0x1  }
0x2: {  	[smem:$0x3F92] =	sst lr;
	_ =	strace $0xD0000000  }
0x3: {  	_ = 	snop  }
0x4: {  	_ = 	snop  }
0x5: {  	_ = 	snop  }
0x6: {  	_ = 	snop  }
0x7: {  	_ = 	snop  }
__scs_overlays_trampoline_lowered:
0x8: {  	[smem:$0x3FA1] =	sst s0  }
0x9: {  	[smem:$0x3FA2] =	sst s1  }
0xa: {  	[smem:$0x3FA3] =	sst s2  }
0xb: {  	[smem:$0x3FA4] =	sst s3  }
0xc: {  	[smem:$0x3FA5] =	sst s4  }
0xd: {  	[smem:$0x3FA6] =	sst s5  }
0xe: {  	[smem:$0x3FA7] =	sst s6  }
0xf: {  	[smem:$0x3FA8] =	sst s7  }
0x10: {  	[smem:$0x3FA9] =	sst s8  }
0x11: {  	[smem:$0x3FAA] =	sst s9;
	s0 =	simm.s32 @!p0 $0x0  }
0x12: {  	s1 =	sld [smem:$0x3F90];
	s0 =	simm.s32 @p0 $0x1  }
0x13: {  	[smem:$0x3FAB] =	sst s0;
	s0 =	simm.s32 @!p1 $0x0  }
0x14: {  	s2 =	sld [smem:$0x3F8F];
	s0 =	simm.s32 @p1 $0x1  }
0x15: {  	[smem:$0x3FAC] =	sst s0;
	s0 =	simm.s32 @!p2 $0x0  }
0x16: {  	s3 =	sld [smem:$0x3FDB];
	s0 =	simm.s32 @p2 $0x1  }
0x17: {  	s4 =	simm.s32 $0x1BF5;
	[smem:$0x3FAE] =	sst s0  }
0x18: {  	s0 =	sld [smem:$0x3F91];
	_ =	swait.ge [sflag:s4], $0x0  }
0x19: {  	s7 =	sld [smem:$0x3F92]  }
0x1a: {  	s8 =	sadd.s32 $0xFFFFE003, lr  }
0x1b: {  	s9 =	sadd.s32 $0xFFFFFEF7, lr;
	s5 =	simm.s32 $0xFFFFFFFF;
	p2 =	slt.u32 s8, $0xFFFFF086  }
0x1c: {  	p1 =	slt.u32 s9, $0xF7A;
	s5 =	simm.s32 @!p2 $0x0  }
0x1d: {  	s5 =	simm.s32 @p1 $0x1;
	p0 =	seq.s32 s7, s2  }
0x1e: {  	s7 =	smul.u32 @!p0 $0xF7A, s2;
	p2 =	seq.s32 @!p0 s5, $0x0  }
0x1f: {  	s9 =	smul.u32 $0xF7A, s1;
	s8 =	simm.s32 @!p0 $0x1BF5;
	p2 =	por !p2, p0  }
0x20: {  	[sflag:s8] =	ssyncset.s32 @!p0 $0xFFFFF086;
	s6 =	sadd.s32 @!p0 s3, s7;
	s7 =	simm.s32 @!p0 $0x108  }
0x21: {  	s3 =	sadd.s32 s3, s9;
	s6 =	sadd.s32 @!p0 $0x88, s6;
	s7 =	simm.s32 @p2 $0x1082  }
0x22: {  	[simem:s7], [sflag:s8] =	dma.local @!p0 [hbm:s6], $0xF7A  }
0x23: {  	s9 =	sor.u32 $0xD0000000, s2;
	s6 =	simm.s32 $0x108;
	_ =	swait.ge @!p0 [sflag:s8], $0x0  }
0x24: {  	s3 =	sadd.s32 $0x88, s3;
	s6 =	simm.s32 @!p1 $0x1082;
	[sflag:s4] =	ssyncset.s32 $0xFFFFF086  }
0x25: {  	[simem:s6], [sflag:s4] =	dma.local [hbm:s3], $0xF7A  }
0x26: {  	[smem:$0x3F92] =	sst s1;
	(tag) =	ssettag s2;
	_ =	strace s9  }
0x27: {  	s1 =	sld [smem:$0x3FA2]  }
0x28: {  	s2 =	sld [smem:$0x3FA3]  }
0x29: {  	s4 =	sld [smem:$0x3FA5]  }
0x2a: {  	p0 =	seq.s32 s5, $0x0;
	s5 =	sld [smem:$0x3FA6]  }
0x2b: {  	s6 =	sld [smem:$0x3FA7]  }
0x2c: {  	s7 =	sld [smem:$0x3FA8]  }
0x2d: {  	s3 =	simm.s32 $0x108;
	s8 =	sld [smem:$0x3FA9]  }
0x2e: {  	s3 =	simm.s32 @!p0 $0x1082;
	s9 =	sld [smem:$0x3FAA]  }
0x2f: {  	lr =	sadd.s32 s0, s3;
	s0 =	sld [smem:$0x3FA1]  }
0x30: {  	s3 =	sld [smem:$0x3FA4]  }
0x31: {  	[smem:$0x3FAD] =	sst s10  }
0x32: {  	s10 =	sld [smem:$0x3FAB];
	_ =	sdelay $0x3  }
0x33: {  	p0 =	seq.s32 s10, $0x1;
	s10 =	sld [smem:$0x3FAD];
	_ =	sdelay $0x3  }
0x34: {  	[smem:$0x3FAD] =	sst s10  }
0x35: {  	s10 =	sld [smem:$0x3FAC];
	_ =	sdelay $0x3  }
0x36: {  	p1 =	seq.s32 s10, $0x1;
	s10 =	sld [smem:$0x3FAD];
	_ =	sdelay $0x3  }
0x37: {  	[smem:$0x3FAD] =	sst s10  }
0x38: {  	s10 =	sld [smem:$0x3FAE]  }
0x39: {  	_ = 	snop;
	(pc) =	sbr.ind lr, $3  }
0x3a: {  	_ = 	snop  }
0x3b: {  	_ = 	snop  }
0x3c: {  	p2 =	seq.s32 s10, $0x1;
	s10 =	sld [smem:$0x3FAD]  }
0x3d: {  	_ =	shalt  }
0x3e: {  	_ =	shalt  }
0x3f: {  	_ =	shalt  }
0x40: {  	_ =	shalt  }
0x41: {  	_ =	shalt  }
0x42: {  	_ =	shalt  }
0x43: {  	_ =	shalt  }
0x44: {  	_ =	shalt  }
0x45: {  	_ =	shalt  }
0x46: {  	_ =	shalt  }
0x47: {  	_ =	shalt  }
0x48: {  	_ =	shalt  }
0x49: {  	_ =	shalt  }
0x4a: {  	_ =	shalt  }
0x4b: {  	_ =	shalt  }
0x4c: {  	_ =	shalt  }
0x4d: {  	_ =	shalt  }
0x4e: {  	_ =	shalt  }
0x4f: {  	_ =	shalt  }
0x50: {  	_ =	shalt  }
0x51: {  	_ =	shalt  }
0x52: {  	_ =	shalt  }
0x53: {  	_ =	shalt  }
0x54: {  	_ =	shalt  }
0x55: {  	_ =	shalt  }
0x56: {  	_ =	shalt  }
0x57: {  	_ =	shalt  }
0x58: {  	_ =	shalt  }
0x59: {  	_ =	shalt  }
0x5a: {  	_ =	shalt  }
0x5b: {  	_ =	shalt  }
0x5c: {  	_ =	shalt  }
0x5d: {  	_ =	shalt  }
0x5e: {  	_ =	shalt  }
0x5f: {  	_ =	shalt  }
0x60: {  	_ =	shalt  }
0x61: {  	_ =	shalt  }
0x62: {  	_ =	shalt  }
0x63: {  	_ =	shalt  }
0x64: {  	_ =	shalt  }
0x65: {  	_ =	shalt  }
0x66: {  	_ =	shalt  }
0x67: {  	_ =	shalt  }
0x68: {  	_ =	shalt  }
0x69: {  	_ =	shalt  }
0x6a: {  	_ =	shalt  }
0x6b: {  	_ =	shalt  }
0x6c: {  	_ =	shalt  }
0x6d: {  	_ =	shalt  }
0x6e: {  	_ =	shalt  }
0x6f: {  	_ =	shalt  }
0x70: {  	_ =	shalt  }
0x71: {  	_ =	shalt  }
0x72: {  	_ =	shalt  }
0x73: {  	_ =	shalt  }
0x74: {  	_ =	shalt  }
0x75: {  	_ =	shalt  }
0x76: {  	_ =	shalt  }
0x77: {  	_ =	shalt  }
0x78: {  	_ =	shalt  }
0x79: {  	_ =	shalt  }
0x7a: {  	_ =	shalt  }
0x7b: {  	_ =	shalt  }
0x7c: {  	_ =	shalt  }
0x7d: {  	_ =	shalt  }
0x7e: {  	_ =	shalt  }
0x7f: {  	_ =	shalt  }
0x80: {  	_ =	shalt  }
0x81: {  	_ =	shalt  }
0x82: {  	_ =	shalt  }
0x83: {  	_ =	shalt  }
0x84: {  	_ =	shalt  }
0x85: {  	_ =	shalt  }
0x86: {  	_ =	shalt  }
0x87: {  	_ =	shalt  }
.Lfunc_end0:
.L_simem_size_0:
called_computation.2_lowered:
.L_overlay_start_0:
0x88: {  	s2 =	sld [smem:$0x3FD9]  }
0x89: {  	s3 =	sld [smem:$0x3FFE];
	_ =	sdelay $0x1  }
0x8a: {  	s1 =	srdreg.scid  }
0x8b: {  	s0 =	sand.u32 $0x1, s1  }
0x8c: {  	s14 =	sshll.u32 s0, $0xA;
	s2 =	sadd.s32 s3, s2  }
0x8d: {  	s2 =	sadd.s32 s2, s14  }
0x8e: {  	[smem:$0x3FB9] =	sst s2  }
0x8f: {  	_ = 	snop  }
0x90: {  	s2 =	sld [smem:$0x3FD0];
	_ =	sdelay $0x2  }
0x91: {  	s15 =	simm.s32 $0xA;
	s4 =	simm.s32 $0x10  }
0x92: {  	[smem:s4], [sflag:s15] =	dma.local [hbm:s2], $0x1  }
0x93: {  	_ =	swait.eq [sflag:s15], $0x1  }
0x94: {  	[sflag:s15] =	ssyncset.done $0x0  }
0x95: {  	[sflag:s15] =	ssyncadd.s32 $0xFFFFFFFF  }
0x96: {  	s16 =	sld [smem:$0x13];
	(tm) =	ssettm $0x1  }
0x97: {  	s17 =	sld [smem:$0x3FFB];
	_ =	sdelay $0x3  }
0x98: {  	_ =	strace s17  }
0x99: {  	s3 =	sld [smem:$0x3FFC];
	_ =	sdelay $0x3  }
0x9a: {  	_ =	strace s3  }
0x9b: {  	s3 =	sld [smem:$0x3FFD];
	_ =	sdelay $0x3  }
0x9c: {  	_ =	strace s3  }
0x9d: {  	_ =	strace $0x8FFFFFFF  }
0x9e: {  	s18 =	sld [smem:$0x3FDB];
	_ =	sdelay $0x1  }
0x9f: {  	s19 =	simm.s32 $_scs_section_size  }
0xa0: {  	s5 =	simm.s32 $_size__tile_overlayer_lowered;
	s6 =	simm.s32 $_tile_overlayer_lowered  }
0xa1: {  	s22 =	simm.s32 $0x1BFF;
	s21 =	sshll.u32 s6, $0x1;
	s3 =	sadd.s32 s19, s18  }
0xa2: {  	s7 =	simm.s32 $0x0;
	s20 =	sshll.u32 s5, $0x1;
	s5 =	sadd.s32 s21, s3  }
0xa3: {  	[timem:s7], [sflag:s22] =	dma.local [hbm:s5], s20  }
0xa4: {  	_ =	swait.ge [sflag:s22], s20  }
0xa5: {  	s4 =	ssub.s32 $0x0, s20;
	[sflag:s22] =	ssyncset.done $0x0  }
0xa6: {  	[sflag:s22] =	ssyncadd.s32 s4;
	_ =	sdelay $0x1  }
0xa7: {  	s23 =	simm.s32 $0x1B8B  }
0xa8: {  	_ =	swait.ge [sflag:s23], $0x1  }
0xa9: {  	[sflag:s23] =	ssyncset.done $0x0  }
0xaa: {  	s25 =	simm.s32 $0x1B8E;
	s24 =	sld [smem:$0x3FFE];
	[sflag:s23] =	ssyncadd.s32 $0xFFFFFFFF  }
0xab: {  	s26 =	simm.s32 $execute0_lowered;
	[smem:$0x3FD2] =	sst s25  }
0xac: {  	s5 =	sshll.u32 s26, $0x1;
	_ =	strace $0x8000004C;
	[dreg:$0x1] =	wrdreg $0xFFFFFFFF  }
0xad: {  	s28 =	simm.s32 $_size_execute0_lowered;
	s3 =	sadd.s32 s3, s5;
	[dreg:$0x0] =	wrdreg $0x0  }
0xae: {  	s5 =	sshll.u32 s28, $0x1;
	[dreg:$0x2] =	wrdreg s3  }
0xaf: {  	[dreg:$0x3] =	wrdreg s5  }
0xb0: {  	[dreg:$0x4] =	wrdreg $0xC0  }
0xb1: {  	_ =	task [dreg:s7], $0x5FFFF  }
0xb2: {  	[dreg:$0x1] =	wrdreg $0xFFFFFFFF  }
0xb3: {  	[dreg:$0x0] =	wrdreg $0x60  }
0xb4: {  	[dreg:$0x2] =	wrdreg s24  }
0xb5: {  	[dreg:$0x3] =	wrdreg s16  }
0xb6: {  	[dreg:$0x4] =	wrdreg $0x82000  }
0xb7: {  	[dreg:$0x5] =	wrdreg $0x9  }
0xb8: {  	_ =	task.clear_ibuf [dreg:s7], $0x6FFFF;
	_ =	strace $0x9000004C  }
0xb9: {  	s29 =	simm.s32 $0x9;
	_ =	strace $0x8000004E  }
0xba: {  	_ =	swait.ge [sflag:s29], $0x1  }
0xbb: {  	[sflag:s29] =	ssyncadd.s32 $0xFFFFFFFF  }
0xbc: {  	_ =	strace $0x9000004E  }
0xbd: {  	_ =	sfence  }
0xbe: {  	s30 =	sld [smem:$0x0];
	_ =	sdelay $0x2  }
0xbf: {  	s31 =	sshll.u32 s1, $0xD;
	s1 =	sshrl.u32 s1, $0x2  }
0xc0: {  	s3 =	sand.u32 $0x4000, s31;
	s1 =	sadd.s32 s1, s30  }
0xc1: {  	s0 =	sor.u32 s3, s0;
	s1 =	sshll.u32 s1, $0x11  }
0xc2: {  	s0 =	sor.u32 s1, s0  }
0xc3: {  	s0 =	sadd.s32 $0x8F2B, s0  }
0xc4: {  	[sflag:s0] =	ssyncadd.remote.s32 $0x1  }
0xc5: {  	_ =	sfence.sel $0xFFFF  }
0xc6: {  	[dreg:$0x0] =	wrdreg $0xFFFFFFFF;
	(pc) =	sbr.abs _section_cstart, $3  }
0xc7: {  	[dreg:$0x1] =	wrdreg $0xFFFFFFFF  }
0xc8: {  	_ =	task.clear_ibuf [dreg:s7], $0x2FFFF;
	_ =	strace $0x9FFFFFFF  }
0xc9: {  	(tm) =	ssettm $0x7FFFFFFF  }
tec
execute0_lowered:
.L_overlay_start_1:
0x0: {  	(tag) =	ssettag $0x1  }
0x1: {  	s5 =	rddreg [dreg:$0x0]  }
0x2: {  	s2 =	rddreg [dreg:$0x1]  }
0x3: {  	s3 =	rddreg [dreg:$0x2]  }
0x4: {  	s0 =	srdreg.scid;
	s1 =	rddreg [dreg:$0x3];
	s4 =	simm.s32 $0x0  }
0x5: {  	s18 =	simm.s32 $0x100;
	s19 =	simm.s32 $0x2;
	s20 =	simm.s32 $0x4200  }
0x6: {  	s21 =	simm.s32 $0x3;
	s22 =	simm.s32 $0x1;
	s12 =	sand.u32 $0x1, s0  }
0x7: {  	s23 =	simm.s32 $0x4;
	s0 =	stileid.u32;
	s6 =	smul.u32 $0x13C000, s12  }
0x8: {  	s24 =	simm.s32 $0x180;
	s25 =	simm.s32 $0x0;
	s7 =	smul.u32 $0x13C00, s0  }
0x9: {  	[smem:$0x7FF] =	sst s4;
	s14 =	sadd.s32 $0xC000, s5;
	s26 =	smul.u32 $0x4F000, s0  }
0xa: {  	_ =	strace $0x8000004D;
	s28 =	sshll.u32 s0, $0x1;
	s16 =	smul.u32 $0x1400, s0  }
0xb: {  	s29 =	ssub.s32 $0x2, s12;
	s17 =	smul.u32 $0xA00, s12;
	s8 =	sor.u32 s12, s28  }
0xc: {  	s31 =	sshrl.u32 s29, $0x1;
	s6 =	sadd.s32 s7, s6;
	s9 =	smul.u32 $0xA00, s8  }
0xd: {  	s30 =	sshrl.u32 s26, $0x2;
	s15 =	ssub.s32 s29, s31;
	s6 =	sshrl.u32 s6, $0x3  }
0xe: {  	s13 =	sadd.s32 s6, s5;
	s5 =	sadd.s32 s30, s3;
	s9 =	sadd.s32 s14, s9  }
0xf: {  	s14 =	sadd.s32 s16, s14;
	s16 =	simm.s32 $0x5;
	s6 =	sadd.s32 $0x4000, s5  }
0x10: {  	s7 =	sadd.s32 $0x8000, s5;
	s8 =	sadd.s32 $0xC000, s5;
	s10 =	sadd.s32 $0x10000, s5  }
0x11: {  	s11 =	sadd.s32 $0x20, s9;
	s12 =	sadd.s32 $0x20200, s13;
	s13 =	smax.u32 s15, $0x1  }
0x12: {  	v0 =	vimm.f32 $0.0e+00;
	s14 =	sadd.s32 s17, s14;
	s15 =	simm.s32 $0x200;
	s17 =	simm.s32 $0x80  }
.LBB2_1:
0x13: {  	s26 =	simm.s32 $0x0;
	s28 =	simm.s32 $0x200  }
.LBB2_2:
0x14: {  	p0 =	sne.s32 s28, $0xFE00;
	[tilespmem:s26+$0x270] =	vst v0  }
0x15: {  	[tilespmem:s26+$0x200] =	vst v0  }
0x16: {  	[tilespmem:s26+$0x210] =	vst v0  }
.Ltmp0:
0x17: {  	[tilespmem:s26+$0x220] =	vst v0;
	(pc) =	sbr.rel @p0 .LBB2_2-.Ltmp0, $4  }
0x18: {  	[tilespmem:s26+$0x230] =	vst v0  }
0x19: {  	[tilespmem:s26+$0x240] =	vst v0  }
0x1a: {  	[tilespmem:s26+$0x250] =	vst v0  }
0x1b: {  	[tilespmem:s26+$0x260] =	vst v0;
	s26 =	sshra.s32 s28, $0x2;
	s28 =	sadd.s32 $0x200, s28  }
0x1c: {  	[tilespmem:s26+$0x270] =	vst v0  }
0x1d: {  	[tilespmem:s26+$0x200] =	vst v0  }
0x1e: {  	[tilespmem:s26+$0x210] =	vst v0  }
0x1f: {  	[tilespmem:s26+$0x220] =	vst v0  }
0x20: {  	[tilespmem:s26+$0x230] =	vst v0  }
0x21: {  	[tilespmem:s26+$0x240] =	vst v0  }
0x22: {  	[tilespmem:s26+$0x250] =	vst v0  }
0x23: {  	[tilespmem:s26+$0x260] =	vst v0  }
0x24: {  	[spmem:s5] =	stream.linear.scatter [tilespmem:s15], [sflag:$0x5], $0x4000, $0x38;
	[tilespmem:$0x1BE00] =	vst v63  }
0x25: {  	_ =	swait.ge [sflag:s16], $0x4000  }
0x26: {  	[sflag:s16] =	ssyncset.done $0x0  }
0x27: {  	[sflag:s16] =	ssyncadd.s32 $0xFFFFC000  }
0x28: {  	[spmem:s6] =	stream.linear.scatter [tilespmem:s15], [sflag:$0x5], $0x4000, $0x38;
	[tilespmem:$0x1BE00] =	vst v63  }
0x29: {  	_ =	swait.ge [sflag:s16], $0x4000  }
0x2a: {  	[sflag:s16] =	ssyncset.done $0x0  }
0x2b: {  	[sflag:s16] =	ssyncadd.s32 $0xFFFFC000  }
0x2c: {  	[spmem:s7] =	stream.linear.scatter [tilespmem:s15], [sflag:$0x5], $0x4000, $0x38;
	[tilespmem:$0x1BE00] =	vst v63  }
0x2d: {  	_ =	swait.ge [sflag:s16], $0x4000  }
0x2e: {  	[sflag:s16] =	ssyncset.done $0x0  }
0x2f: {  	[sflag:s16] =	ssyncadd.s32 $0xFFFFC000  }
0x30: {  	[spmem:s8] =	stream.linear.scatter [tilespmem:s15], [sflag:$0x5], $0x4000, $0x38;
	[tilespmem:$0x1BE00] =	vst v63  }
0x31: {  	_ =	swait.ge [sflag:s16], $0x4000  }
0x32: {  	[sflag:s16] =	ssyncset.done $0x0  }
0x33: {  	[sflag:s16] =	ssyncadd.s32 $0xFFFFC000  }
0x34: {  	[spmem:s10] =	stream.linear.scatter [tilespmem:s15], [sflag:$0x5], $0x3C00, $0x38;
	[tilespmem:$0x1BE00] =	vst v63  }
0x35: {  	_ =	swait.ge [sflag:s16], $0x3C00  }
0x36: {  	[sflag:s16] =	ssyncset.done $0x0  }
0x37: {  	[sflag:s16] =	ssyncadd.s32 $0xFFFFC400  }
0x38: {  	[tilespmem:s4], [sflag:$0x5] =	stream.linear.gather [hbm4b:s9+s4], $0x100, $0x38;
	[tilespmem:$0x1BE00] =	vst v63  }
0x39: {  	_ =	swait.ge [sflag:s16], $0x100  }
0x3a: {  	[sflag:s16] =	ssyncset.done $0x0  }
0x3b: {  	[sflag:s16] =	ssyncadd.s32 $0xFFFFFF00  }
0x3c: {  	[tilespmem:s15], [sflag:$0x3] =	stream.indirect.gather [hbm4b:s2+s17], $0x80, s4, s17, $0xb8;
	[tilespmem:$0x1BE00] =	vst v63  }
0x3d: {  	_ = 	snop  }
0x3e: {  	[tilespmem:s18], [sflag:$0x2] =	stream.linear.gather [hbm4b:s11+s4], $0x100, $0x38;
	[tilespmem:$0x1BE00] =	vst v63  }
0x3f: {  	[bflag:$0x0] =	sbarrier.arrive $0xFFFF  }
0x40: {  	_ =	swait.ge [sflag:s19], $0x100  }
0x41: {  	[sflag:s19] =	ssyncset.done $0x0  }
0x42: {  	[sflag:s19] =	ssyncadd.s32 $0xFFFFFF00  }
0x43: {  	[tilespmem:s20], [sflag:$0x4] =	stream.indirect.gather [hbm4b:s2+s17], $0x80, s18, s17, $0xb8;
	[tilespmem:$0x1BE00] =	vst v63  }
0x44: {  	_ =	swait.ge [sflag:s21], $0x4000  }
0x45: {  	[sflag:s21] =	ssyncset.done $0x0  }
0x46: {  	[sflag:s21] =	ssyncadd.s32 $0xFFFFC000  }
0x47: {  	[spmem:s3] =	stream.indirect.scatter.add.f32 [tilespmem:s15], [sflag:$0x5], $0x80, s17, s17, $0xb8;
	[tilespmem:$0x1BE00] =	vst v63  }
0x48: {  	_ =	swait.ge [sflag:s16], $0x4000  }
0x49: {  	s28 =	sadd.s32 $0xFFFFF600, s14;
	[sflag:s16] =	ssyncset.done $0x0  }
0x4a: {  	s31 =	sadd.s32 $0xA40, s28;
	[sflag:s16] =	ssyncadd.s32 $0xFFFFC000  }
0x4b: {  	[tilespmem:s4], [sflag:$0x1] =	stream.linear.gather [hbm4b:s31+s4], $0x100, $0x38;
	[tilespmem:$0x1BE00] =	vst v63  }
0x4c: {  	_ =	swait.ge [sflag:s22], $0x100  }
0x4d: {  	[sflag:s22] =	ssyncset.done $0x0  }
0x4e: {  	[sflag:s22] =	ssyncadd.s32 $0xFFFFFF00  }
0x4f: {  	[tilespmem:s15], [sflag:$0x3] =	stream.indirect.gather [hbm4b:s2+s17], $0x80, s4, s17, $0xb8;
	[tilespmem:$0x1BE00] =	vst v63  }
0x50: {  	_ =	swait.ge [sflag:s23], $0x4000  }
0x51: {  	[sflag:s23] =	ssyncset.done $0x0  }
0x52: {  	[sflag:s23] =	ssyncadd.s32 $0xFFFFC000  }
0x53: {  	[spmem:s3] =	stream.indirect.scatter.add.f32 [tilespmem:s20], [sflag:$0x5], $0x80, s24, s17, $0xb8;
	[tilespmem:$0x1BE00] =	vst v63  }
0x54: {  	_ =	swait.ge [sflag:s16], $0x4000  }
0x55: {  	[sflag:s16] =	ssyncset.done $0x0  }
0x56: {  	s26 =	simm.s32 $0xFFFFF640;
	s28 =	sadd.s32 $0xA60, s28;
	[sflag:s16] =	ssyncadd.s32 $0xFFFFC000  }
.LBB2_4:
0x57: {  	[tilespmem:s18], [sflag:$0x2] =	stream.linear.gather [hbm4b:s28+s4], $0x100, $0x38;
	[tilespmem:$0x1BE00] =	vst v63  }
0x58: {  	s28 =	smov.u32 s26  }
0x59: {  	p0 =	sne.s32 s26, $0xFFFFFFC0;
	s26 =	sadd.s32 $0x40, s26;
	_ =	swait.ge [sflag:s19], $0x100  }
0x5a: {  	[sflag:s19] =	ssyncset.done $0x0  }
0x5b: {  	[sflag:s19] =	ssyncadd.s32 $0xFFFFFF00  }
0x5c: {  	[tilespmem:s20], [sflag:$0x4] =	stream.indirect.gather [hbm4b:s2+s17], $0x80, s18, s17, $0xb8;
	[tilespmem:$0x1BE00] =	vst v63  }
0x5d: {  	_ =	swait.ge [sflag:s21], $0x4000  }
0x5e: {  	[sflag:s21] =	ssyncset.done $0x0  }
0x5f: {  	[sflag:s21] =	ssyncadd.s32 $0xFFFFC000  }
0x60: {  	[spmem:s3] =	stream.indirect.scatter.add.f32 [tilespmem:s15], [sflag:$0x5], $0x80, s17, s17, $0xb8;
	[tilespmem:$0x1BE00] =	vst v63  }
0x61: {  	_ =	swait.ge [sflag:s16], $0x4000  }
0x62: {  	s28 =	sadd.s32 s28, s14;
	[sflag:s16] =	ssyncset.done $0x0  }
0x63: {  	s29 =	sadd.s32 $0xA40, s28;
	[sflag:s16] =	ssyncadd.s32 $0xFFFFC000  }
0x64: {  	[tilespmem:s4], [sflag:$0x1] =	stream.linear.gather [hbm4b:s29+s4], $0x100, $0x38;
	[tilespmem:$0x1BE00] =	vst v63  }
0x65: {  	_ =	swait.ge [sflag:s22], $0x100  }
0x66: {  	[sflag:s22] =	ssyncset.done $0x0  }
0x67: {  	[sflag:s22] =	ssyncadd.s32 $0xFFFFFF00  }
0x68: {  	[tilespmem:s15], [sflag:$0x3] =	stream.indirect.gather [hbm4b:s2+s17], $0x80, s4, s17, $0xb8;
	[tilespmem:$0x1BE00] =	vst v63  }
0x69: {  	_ =	swait.ge [sflag:s23], $0x4000  }
0x6a: {  	[sflag:s23] =	ssyncset.done $0x0  }
.Ltmp1:
0x6b: {  	[sflag:s23] =	ssyncadd.s32 $0xFFFFC000;
	(pc) =	sbr.rel @p0 .LBB2_4-.Ltmp1, $4  }
0x6c: {  	[spmem:s3] =	stream.indirect.scatter.add.f32 [tilespmem:s20], [sflag:$0x5], $0x80, s24, s17, $0xb8;
	[tilespmem:$0x1BE00] =	vst v63  }
0x6d: {  	_ =	swait.ge [sflag:s16], $0x4000  }
0x6e: {  	[sflag:s16] =	ssyncset.done $0x0  }
0x6f: {  	s28 =	sadd.s32 $0xA60, s28;
	[sflag:s16] =	ssyncadd.s32 $0xFFFFC000  }
0x70: {  	[tilespmem:s18], [sflag:$0x2] =	stream.linear.gather [hbm4b:s28+s4], $0x100, $0x38;
	[tilespmem:$0x1BE00] =	vst v63  }
0x71: {  	_ =	swait.ge [sflag:s21], $0x4000  }
0x72: {  	[sflag:s21] =	ssyncset.done $0x0  }
0x73: {  	[sflag:s21] =	ssyncadd.s32 $0xFFFFC000  }
0x74: {  	_ =	swait.ge [sflag:s19], $0x100  }
0x75: {  	s26 =	sshll.u32 s0, $0x6;
	s25 =	sadd.s32 $0x1, s25;
	[sflag:s19] =	ssyncset.done $0x0  }
0x76: {  	s31 =	sshrl.u32 s5, $0x3;
	p0 =	sne.s32 s25, s13;
	[sflag:s19] =	ssyncadd.s32 $0xFFFFFF00  }
.Ltmp2:
0x77: {  	s26 =	sor.u32 $0x1C05, s26;
	[bflag:$0x0] =	sbarrier.arrive $0xFFFF;
	(pc) =	sbr.rel @p0 .LBB2_1-.Ltmp2, $4  }
0x78: {  	[hbm:s12], [sflag:s26] =	dma.local [spmem:s31], $0x2780  }
0x79: {  	_ =	swait.ge [sflag:s16], $0x2780  }
0x7a: {  	[sflag:s16] =	ssyncset.done $0x0  }
0x7b: {  	[sflag:s16] =	ssyncadd.s32 $0xFFFFD880  }
0x7c: {  	_ =	sfence.sel $0x180000  }
0x7d: {  	[bflag:$0x0] =	sbarrier.arrive $0xFFFF  }
0x7e: {  	p0 =	sne.s32 s0, $0x0;
	_ =	strace $0x9000004D  }
0x7f: {  	s0 =	sadd.s32 @!p0 $0x100000, s1;
	[bflag:$0x2] =	sbarrier.arrive $0xFFFF  }
0x80: {  	[sflag:s0] =	ssyncadd.tile.s32 @!p0 $0x1;
	_ =	shalt  }
.Lfunc_end2:
_tile_overlayer_lowered:
.L_overlay_start_2:
0x81: {  	(tag) =	ssettag $0x2  }
0x82: {  	s0 =	rddreg [dreg:$0x0];
	s2 =	stileid.u32  }
0x83: {  	s1 =	rddreg [dreg:$0x1];
	p0 =	sne.s32 s2, $0x0  }
0x84: {  	s3 =	rddreg [dreg:$0x2];
	[bflag:$0x3] =	sbarrier.arrive $0xFFFF;
	s2 =	simm.s32 @!p0 $0x1C05  }
0x85: {  	[timem:s3], [sflag:s2] =	dma.local @!p0 [hbm:s0], s1  }
0x86: {  	s0 =	simm.s32 @!p0 $0x5  }
0x87: {  	_ =	swait.ge @!p0 [sflag:s0], s1  }
0x88: {  	s1 =	ssub.s32 @!p0 $0x0, s1;
	[sflag:s0] =	ssyncset.done @!p0 $0x0  }
0x89: {  	[sflag:s0] =	ssyncadd.s32 @!p0 s1  }
0x8a: {  	[bflag:$0x3] =	sbarrier.arrive $0xFFFF  }
0x8b: {  	_ =	shalt  }

// kernel: kernel.19.cloned.1.call-start
scs
__scs_entry_jumppad:
0x0: {  	(pc) =	sbr.rel $0x88, $3  }
0x1: {  	(tag) =	ssettag $0x0;
	lr =	simm.s32 $0x1  }
0x2: {  	[smem:$0x3F92] =	sst lr;
	_ =	strace $0xD0000000  }
0x3: {  	_ = 	snop  }
0x4: {  	_ = 	snop  }
0x5: {  	_ = 	snop  }
0x6: {  	_ = 	snop  }
0x7: {  	_ = 	snop  }
__scs_overlays_trampoline_lowered:
0x8: {  	[smem:$0x3FA1] =	sst s0  }
0x9: {  	[smem:$0x3FA2] =	sst s1  }
0xa: {  	[smem:$0x3FA3] =	sst s2  }
0xb: {  	[smem:$0x3FA4] =	sst s3  }
0xc: {  	[smem:$0x3FA5] =	sst s4  }
0xd: {  	[smem:$0x3FA6] =	sst s5  }
0xe: {  	[smem:$0x3FA7] =	sst s6  }
0xf: {  	[smem:$0x3FA8] =	sst s7  }
0x10: {  	[smem:$0x3FA9] =	sst s8  }
0x11: {  	[smem:$0x3FAA] =	sst s9;
	s0 =	simm.s32 @!p0 $0x0  }
0x12: {  	s1 =	sld [smem:$0x3F90];
	s0 =	simm.s32 @p0 $0x1  }
0x13: {  	[smem:$0x3FAB] =	sst s0;
	s0 =	simm.s32 @!p1 $0x0  }
0x14: {  	s2 =	sld [smem:$0x3F8F];
	s0 =	simm.s32 @p1 $0x1  }
0x15: {  	[smem:$0x3FAC] =	sst s0;
	s0 =	simm.s32 @!p2 $0x0  }
0x16: {  	s3 =	sld [smem:$0x3FDB];
	s0 =	simm.s32 @p2 $0x1  }
0x17: {  	s4 =	simm.s32 $0x1BF5;
	[smem:$0x3FAE] =	sst s0  }
0x18: {  	s0 =	sld [smem:$0x3F91];
	_ =	swait.ge [sflag:s4], $0x0  }
0x19: {  	s7 =	sld [smem:$0x3F92]  }
0x1a: {  	s8 =	sadd.s32 $0xFFFFE003, lr  }
0x1b: {  	s9 =	sadd.s32 $0xFFFFFEF7, lr;
	s5 =	simm.s32 $0xFFFFFFFF;
	p2 =	slt.u32 s8, $0xFFFFF086  }
0x1c: {  	p1 =	slt.u32 s9, $0xF7A;
	s5 =	simm.s32 @!p2 $0x0  }
0x1d: {  	s5 =	simm.s32 @p1 $0x1;
	p0 =	seq.s32 s7, s2  }
0x1e: {  	s7 =	smul.u32 @!p0 $0xF7A, s2;
	p2 =	seq.s32 @!p0 s5, $0x0  }
0x1f: {  	s9 =	smul.u32 $0xF7A, s1;
	s8 =	simm.s32 @!p0 $0x1BF5;
	p2 =	por !p2, p0  }
0x20: {  	[sflag:s8] =	ssyncset.s32 @!p0 $0xFFFFF086;
	s6 =	sadd.s32 @!p0 s3, s7;
	s7 =	simm.s32 @!p0 $0x108  }
0x21: {  	s3 =	sadd.s32 s3, s9;
	s6 =	sadd.s32 @!p0 $0x88, s6;
	s7 =	simm.s32 @p2 $0x1082  }
0x22: {  	[simem:s7], [sflag:s8] =	dma.local @!p0 [hbm:s6], $0xF7A  }
0x23: {  	s9 =	sor.u32 $0xD0000000, s2;
	s6 =	simm.s32 $0x108;
	_ =	swait.ge @!p0 [sflag:s8], $0x0  }
0x24: {  	s3 =	sadd.s32 $0x88, s3;
	s6 =	simm.s32 @!p1 $0x1082;
	[sflag:s4] =	ssyncset.s32 $0xFFFFF086  }
0x25: {  	[simem:s6], [sflag:s4] =	dma.local [hbm:s3], $0xF7A  }
0x26: {  	[smem:$0x3F92] =	sst s1;
	(tag) =	ssettag s2;
	_ =	strace s9  }
0x27: {  	s1 =	sld [smem:$0x3FA2]  }
0x28: {  	s2 =	sld [smem:$0x3FA3]  }
0x29: {  	s4 =	sld [smem:$0x3FA5]  }
0x2a: {  	p0 =	seq.s32 s5, $0x0;
	s5 =	sld [smem:$0x3FA6]  }
0x2b: {  	s6 =	sld [smem:$0x3FA7]  }
0x2c: {  	s7 =	sld [smem:$0x3FA8]  }
0x2d: {  	s3 =	simm.s32 $0x108;
	s8 =	sld [smem:$0x3FA9]  }
0x2e: {  	s3 =	simm.s32 @!p0 $0x1082;
	s9 =	sld [smem:$0x3FAA]  }
0x2f: {  	lr =	sadd.s32 s0, s3;
	s0 =	sld [smem:$0x3FA1]  }
0x30: {  	s3 =	sld [smem:$0x3FA4]  }
0x31: {  	[smem:$0x3FAD] =	sst s10  }
0x32: {  	s10 =	sld [smem:$0x3FAB];
	_ =	sdelay $0x3  }
0x33: {  	p0 =	seq.s32 s10, $0x1;
	s10 =	sld [smem:$0x3FAD];
	_ =	sdelay $0x3  }
0x34: {  	[smem:$0x3FAD] =	sst s10  }
0x35: {  	s10 =	sld [smem:$0x3FAC];
	_ =	sdelay $0x3  }
0x36: {  	p1 =	seq.s32 s10, $0x1;
	s10 =	sld [smem:$0x3FAD];
	_ =	sdelay $0x3  }
0x37: {  	[smem:$0x3FAD] =	sst s10  }
0x38: {  	s10 =	sld [smem:$0x3FAE]  }
0x39: {  	_ = 	snop;
	(pc) =	sbr.ind lr, $3  }
0x3a: {  	_ = 	snop  }
0x3b: {  	_ = 	snop  }
0x3c: {  	p2 =	seq.s32 s10, $0x1;
	s10 =	sld [smem:$0x3FAD]  }
0x3d: {  	_ =	shalt  }
0x3e: {  	_ =	shalt  }
0x3f: {  	_ =	shalt  }
0x40: {  	_ =	shalt  }
0x41: {  	_ =	shalt  }
0x42: {  	_ =	shalt  }
0x43: {  	_ =	shalt  }
0x44: {  	_ =	shalt  }
0x45: {  	_ =	shalt  }
0x46: {  	_ =	shalt  }
0x47: {  	_ =	shalt  }
0x48: {  	_ =	shalt  }
0x49: {  	_ =	shalt  }
0x4a: {  	_ =	shalt  }
0x4b: {  	_ =	shalt  }
0x4c: {  	_ =	shalt  }
0x4d: {  	_ =	shalt  }
0x4e: {  	_ =	shalt  }
0x4f: {  	_ =	shalt  }
0x50: {  	_ =	shalt  }
0x51: {  	_ =	shalt  }
0x52: {  	_ =	shalt  }
0x53: {  	_ =	shalt  }
0x54: {  	_ =	shalt  }
0x55: {  	_ =	shalt  }
0x56: {  	_ =	shalt  }
0x57: {  	_ =	shalt  }
0x58: {  	_ =	shalt  }
0x59: {  	_ =	shalt  }
0x5a: {  	_ =	shalt  }
0x5b: {  	_ =	shalt  }
0x5c: {  	_ =	shalt  }
0x5d: {  	_ =	shalt  }
0x5e: {  	_ =	shalt  }
0x5f: {  	_ =	shalt  }
0x60: {  	_ =	shalt  }
0x61: {  	_ =	shalt  }
0x62: {  	_ =	shalt  }
0x63: {  	_ =	shalt  }
0x64: {  	_ =	shalt  }
0x65: {  	_ =	shalt  }
0x66: {  	_ =	shalt  }
0x67: {  	_ =	shalt  }
0x68: {  	_ =	shalt  }
0x69: {  	_ =	shalt  }
0x6a: {  	_ =	shalt  }
0x6b: {  	_ =	shalt  }
0x6c: {  	_ =	shalt  }
0x6d: {  	_ =	shalt  }
0x6e: {  	_ =	shalt  }
0x6f: {  	_ =	shalt  }
0x70: {  	_ =	shalt  }
0x71: {  	_ =	shalt  }
0x72: {  	_ =	shalt  }
0x73: {  	_ =	shalt  }
0x74: {  	_ =	shalt  }
0x75: {  	_ =	shalt  }
0x76: {  	_ =	shalt  }
0x77: {  	_ =	shalt  }
0x78: {  	_ =	shalt  }
0x79: {  	_ =	shalt  }
0x7a: {  	_ =	shalt  }
0x7b: {  	_ =	shalt  }
0x7c: {  	_ =	shalt  }
0x7d: {  	_ =	shalt  }
0x7e: {  	_ =	shalt  }
0x7f: {  	_ =	shalt  }
0x80: {  	_ =	shalt  }
0x81: {  	_ =	shalt  }
0x82: {  	_ =	shalt  }
0x83: {  	_ =	shalt  }
0x84: {  	_ =	shalt  }
0x85: {  	_ =	shalt  }
0x86: {  	_ =	shalt  }
0x87: {  	_ =	shalt  }
.Lfunc_end0:
.L_simem_size_0:
called_computation.3_lowered:
.L_overlay_start_0:
0x88: {  	s2 =	sld [smem:$0x3FD9]  }
0x89: {  	s3 =	sld [smem:$0x3FFE];
	_ =	sdelay $0x1  }
0x8a: {  	s1 =	srdreg.scid  }
0x8b: {  	s0 =	sand.u32 $0x1, s1  }
0x8c: {  	s14 =	sshll.u32 s0, $0xA;
	s2 =	sadd.s32 s3, s2  }
0x8d: {  	s2 =	sadd.s32 s2, s14  }
0x8e: {  	[smem:$0x3FB9] =	sst s2  }
0x8f: {  	_ = 	snop  }
0x90: {  	s2 =	sld [smem:$0x3FD0];
	_ =	sdelay $0x2  }
0x91: {  	s15 =	simm.s32 $0xA;
	s4 =	simm.s32 $0x10  }
0x92: {  	[smem:s4], [sflag:s15] =	dma.local [hbm:s2], $0x1  }
0x93: {  	_ =	swait.eq [sflag:s15], $0x1  }
0x94: {  	[sflag:s15] =	ssyncset.done $0x0  }
0x95: {  	[sflag:s15] =	ssyncadd.s32 $0xFFFFFFFF  }
0x96: {  	s16 =	sld [smem:$0x13];
	(tm) =	ssettm $0x1  }
0x97: {  	s17 =	sld [smem:$0x3FFB];
	_ =	sdelay $0x3  }
0x98: {  	_ =	strace s17  }
0x99: {  	s3 =	sld [smem:$0x3FFC];
	_ =	sdelay $0x3  }
0x9a: {  	_ =	strace s3  }
0x9b: {  	s3 =	sld [smem:$0x3FFD];
	_ =	sdelay $0x3  }
0x9c: {  	_ =	strace s3  }
0x9d: {  	_ =	strace $0x8FFFFFFF  }
0x9e: {  	s18 =	sld [smem:$0x3FDB];
	_ =	sdelay $0x1  }
0x9f: {  	s19 =	simm.s32 $_scs_section_size  }
0xa0: {  	s5 =	simm.s32 $_size__tile_overlayer_lowered;
	s6 =	simm.s32 $_tile_overlayer_lowered  }
0xa1: {  	s22 =	simm.s32 $0x1BFF;
	s21 =	sshll.u32 s6, $0x1;
	s3 =	sadd.s32 s19, s18  }
0xa2: {  	s7 =	simm.s32 $0x0;
	s20 =	sshll.u32 s5, $0x1;
	s5 =	sadd.s32 s21, s3  }
0xa3: {  	[timem:s7], [sflag:s22] =	dma.local [hbm:s5], s20  }
0xa4: {  	_ =	swait.ge [sflag:s22], s20  }
0xa5: {  	s4 =	ssub.s32 $0x0, s20;
	[sflag:s22] =	ssyncset.done $0x0  }
0xa6: {  	[sflag:s22] =	ssyncadd.s32 s4;
	_ =	sdelay $0x1  }
0xa7: {  	s23 =	simm.s32 $0x1B8B  }
0xa8: {  	_ =	swait.ge [sflag:s23], $0x1  }
0xa9: {  	[sflag:s23] =	ssyncset.done $0x0  }
0xaa: {  	s25 =	simm.s32 $0x1B8E;
	s24 =	sld [smem:$0x3FFE];
	[sflag:s23] =	ssyncadd.s32 $0xFFFFFFFF  }
0xab: {  	s26 =	simm.s32 $execute0_lowered;
	[smem:$0x3FD2] =	sst s25  }
0xac: {  	s5 =	sshll.u32 s26, $0x1;
	_ =	strace $0x8000004F;
	[dreg:$0x1] =	wrdreg $0xFFFFFFFF  }
0xad: {  	s28 =	simm.s32 $_size_execute0_lowered;
	s3 =	sadd.s32 s3, s5;
	[dreg:$0x0] =	wrdreg $0x0  }
0xae: {  	s5 =	sshll.u32 s28, $0x1;
	[dreg:$0x2] =	wrdreg s3  }
0xaf: {  	[dreg:$0x3] =	wrdreg s5  }
0xb0: {  	[dreg:$0x4] =	wrdreg $0xC0  }
0xb1: {  	_ =	task [dreg:s7], $0x5FFFF  }
0xb2: {  	[dreg:$0x1] =	wrdreg $0xFFFFFFFF  }
0xb3: {  	[dreg:$0x0] =	wrdreg $0x60  }
0xb4: {  	[dreg:$0x2] =	wrdreg s24  }
0xb5: {  	[dreg:$0x3] =	wrdreg s16  }
0xb6: {  	[dreg:$0x4] =	wrdreg $0x82000  }
0xb7: {  	[dreg:$0x5] =	wrdreg $0x9  }
0xb8: {  	_ =	task.clear_ibuf [dreg:s7], $0x6FFFF;
	_ =	strace $0x9000004F  }
0xb9: {  	s29 =	simm.s32 $0x9;
	_ =	strace $0x80000051  }
0xba: {  	_ =	swait.ge [sflag:s29], $0x1  }
0xbb: {  	[sflag:s29] =	ssyncadd.s32 $0xFFFFFFFF  }
0xbc: {  	_ =	strace $0x90000051  }
0xbd: {  	_ =	sfence  }
0xbe: {  	s30 =	sld [smem:$0x0];
	_ =	sdelay $0x2  }
0xbf: {  	s31 =	sshll.u32 s1, $0xD;
	s1 =	sshrl.u32 s1, $0x2  }
0xc0: {  	s3 =	sand.u32 $0x4000, s31;
	s1 =	sadd.s32 s1, s30  }
0xc1: {  	s0 =	sor.u32 s3, s0;
	s1 =	sshll.u32 s1, $0x11  }
0xc2: {  	s0 =	sor.u32 s1, s0  }
0xc3: {  	s0 =	sadd.s32 $0x8F2B, s0  }
0xc4: {  	[sflag:s0] =	ssyncadd.remote.s32 $0x1  }
0xc5: {  	_ =	sfence.sel $0xFFFF  }
0xc6: {  	[dreg:$0x0] =	wrdreg $0xFFFFFFFF;
	(pc) =	sbr.abs _section_cstart, $3  }
0xc7: {  	[dreg:$0x1] =	wrdreg $0xFFFFFFFF  }
0xc8: {  	_ =	task.clear_ibuf [dreg:s7], $0x2FFFF;
	_ =	strace $0x9FFFFFFF  }
0xc9: {  	(tm) =	ssettm $0x7FFFFFFF  }
tec
execute0_lowered:
.L_overlay_start_1:
0x0: {  	(tag) =	ssettag $0x1  }
0x1: {  	s5 =	rddreg [dreg:$0x0]  }
0x2: {  	s2 =	rddreg [dreg:$0x1]  }
0x3: {  	s3 =	rddreg [dreg:$0x2]  }
0x4: {  	s0 =	srdreg.scid;
	s1 =	rddreg [dreg:$0x3];
	s4 =	simm.s32 $0x0  }
0x5: {  	s18 =	simm.s32 $0x100;
	s19 =	simm.s32 $0x2;
	s20 =	simm.s32 $0x4200  }
0x6: {  	s21 =	simm.s32 $0x3;
	s22 =	simm.s32 $0x1;
	s12 =	sand.u32 $0x1, s0  }
0x7: {  	s23 =	simm.s32 $0x4;
	s0 =	stileid.u32;
	s6 =	smul.u32 $0x13C000, s12  }
0x8: {  	s24 =	simm.s32 $0x180;
	s25 =	simm.s32 $0x0;
	s7 =	smul.u32 $0x13C00, s0  }
0x9: {  	[smem:$0x7FF] =	sst s4;
	s14 =	sadd.s32 $0xC000, s5;
	s26 =	smul.u32 $0x4F000, s0  }
0xa: {  	_ =	strace $0x80000050;
	s28 =	sshll.u32 s0, $0x1;
	s16 =	smul.u32 $0x1400, s0  }
0xb: {  	s29 =	ssub.s32 $0x2, s12;
	s17 =	smul.u32 $0xA00, s12;
	s8 =	sor.u32 s12, s28  }
0xc: {  	s31 =	sshrl.u32 s29, $0x1;
	s6 =	sadd.s32 s7, s6;
	s9 =	smul.u32 $0xA00, s8  }
0xd: {  	s30 =	sshrl.u32 s26, $0x2;
	s15 =	ssub.s32 s29, s31;
	s6 =	sshrl.u32 s6, $0x3  }
0xe: {  	s13 =	sadd.s32 s6, s5;
	s5 =	sadd.s32 s30, s3;
	s9 =	sadd.s32 s14, s9  }
0xf: {  	s14 =	sadd.s32 s16, s14;
	s16 =	simm.s32 $0x5;
	s6 =	sadd.s32 $0x4000, s5  }
0x10: {  	s7 =	sadd.s32 $0x8000, s5;
	s8 =	sadd.s32 $0xC000, s5;
	s10 =	sadd.s32 $0x10000, s5  }
0x11: {  	s11 =	sadd.s32 $0x20, s9;
	s12 =	sadd.s32 $0x20200, s13;
	s13 =	smax.u32 s15, $0x1  }
0x12: {  	v0 =	vimm.f32 $0.0e+00;
	s14 =	sadd.s32 s17, s14;
	s15 =	simm.s32 $0x200;
	s17 =	simm.s32 $0x80  }
.LBB2_1:
0x13: {  	s26 =	simm.s32 $0x0;
	s28 =	simm.s32 $0x200  }
.LBB2_2:
0x14: {  	p0 =	sne.s32 s28, $0xFE00;
	[tilespmem:s26+$0x270] =	vst v0  }
0x15: {  	[tilespmem:s26+$0x200] =	vst v0  }
0x16: {  	[tilespmem:s26+$0x210] =	vst v0  }
.Ltmp0:
0x17: {  	[tilespmem:s26+$0x220] =	vst v0;
	(pc) =	sbr.rel @p0 .LBB2_2-.Ltmp0, $4  }
0x18: {  	[tilespmem:s26+$0x230] =	vst v0  }
0x19: {  	[tilespmem:s26+$0x240] =	vst v0  }
0x1a: {  	[tilespmem:s26+$0x250] =	vst v0  }
0x1b: {  	[tilespmem:s26+$0x260] =	vst v0;
	s26 =	sshra.s32 s28, $0x2;
	s28 =	sadd.s32 $0x200, s28  }
0x1c: {  	[tilespmem:s26+$0x270] =	vst v0  }
0x1d: {  	[tilespmem:s26+$0x200] =	vst v0  }
0x1e: {  	[tilespmem:s26+$0x210] =	vst v0  }
0x1f: {  	[tilespmem:s26+$0x220] =	vst v0  }
0x20: {  	[tilespmem:s26+$0x230] =	vst v0  }
0x21: {  	[tilespmem:s26+$0x240] =	vst v0  }
0x22: {  	[tilespmem:s26+$0x250] =	vst v0  }
0x23: {  	[tilespmem:s26+$0x260] =	vst v0  }
0x24: {  	[spmem:s5] =	stream.linear.scatter [tilespmem:s15], [sflag:$0x5], $0x4000, $0x38;
	[tilespmem:$0x1BE00] =	vst v63  }
0x25: {  	_ =	swait.ge [sflag:s16], $0x4000  }
0x26: {  	[sflag:s16] =	ssyncset.done $0x0  }
0x27: {  	[sflag:s16] =	ssyncadd.s32 $0xFFFFC000  }
0x28: {  	[spmem:s6] =	stream.linear.scatter [tilespmem:s15], [sflag:$0x5], $0x4000, $0x38;
	[tilespmem:$0x1BE00] =	vst v63  }
0x29: {  	_ =	swait.ge [sflag:s16], $0x4000  }
0x2a: {  	[sflag:s16] =	ssyncset.done $0x0  }
0x2b: {  	[sflag:s16] =	ssyncadd.s32 $0xFFFFC000  }
0x2c: {  	[spmem:s7] =	stream.linear.scatter [tilespmem:s15], [sflag:$0x5], $0x4000, $0x38;
	[tilespmem:$0x1BE00] =	vst v63  }
0x2d: {  	_ =	swait.ge [sflag:s16], $0x4000  }
0x2e: {  	[sflag:s16] =	ssyncset.done $0x0  }
0x2f: {  	[sflag:s16] =	ssyncadd.s32 $0xFFFFC000  }
0x30: {  	[spmem:s8] =	stream.linear.scatter [tilespmem:s15], [sflag:$0x5], $0x4000, $0x38;
	[tilespmem:$0x1BE00] =	vst v63  }
0x31: {  	_ =	swait.ge [sflag:s16], $0x4000  }
0x32: {  	[sflag:s16] =	ssyncset.done $0x0  }
0x33: {  	[sflag:s16] =	ssyncadd.s32 $0xFFFFC000  }
0x34: {  	[spmem:s10] =	stream.linear.scatter [tilespmem:s15], [sflag:$0x5], $0x3C00, $0x38;
	[tilespmem:$0x1BE00] =	vst v63  }
0x35: {  	_ =	swait.ge [sflag:s16], $0x3C00  }
0x36: {  	[sflag:s16] =	ssyncset.done $0x0  }
0x37: {  	[sflag:s16] =	ssyncadd.s32 $0xFFFFC400  }
0x38: {  	[tilespmem:s4], [sflag:$0x5] =	stream.linear.gather [hbm4b:s9+s4], $0x100, $0x38;
	[tilespmem:$0x1BE00] =	vst v63  }
0x39: {  	_ =	swait.ge [sflag:s16], $0x100  }
0x3a: {  	[sflag:s16] =	ssyncset.done $0x0  }
0x3b: {  	[sflag:s16] =	ssyncadd.s32 $0xFFFFFF00  }
0x3c: {  	[tilespmem:s15], [sflag:$0x3] =	stream.indirect.gather [hbm4b:s2+s17], $0x80, s4, s17, $0xb8;
	[tilespmem:$0x1BE00] =	vst v63  }
0x3d: {  	_ = 	snop  }
0x3e: {  	[tilespmem:s18], [sflag:$0x2] =	stream.linear.gather [hbm4b:s11+s4], $0x100, $0x38;
	[tilespmem:$0x1BE00] =	vst v63  }
0x3f: {  	[bflag:$0x0] =	sbarrier.arrive $0xFFFF  }
0x40: {  	_ =	swait.ge [sflag:s19], $0x100  }
0x41: {  	[sflag:s19] =	ssyncset.done $0x0  }
0x42: {  	[sflag:s19] =	ssyncadd.s32 $0xFFFFFF00  }
0x43: {  	[tilespmem:s20], [sflag:$0x4] =	stream.indirect.gather [hbm4b:s2+s17], $0x80, s18, s17, $0xb8;
	[tilespmem:$0x1BE00] =	vst v63  }
0x44: {  	_ =	swait.ge [sflag:s21], $0x4000  }
0x45: {  	[sflag:s21] =	ssyncset.done $0x0  }
0x46: {  	[sflag:s21] =	ssyncadd.s32 $0xFFFFC000  }
0x47: {  	[spmem:s3] =	stream.indirect.scatter.add.f32 [tilespmem:s15], [sflag:$0x5], $0x80, s17, s17, $0xb8;
	[tilespmem:$0x1BE00] =	vst v63  }
0x48: {  	_ =	swait.ge [sflag:s16], $0x4000  }
0x49: {  	s28 =	sadd.s32 $0xFFFFF600, s14;
	[sflag:s16] =	ssyncset.done $0x0  }
0x4a: {  	s31 =	sadd.s32 $0xA40, s28;
	[sflag:s16] =	ssyncadd.s32 $0xFFFFC000  }
0x4b: {  	[tilespmem:s4], [sflag:$0x1] =	stream.linear.gather [hbm4b:s31+s4], $0x100, $0x38;
	[tilespmem:$0x1BE00] =	vst v63  }
0x4c: {  	_ =	swait.ge [sflag:s22], $0x100  }
0x4d: {  	[sflag:s22] =	ssyncset.done $0x0  }
0x4e: {  	[sflag:s22] =	ssyncadd.s32 $0xFFFFFF00  }
0x4f: {  	[tilespmem:s15], [sflag:$0x3] =	stream.indirect.gather [hbm4b:s2+s17], $0x80, s4, s17, $0xb8;
	[tilespmem:$0x1BE00] =	vst v63  }
0x50: {  	_ =	swait.ge [sflag:s23], $0x4000  }
0x51: {  	[sflag:s23] =	ssyncset.done $0x0  }
0x52: {  	[sflag:s23] =	ssyncadd.s32 $0xFFFFC000  }
0x53: {  	[spmem:s3] =	stream.indirect.scatter.add.f32 [tilespmem:s20], [sflag:$0x5], $0x80, s24, s17, $0xb8;
	[tilespmem:$0x1BE00] =	vst v63  }
0x54: {  	_ =	swait.ge [sflag:s16], $0x4000  }
0x55: {  	[sflag:s16] =	ssyncset.done $0x0  }
0x56: {  	s26 =	simm.s32 $0xFFFFF640;
	s28 =	sadd.s32 $0xA60, s28;
	[sflag:s16] =	ssyncadd.s32 $0xFFFFC000  }
.LBB2_4:
0x57: {  	[tilespmem:s18], [sflag:$0x2] =	stream.linear.gather [hbm4b:s28+s4], $0x100, $0x38;
	[tilespmem:$0x1BE00] =	vst v63  }
0x58: {  	s28 =	smov.u32 s26  }
0x59: {  	p0 =	sne.s32 s26, $0xFFFFFFC0;
	s26 =	sadd.s32 $0x40, s26;
	_ =	swait.ge [sflag:s19], $0x100  }
0x5a: {  	[sflag:s19] =	ssyncset.done $0x0  }
0x5b: {  	[sflag:s19] =	ssyncadd.s32 $0xFFFFFF00  }
0x5c: {  	[tilespmem:s20], [sflag:$0x4] =	stream.indirect.gather [hbm4b:s2+s17], $0x80, s18, s17, $0xb8;
	[tilespmem:$0x1BE00] =	vst v63  }
0x5d: {  	_ =	swait.ge [sflag:s21], $0x4000  }
0x5e: {  	[sflag:s21] =	ssyncset.done $0x0  }
0x5f: {  	[sflag:s21] =	ssyncadd.s32 $0xFFFFC000  }
0x60: {  	[spmem:s3] =	stream.indirect.scatter.add.f32 [tilespmem:s15], [sflag:$0x5], $0x80, s17, s17, $0xb8;
	[tilespmem:$0x1BE00] =	vst v63  }
0x61: {  	_ =	swait.ge [sflag:s16], $0x4000  }
0x62: {  	s28 =	sadd.s32 s28, s14;
	[sflag:s16] =	ssyncset.done $0x0  }
0x63: {  	s29 =	sadd.s32 $0xA40, s28;
	[sflag:s16] =	ssyncadd.s32 $0xFFFFC000  }
0x64: {  	[tilespmem:s4], [sflag:$0x1] =	stream.linear.gather [hbm4b:s29+s4], $0x100, $0x38;
	[tilespmem:$0x1BE00] =	vst v63  }
0x65: {  	_ =	swait.ge [sflag:s22], $0x100  }
0x66: {  	[sflag:s22] =	ssyncset.done $0x0  }
0x67: {  	[sflag:s22] =	ssyncadd.s32 $0xFFFFFF00  }
0x68: {  	[tilespmem:s15], [sflag:$0x3] =	stream.indirect.gather [hbm4b:s2+s17], $0x80, s4, s17, $0xb8;
	[tilespmem:$0x1BE00] =	vst v63  }
0x69: {  	_ =	swait.ge [sflag:s23], $0x4000  }
0x6a: {  	[sflag:s23] =	ssyncset.done $0x0  }
.Ltmp1:
0x6b: {  	[sflag:s23] =	ssyncadd.s32 $0xFFFFC000;
	(pc) =	sbr.rel @p0 .LBB2_4-.Ltmp1, $4  }
0x6c: {  	[spmem:s3] =	stream.indirect.scatter.add.f32 [tilespmem:s20], [sflag:$0x5], $0x80, s24, s17, $0xb8;
	[tilespmem:$0x1BE00] =	vst v63  }
0x6d: {  	_ =	swait.ge [sflag:s16], $0x4000  }
0x6e: {  	[sflag:s16] =	ssyncset.done $0x0  }
0x6f: {  	s28 =	sadd.s32 $0xA60, s28;
	[sflag:s16] =	ssyncadd.s32 $0xFFFFC000  }
0x70: {  	[tilespmem:s18], [sflag:$0x2] =	stream.linear.gather [hbm4b:s28+s4], $0x100, $0x38;
	[tilespmem:$0x1BE00] =	vst v63  }
0x71: {  	_ =	swait.ge [sflag:s21], $0x4000  }
0x72: {  	[sflag:s21] =	ssyncset.done $0x0  }
0x73: {  	[sflag:s21] =	ssyncadd.s32 $0xFFFFC000  }
0x74: {  	_ =	swait.ge [sflag:s19], $0x100  }
0x75: {  	s26 =	sshll.u32 s0, $0x6;
	s25 =	sadd.s32 $0x1, s25;
	[sflag:s19] =	ssyncset.done $0x0  }
0x76: {  	s31 =	sshrl.u32 s5, $0x3;
	p0 =	sne.s32 s25, s13;
	[sflag:s19] =	ssyncadd.s32 $0xFFFFFF00  }
.Ltmp2:
0x77: {  	s26 =	sor.u32 $0x1C05, s26;
	[bflag:$0x0] =	sbarrier.arrive $0xFFFF;
	(pc) =	sbr.rel @p0 .LBB2_1-.Ltmp2, $4  }
0x78: {  	[hbm:s12], [sflag:s26] =	dma.local [spmem:s31], $0x2780  }
0x79: {  	_ =	swait.ge [sflag:s16], $0x2780  }
0x7a: {  	[sflag:s16] =	ssyncset.done $0x0  }
0x7b: {  	[sflag:s16] =	ssyncadd.s32 $0xFFFFD880  }
0x7c: {  	_ =	sfence.sel $0x180000  }
0x7d: {  	[bflag:$0x0] =	sbarrier.arrive $0xFFFF  }
0x7e: {  	p0 =	sne.s32 s0, $0x0;
	_ =	strace $0x90000050  }
0x7f: {  	s0 =	sadd.s32 @!p0 $0x100000, s1;
	[bflag:$0x2] =	sbarrier.arrive $0xFFFF  }
0x80: {  	[sflag:s0] =	ssyncadd.tile.s32 @!p0 $0x1;
	_ =	shalt  }
.Lfunc_end2:
_tile_overlayer_lowered:
.L_overlay_start_2:
0x81: {  	(tag) =	ssettag $0x2  }
0x82: {  	s0 =	rddreg [dreg:$0x0];
	s2 =	stileid.u32  }
0x83: {  	s1 =	rddreg [dreg:$0x1];
	p0 =	sne.s32 s2, $0x0  }
0x84: {  	s3 =	rddreg [dreg:$0x2];
	[bflag:$0x3] =	sbarrier.arrive $0xFFFF;
	s2 =	simm.s32 @!p0 $0x1C05  }
0x85: {  	[timem:s3], [sflag:s2] =	dma.local @!p0 [hbm:s0], s1  }
0x86: {  	s0 =	simm.s32 @!p0 $0x5  }
0x87: {  	_ =	swait.ge @!p0 [sflag:s0], s1  }
0x88: {  	s1 =	ssub.s32 @!p0 $0x0, s1;
	[sflag:s0] =	ssyncset.done @!p0 $0x0  }
0x89: {  	[sflag:s0] =	ssyncadd.s32 @!p0 s1  }
0x8a: {  	[bflag:$0x3] =	sbarrier.arrive $0xFFFF  }
0x8b: {  	_ =	shalt  }

</sc_bundles>
